<compile_context>
chip_gen: v7x
topology: tpu7x:2x2x1
jax: 0.10.2.dev20260603
libtpu: 0.0.44.dev20260713+nightly
codegen_flags: <defaults>
</compile_context>

<pallas_src>
import functools

import jax
import jax.numpy as jnp
from jax import lax
from jax.experimental import pallas as pl
from jax.experimental.pallas import tpu as pltpu
from jax.experimental.pallas import tpu_sc as plsc

_D = 768
_F = 3072
_E = 8
_S = 2048
_TILE = 256
_TMAX = 24
_CAP = _TMAX * _TILE
_FBLK = 1024
_NF = _F // _FBLK
_NW = 32
_TPW = _S // _NW
_LANES = 16


def _gelu(x):
    sqrt_2_pi = 0.7978845608028654
    coef = 0.044715
    x3 = x ** 3
    inner = sqrt_2_pi * (x + coef * x3)
    return 0.5 * x * (1.0 + jnp.tanh(inner))


def _router_kernel(x_ref, w1_ref, b1_ref, lns_ref, lnb_ref, w2_ref, b2_ref,
                   pos0_ref, pos1_ref, w0_ref, w1o_ref, meta_ref):
    x = x_ref[...]
    h = jnp.dot(x, w1_ref[...], preferred_element_type=jnp.float32)
    h = h + b1_ref[...]
    mean = jnp.mean(h, axis=-1, keepdims=True)
    var = jnp.mean(jnp.square(h - mean), axis=-1, keepdims=True)
    h = (h - mean) * lax.rsqrt(var + 1e-6) * lns_ref[...] + lnb_ref[...]
    h = _gelu(h)
    logits = jnp.dot(h, w2_ref[...], preferred_element_type=jnp.float32)
    logits = logits + b2_ref[...]
    lmax = jnp.max(logits, axis=-1, keepdims=True)
    ex = jnp.exp(logits - lmax)
    p = ex / jnp.sum(ex, axis=-1, keepdims=True)

    s, e = p.shape
    ei = lax.broadcasted_iota(jnp.int32, (s, e), 1)
    m1 = jnp.max(p, axis=-1, keepdims=True)
    i1 = jnp.min(jnp.where(p == m1, ei, e), axis=-1, keepdims=True)
    oh1 = ei == i1
    pm = jnp.where(oh1, -jnp.inf, p)
    m2 = jnp.max(pm, axis=-1, keepdims=True)
    i2 = jnp.min(jnp.where(pm == m2, ei, e), axis=-1, keepdims=True)
    oh2 = ei == i2
    denom = m1 + m2
    w0_ref[...] = jnp.broadcast_to(m1 / denom, (s, _LANES))
    w1o_ref[...] = jnp.broadcast_to(m2 / denom, (s, _LANES))

    m01 = jnp.where(oh1 | oh2, 1.0, 0.0)
    l1 = lax.broadcasted_iota(jnp.int32, (128, 128), 0)
    l2 = lax.broadcasted_iota(jnp.int32, (128, 128), 1)
    ltri = jnp.where(l2 <= l1, 1.0, 0.0)
    nchunk = s // 128
    parts = []
    lasts = []
    for c in range(nchunk):
        blk = m01[c * 128:(c + 1) * 128, :]
        cumb = jnp.dot(ltri, blk, preferred_element_type=jnp.float32)
        parts.append(cumb)
        lasts.append(cumb[127:128, :])
    last = jnp.concatenate(lasts, axis=0)
    k1 = lax.broadcasted_iota(jnp.int32, (nchunk, nchunk), 0)
    k2 = lax.broadcasted_iota(jnp.int32, (nchunk, nchunk), 1)
    lo = jnp.where(k2 < k1, 1.0, 0.0)
    offs = jnp.dot(lo, last, preferred_element_type=jnp.float32)
    cum = jnp.concatenate(
        [parts[c] + offs[c:c + 1, :] for c in range(nchunk)], axis=0)

    counts = cum[s - 1:s, :]
    pc = jnp.ceil(counts / _TILE) * _TILE
    e1i = lax.broadcasted_iota(jnp.int32, (e, e), 0)
    e2i = lax.broadcasted_iota(jnp.int32, (e, e), 1)
    slt = jnp.where(e1i < e2i, 1.0, 0.0)
    aoff = jnp.dot(pc, slt, preferred_element_type=jnp.float32)

    g1 = jnp.sum(jnp.where(oh1, aoff + cum, 0.0), axis=-1, keepdims=True) - 1.0
    g2 = jnp.sum(jnp.where(oh2, aoff + cum, 0.0), axis=-1, keepdims=True) - 1.0
    pos0_ref[...] = g1.astype(jnp.int32)
    pos1_ref[...] = g2.astype(jnp.int32)

    endt = (aoff + pc) / _TILE
    eye = e1i == e2i
    end_col = jnp.sum(jnp.where(eye, jnp.broadcast_to(endt, (e, e)), 0.0),
                      axis=-1, keepdims=True)
    ti = lax.broadcasted_iota(jnp.int32, (e, 64), 1).astype(jnp.float32) - 1.0
    full_before = jnp.sum(jnp.where(ti >= end_col, 1.0, 0.0), axis=0,
                          keepdims=True)
    etile = jnp.minimum(full_before, float(e - 1))
    ntile = jnp.sum(pc, axis=-1, keepdims=True) / _TILE
    c64 = lax.broadcasted_iota(jnp.int32, (1, 64), 1)
    meta_ref[...] = jnp.where(c64 == 0, ntile, etile).astype(jnp.int32)


@functools.cache
def _get_dispatch():
    mesh = plsc.VectorSubcoreMesh(core_axis_name="c", subcore_axis_name="s")

    @functools.partial(
        pl.kernel,
        mesh=mesh,
        out_type=jax.ShapeDtypeStruct((_CAP, _D), jnp.float32),
        scratch_types=[
            pltpu.VMEM((_TPW,), jnp.int32),
            pltpu.VMEM((_TPW,), jnp.int32),
            pltpu.VMEM((_TPW, _D), jnp.float32),
            pltpu.SemaphoreType.DMA,
            pltpu.SemaphoreType.DMA,
        ],
    )
    def _dispatch(x_hbm, pos0_hbm, pos1_hbm, xs_hbm, idx0_v, idx1_v, rows_v,
                  sem0, sem1):
        wid = lax.axis_index("s") * 2 + lax.axis_index("c")
        base = wid * _TPW
        pltpu.sync_copy(x_hbm.at[pl.ds(base, _TPW)], rows_v)
        pltpu.sync_copy(pos0_hbm.at[pl.ds(base, _TPW)], idx0_v)
        pltpu.sync_copy(pos1_hbm.at[pl.ds(base, _TPW)], idx1_v)
        c0 = pltpu.async_copy(rows_v, xs_hbm.at[idx0_v], sem0)
        c1 = pltpu.async_copy(rows_v, xs_hbm.at[idx1_v], sem1)
        c0.wait()
        c1.wait()

    return _dispatch


def _expert_kernel(meta_ref, xs_ref, w1_ref, b1_ref, w2_ref, b2_ref, ys_ref):
    i = pl.program_id(0)

    @pl.when(i < meta_ref[0])
    def _compute():
        xt = xs_ref[...]
        h12 = jnp.dot(xt, w1_ref[0], preferred_element_type=jnp.float32)
        h12 = h12 + b1_ref[0]
        h1 = h12[:, :_F]
        h2 = h12[:, _F:]
        g = h1 * _gelu(h2)
        out = jnp.dot(g, w2_ref[0], preferred_element_type=jnp.float32)
        ys_ref[...] = out + b2_ref[0]


@functools.cache
def _get_combine():
    mesh = plsc.VectorSubcoreMesh(core_axis_name="c", subcore_axis_name="s")

    @functools.partial(
        pl.kernel,
        mesh=mesh,
        out_type=jax.ShapeDtypeStruct((_S, _D), jnp.float32),
        scratch_types=[
            pltpu.VMEM((_TPW,), jnp.int32),
            pltpu.VMEM((_TPW,), jnp.int32),
            pltpu.VMEM((_TPW, _LANES), jnp.float32),
            pltpu.VMEM((_TPW, _LANES), jnp.float32),
            pltpu.VMEM((_TPW, _D), jnp.float32),
            pltpu.VMEM((_TPW, _D), jnp.float32),
            pltpu.SemaphoreType.DMA,
            pltpu.SemaphoreType.DMA,
        ],
    )
    def _combine(ys_hbm, pos0_hbm, pos1_hbm, w0_hbm, w1_hbm, out_hbm,
                 idx0_v, idx1_v, w0_v, w1_v, rows0_v, rows1_v, sem0, sem1):
        wid = lax.axis_index("s") * 2 + lax.axis_index("c")
        base = wid * _TPW
        pltpu.sync_copy(pos0_hbm.at[pl.ds(base, _TPW)], idx0_v)
        pltpu.sync_copy(pos1_hbm.at[pl.ds(base, _TPW)], idx1_v)
        c0 = pltpu.async_copy(ys_hbm.at[idx0_v], rows0_v, sem0)
        c1 = pltpu.async_copy(ys_hbm.at[idx1_v], rows1_v, sem1)
        pltpu.sync_copy(w0_hbm.at[pl.ds(base, _TPW)], w0_v)
        pltpu.sync_copy(w1_hbm.at[pl.ds(base, _TPW)], w1_v)
        c0.wait()
        c1.wait()

        def body(t, carry):
            wv0 = w0_v[t, pl.ds(0, _LANES)]
            wv1 = w1_v[t, pl.ds(0, _LANES)]
            for cc in range(_D // _LANES):
                a = rows0_v[t, pl.ds(cc * _LANES, _LANES)]
                b = rows1_v[t, pl.ds(cc * _LANES, _LANES)]
                rows0_v[t, pl.ds(cc * _LANES, _LANES)] = wv0 * a + wv1 * b
            return carry

        lax.fori_loop(0, _TPW, body, 0)
        pltpu.sync_copy(rows0_v, out_hbm.at[pl.ds(base, _TPW)])

    return _combine


@jax.jit
def kernel(x, r_w1, r_b1, ln_scale, ln_bias, r_w2, r_b2, ew1, eb1, ew2, eb2,
           expert_priors):
    del expert_priors
    b, s, d = x.shape
    x2d = x.reshape(s, d)

    pos0, pos1, w0, w1, meta = pl.pallas_call(
        _router_kernel,
        out_shape=[
            jax.ShapeDtypeStruct((s, 1), jnp.int32),
            jax.ShapeDtypeStruct((s, 1), jnp.int32),
            jax.ShapeDtypeStruct((s, _LANES), jnp.float32),
            jax.ShapeDtypeStruct((s, _LANES), jnp.float32),
            jax.ShapeDtypeStruct((1, 64), jnp.int32),
        ],
    )(x2d, r_w1, r_b1.reshape(1, -1), ln_scale.reshape(1, -1),
      ln_bias.reshape(1, -1), r_w2, r_b2.reshape(1, -1))

    pos0f = pos0.reshape(s)
    pos1f = pos1.reshape(s)
    meta64 = meta.reshape(64)

    xs = _get_dispatch()(x2d, pos0f, pos1f)

    eb1_3d = eb1.reshape(_E, 1, 2 * _F)
    eb2_3d = eb2.reshape(_E, 1, _D)
    grid_spec = pltpu.PrefetchScalarGridSpec(
        num_scalar_prefetch=1,
        grid=(_TMAX,),
        in_specs=[
            pl.BlockSpec((_TILE, _D), lambda i, m: (i, 0)),
            pl.BlockSpec((1, _D, 2 * _F), lambda i, m: (m[1 + i], 0, 0)),
            pl.BlockSpec((1, 1, 2 * _F), lambda i, m: (m[1 + i], 0, 0)),
            pl.BlockSpec((1, _F, _D), lambda i, m: (m[1 + i], 0, 0)),
            pl.BlockSpec((1, 1, _D), lambda i, m: (m[1 + i], 0, 0)),
        ],
        out_specs=pl.BlockSpec((_TILE, _D), lambda i, m: (i, 0)),
    )
    ys = pl.pallas_call(
        _expert_kernel,
        grid_spec=grid_spec,
        out_shape=jax.ShapeDtypeStruct((_CAP, _D), jnp.float32),
        compiler_params=pltpu.CompilerParams(
            dimension_semantics=("arbitrary",),
            vmem_limit_bytes=100 * 1024 * 1024,
        ),
    )(meta64, xs, ew1, eb1_3d, ew2, eb2_3d)

    out = _get_combine()(ys, pos0f, pos1f, w0, w1)

    return (out.reshape(b, s, d), 0.0)

# --- scband reference (transcript-rebuilt; emitter-appended) ---
"""Pipeline reference for scband-mo-efeed-forward-31086973288480 (READ-ONLY COPY).

The authoritative reference and input builder live on the scoring server;
editing this copy changes nothing except your own understanding.
"""

import jax, jax.numpy as jnp
import numpy as np

EMBED_DIM = 768
FF_DIM = 3072
NUM_EXPERTS = 8
TOP_K = 2

def gelu_kernel(x):
    sqrt_2_pi = 0.7978845608028654
    coef = 0.044715
    x3 = x ** 3
    inner = sqrt_2_pi * (x + coef * x3)
    return 0.5 * x * (1.0 + jnp.tanh(inner))

def layer_norm(x, scale, bias, eps=1e-6):
    mean = jnp.mean(x, axis=-1, keepdims=True)
    var = jnp.mean(jnp.square(x - mean), axis=-1, keepdims=True)
    return (x - mean) * jax.lax.rsqrt(var + eps) * scale + bias

def setup_inputs(seed: int = 0):
    key = jax.random.key(seed)
    ks = jax.random.split(key, 8)
    D, F, E = EMBED_DIM, FF_DIM, NUM_EXPERTS
    x = jax.random.normal(ks[0], (1, 2048, D), dtype=jnp.float32)
    r_w1 = jax.random.normal(ks[1], (D, D // 2), dtype=jnp.float32) / np.sqrt(D)
    r_b1 = jnp.zeros((D // 2,), dtype=jnp.float32)
    ln_scale = jnp.ones((D // 2,), dtype=jnp.float32)
    ln_bias = jnp.zeros((D // 2,), dtype=jnp.float32)
    r_w2 = jax.random.normal(ks[2], (D // 2, E), dtype=jnp.float32) / np.sqrt(D // 2)
    r_b2 = jnp.zeros((E,), dtype=jnp.float32)
    ew1 = jax.random.normal(ks[3], (E, D, 2 * F), dtype=jnp.float32) / np.sqrt(D)
    eb1 = jnp.zeros((E, 2 * F), dtype=jnp.float32)
    ew2 = jax.random.normal(ks[4], (E, F, D), dtype=jnp.float32) / np.sqrt(F)
    eb2 = jnp.zeros((E, D), dtype=jnp.float32)
    expert_priors = jnp.ones((E,), dtype=jnp.float32) / E
    return {"x": x, "r_w1": r_w1, "r_b1": r_b1, "ln_scale": ln_scale, "ln_bias": ln_bias, "r_w2": r_w2, "r_b2": r_b2, "ew1": ew1, "eb1": eb1, "ew2": ew2, "eb2": eb2, "expert_priors": expert_priors}

def reference(x, r_w1, r_b1, ln_scale, ln_bias, r_w2, r_b2, ew1, eb1, ew2, eb2, expert_priors):
    B, S, D = x.shape
    E = r_b2.shape[0]
    # router: Dense -> LayerNorm -> gelu_kernel -> Dense
    h = x @ r_w1 + r_b1
    h = layer_norm(h, ln_scale, ln_bias)
    h = gelu_kernel(h)
    router_logits = h @ r_w2 + r_b2
    routing_probs = jax.nn.softmax(router_logits, axis=-1)
    top_k_probs, top_k_indices = jax.lax.top_k(routing_probs, TOP_K)
    top_k_probs = top_k_probs / jnp.sum(top_k_probs, axis=-1, keepdims=True)
    expert_mask = jnp.zeros_like(routing_probs)
    b_idx = jnp.arange(B)[:, None]
    s_idx = jnp.arange(S)[None, :]
    for k in range(TOP_K):
        expert_mask = expert_mask.at[b_idx, s_idx, top_k_indices[:, :, k]].add(top_k_probs[:, :, k])
    # aux loss is 0.0 in eval mode (train=False)
    aux_loss = 0.0
    output = jnp.zeros_like(x)
    for i in range(E):
        h12 = x @ ew1[i] + eb1[i]
        x1, x2 = jnp.split(h12, 2, axis=-1)
        gated = x1 * gelu_kernel(x2)
        expert_out = gated @ ew2[i] + eb2[i]
        output = output + expert_out * expert_mask[:, :, i][:, :, None]
    return (output, aux_loss)

if __name__ == "__main__":
    import jax
    _d = setup_inputs()
    print(jax.jit(kernel)(*tuple(_d.values())))

</pallas_src>

<mosaic_0001>
#map = affine_map<(d0, d1) -> (0, 0)>
#map1 = affine_map<(d0, d1) -> (0)>
module attributes {stable_mosaic.version = 14 : i64} {
  func.func @_dispatch(%arg0: i32, %arg1: i32, %arg2: memref<2048x768xf32, #tpu.memory_space<hbm>>, %arg3: memref<2048xi32, #tpu.memory_space<hbm>>, %arg4: memref<2048xi32, #tpu.memory_space<hbm>>, %arg5: memref<6144x768xf32, #tpu.memory_space<hbm>>, %arg6: memref<64xi32, #tpu.memory_space<vmem>>, %arg7: memref<64xi32, #tpu.memory_space<vmem>>, %arg8: memref<64x768xf32, #tpu.memory_space<vmem>>, %arg9: memref<!tpu.dma_semaphore, #tpu.memory_space<semaphore_mem>>, %arg10: memref<!tpu.dma_semaphore, #tpu.memory_space<semaphore_mem>>) attributes {dimension_semantics = [#tpu.dimension_semantics<core_parallel>, #tpu.dimension_semantics<subcore_parallel>], iteration_bounds = array<i64: 2, 16>, scalar_prefetch = 0 : i64, scratch_operands = 5 : i64, tpu.core_type = #tpu.core_type<sc_vector_subcore>, window_params = [{transform_indices = #map}, {transform_indices = #map1}, {transform_indices = #map1}, {transform_indices = #map}]} {
    %mul3A = arith.constant 2 : i32
    %mul3A_0 = arith.muli %arg1, %mul3A : i32
    %add3A = arith.addi %mul3A_0, %arg0 : i32
    %mul3A_1 = arith.constant 64 : i32
    %mul3A_2 = arith.muli %add3A, %mul3A_1 : i32
    "tpu.region"() ({
      %run_scoped3A = tpu.sem_alloc : memref<!tpu.dma_semaphore, #tpu.memory_space<semaphore_mem>>
      %dma_start3A_13 = arith.constant 0 : i32
      %dma_start3A_14 = tpu.memref_slice %arg2[%mul3A_2, %dma_start3A_13] : memref<2048x768xf32, #tpu.memory_space<hbm>> -> memref<64x768xf32, #tpu.memory_space<hbm>>
      %dma_start3A_15 = arith.constant 0 : i32
      %dma_start3A_16 = tpu.memref_slice %arg2[%mul3A_2, %dma_start3A_15] : memref<2048x768xf32, #tpu.memory_space<hbm>> -> memref<64x768xf32, #tpu.memory_space<hbm>>
      tpu.enqueue_dma source(%dma_start3A_16 : memref<64x768xf32, #tpu.memory_space<hbm>>) target(%arg8 : memref<64x768xf32, #tpu.memory_space<vmem>>) target_semaphore(%run_scoped3A : memref<!tpu.dma_semaphore, #tpu.memory_space<semaphore_mem>>)
      %dma_wait3A_17 = arith.constant 0 : i32
      %dma_wait3A_18 = tpu.memref_slice %arg2[%mul3A_2, %dma_wait3A_17] : memref<2048x768xf32, #tpu.memory_space<hbm>> -> memref<64x768xf32, #tpu.memory_space<hbm>>
      %dma_wait3A_19 = arith.constant 0 : i32
      %dma_wait3A_20 = tpu.memref_slice %arg2[%mul3A_2, %dma_wait3A_19] : memref<2048x768xf32, #tpu.memory_space<hbm>> -> memref<64x768xf32, #tpu.memory_space<hbm>>
      tpu.wait_dma2 semaphore(%run_scoped3A : memref<!tpu.dma_semaphore, #tpu.memory_space<semaphore_mem>>) src(%dma_wait3A_20 : memref<64x768xf32, #tpu.memory_space<hbm>>) dst(%arg8 : memref<64x768xf32, #tpu.memory_space<vmem>>)
      tpu.yield
    }) : () -> ()
    "tpu.region"() ({
      %run_scoped3A = tpu.sem_alloc : memref<!tpu.dma_semaphore, #tpu.memory_space<semaphore_mem>>
      %dma_start3A_13 = tpu.memref_slice %arg3[%mul3A_2] : memref<2048xi32, #tpu.memory_space<hbm>> -> memref<64xi32, #tpu.memory_space<hbm>>
      %dma_start3A_14 = tpu.memref_slice %arg3[%mul3A_2] : memref<2048xi32, #tpu.memory_space<hbm>> -> memref<64xi32, #tpu.memory_space<hbm>>
      tpu.enqueue_dma source(%dma_start3A_14 : memref<64xi32, #tpu.memory_space<hbm>>) target(%arg6 : memref<64xi32, #tpu.memory_space<vmem>>) target_semaphore(%run_scoped3A : memref<!tpu.dma_semaphore, #tpu.memory_space<semaphore_mem>>)
      %dma_wait3A_15 = tpu.memref_slice %arg3[%mul3A_2] : memref<2048xi32, #tpu.memory_space<hbm>> -> memref<64xi32, #tpu.memory_space<hbm>>
      %dma_wait3A_16 = tpu.memref_slice %arg3[%mul3A_2] : memref<2048xi32, #tpu.memory_space<hbm>> -> memref<64xi32, #tpu.memory_space<hbm>>
      tpu.wait_dma2 semaphore(%run_scoped3A : memref<!tpu.dma_semaphore, #tpu.memory_space<semaphore_mem>>) src(%dma_wait3A_16 : memref<64xi32, #tpu.memory_space<hbm>>) dst(%arg6 : memref<64xi32, #tpu.memory_space<vmem>>)
      tpu.yield
    }) : () -> ()
    "tpu.region"() ({
      %run_scoped3A = tpu.sem_alloc : memref<!tpu.dma_semaphore, #tpu.memory_space<semaphore_mem>>
      %dma_start3A_13 = tpu.memref_slice %arg4[%mul3A_2] : memref<2048xi32, #tpu.memory_space<hbm>> -> memref<64xi32, #tpu.memory_space<hbm>>
      %dma_start3A_14 = tpu.memref_slice %arg4[%mul3A_2] : memref<2048xi32, #tpu.memory_space<hbm>> -> memref<64xi32, #tpu.memory_space<hbm>>
      tpu.enqueue_dma source(%dma_start3A_14 : memref<64xi32, #tpu.memory_space<hbm>>) target(%arg7 : memref<64xi32, #tpu.memory_space<vmem>>) target_semaphore(%run_scoped3A : memref<!tpu.dma_semaphore, #tpu.memory_space<semaphore_mem>>)
      %dma_wait3A_15 = tpu.memref_slice %arg4[%mul3A_2] : memref<2048xi32, #tpu.memory_space<hbm>> -> memref<64xi32, #tpu.memory_space<hbm>>
      %dma_wait3A_16 = tpu.memref_slice %arg4[%mul3A_2] : memref<2048xi32, #tpu.memory_space<hbm>> -> memref<64xi32, #tpu.memory_space<hbm>>
      tpu.wait_dma2 semaphore(%run_scoped3A : memref<!tpu.dma_semaphore, #tpu.memory_space<semaphore_mem>>) src(%dma_wait3A_16 : memref<64xi32, #tpu.memory_space<hbm>>) dst(%arg7 : memref<64xi32, #tpu.memory_space<vmem>>)
      tpu.yield
    }) : () -> ()
    %dma_start3A = arith.constant 0 : i32
    %dma_start3A_3 = arith.constant 0 : i32
    %dma_start3A_4 = tpu.memref_slice %arg5[%dma_start3A, %dma_start3A_3] : memref<6144x768xf32, #tpu.memory_space<hbm>> -> memref<6144x768xf32, #tpu.memory_space<hbm>>
    tpu.enqueue_indirect_dma source(%arg8 : memref<64x768xf32, #tpu.memory_space<vmem>>) target(%dma_start3A_4 : memref<6144x768xf32, #tpu.memory_space<hbm>>) offsets(%arg6 : memref<64xi32, #tpu.memory_space<vmem>>) semaphore(%arg9 : memref<!tpu.dma_semaphore, #tpu.memory_space<semaphore_mem>>)
    %dma_start3A_5 = arith.constant 0 : i32
    %dma_start3A_6 = arith.constant 0 : i32
    %dma_start3A_7 = tpu.memref_slice %arg5[%dma_start3A_5, %dma_start3A_6] : memref<6144x768xf32, #tpu.memory_space<hbm>> -> memref<6144x768xf32, #tpu.memory_space<hbm>>
    tpu.enqueue_indirect_dma source(%arg8 : memref<64x768xf32, #tpu.memory_space<vmem>>) target(%dma_start3A_7 : memref<6144x768xf32, #tpu.memory_space<hbm>>) offsets(%arg7 : memref<64xi32, #tpu.memory_space<vmem>>) semaphore(%arg10 : memref<!tpu.dma_semaphore, #tpu.memory_space<semaphore_mem>>)
    %dma_wait3A = arith.constant 0 : i32
    %dma_wait3A_8 = arith.constant 0 : i32
    %dma_wait3A_9 = tpu.memref_slice %arg5[%dma_wait3A, %dma_wait3A_8] : memref<6144x768xf32, #tpu.memory_space<hbm>> -> memref<6144x768xf32, #tpu.memory_space<hbm>>
    tpu.wait_indirect_dma semaphore(%arg9 : memref<!tpu.dma_semaphore, #tpu.memory_space<semaphore_mem>>) src(%arg8 : memref<64x768xf32, #tpu.memory_space<vmem>>) dst(%dma_wait3A_9 : memref<6144x768xf32, #tpu.memory_space<hbm>>)
    %dma_wait3A_10 = arith.constant 0 : i32
    %dma_wait3A_11 = arith.constant 0 : i32
    %dma_wait3A_12 = tpu.memref_slice %arg5[%dma_wait3A_10, %dma_wait3A_11] : memref<6144x768xf32, #tpu.memory_space<hbm>> -> memref<6144x768xf32, #tpu.memory_space<hbm>>
    tpu.wait_indirect_dma semaphore(%arg10 : memref<!tpu.dma_semaphore, #tpu.memory_space<semaphore_mem>>) src(%arg8 : memref<64x768xf32, #tpu.memory_space<vmem>>) dst(%dma_wait3A_12 : memref<6144x768xf32, #tpu.memory_space<hbm>>)
    return
  }
}

#map = affine_map<(d0, d1) -> (0, 0)>
#map1 = affine_map<(d0, d1) -> (0)>
module attributes {stable_mosaic.version = 14 : i64} {
  func.func @_combine(%arg0: i32, %arg1: i32, %arg2: memref<6144x768xf32, #tpu.memory_space<hbm>>, %arg3: memref<2048xi32, #tpu.memory_space<hbm>>, %arg4: memref<2048xi32, #tpu.memory_space<hbm>>, %arg5: memref<2048x16xf32, #tpu.memory_space<hbm>>, %arg6: memref<2048x16xf32, #tpu.memory_space<hbm>>, %arg7: memref<2048x768xf32, #tpu.memory_space<hbm>>, %arg8: memref<64xi32, #tpu.memory_space<vmem>>, %arg9: memref<64xi32, #tpu.memory_space<vmem>>, %arg10: memref<64x16xf32, #tpu.memory_space<vmem>>, %arg11: memref<64x16xf32, #tpu.memory_space<vmem>>, %arg12: memref<64x768xf32, #tpu.memory_space<vmem>>, %arg13: memref<64x768xf32, #tpu.memory_space<vmem>>, %arg14: memref<!tpu.dma_semaphore, #tpu.memory_space<semaphore_mem>>, %arg15: memref<!tpu.dma_semaphore, #tpu.memory_space<semaphore_mem>>) attributes {dimension_semantics = [#tpu.dimension_semantics<core_parallel>, #tpu.dimension_semantics<subcore_parallel>], iteration_bounds = array<i64: 2, 16>, scalar_prefetch = 0 : i64, scratch_operands = 8 : i64, tpu.core_type = #tpu.core_type<sc_vector_subcore>, window_params = [{transform_indices = #map}, {transform_indices = #map1}, {transform_indices = #map1}, {transform_indices = #map}, {transform_indices = #map}, {transform_indices = #map}]} {
    %mul3A = arith.constant 2 : i32
    %mul3A_0 = arith.muli %arg1, %mul3A : i32
    %add3A = arith.addi %mul3A_0, %arg0 : i32
    %mul3A_1 = arith.constant 64 : i32
    %mul3A_2 = arith.muli %add3A, %mul3A_1 : i32
    "tpu.region"() ({
      %run_scoped3A = tpu.sem_alloc : memref<!tpu.dma_semaphore, #tpu.memory_space<semaphore_mem>>
      %dma_start3A_18 = tpu.memref_slice %arg3[%mul3A_2] : memref<2048xi32, #tpu.memory_space<hbm>> -> memref<64xi32, #tpu.memory_space<hbm>>
      %dma_start3A_19 = tpu.memref_slice %arg3[%mul3A_2] : memref<2048xi32, #tpu.memory_space<hbm>> -> memref<64xi32, #tpu.memory_space<hbm>>
      tpu.enqueue_dma source(%dma_start3A_19 : memref<64xi32, #tpu.memory_space<hbm>>) target(%arg8 : memref<64xi32, #tpu.memory_space<vmem>>) target_semaphore(%run_scoped3A : memref<!tpu.dma_semaphore, #tpu.memory_space<semaphore_mem>>)
      %dma_wait3A_20 = tpu.memref_slice %arg3[%mul3A_2] : memref<2048xi32, #tpu.memory_space<hbm>> -> memref<64xi32, #tpu.memory_space<hbm>>
      %dma_wait3A_21 = tpu.memref_slice %arg3[%mul3A_2] : memref<2048xi32, #tpu.memory_space<hbm>> -> memref<64xi32, #tpu.memory_space<hbm>>
      tpu.wait_dma2 semaphore(%run_scoped3A : memref<!tpu.dma_semaphore, #tpu.memory_space<semaphore_mem>>) src(%dma_wait3A_21 : memref<64xi32, #tpu.memory_space<hbm>>) dst(%arg8 : memref<64xi32, #tpu.memory_space<vmem>>)
      tpu.yield
    }) : () -> ()
    "tpu.region"() ({
      %run_scoped3A = tpu.sem_alloc : memref<!tpu.dma_semaphore, #tpu.memory_space<semaphore_mem>>
      %dma_start3A_18 = tpu.memref_slice %arg4[%mul3A_2] : memref<2048xi32, #tpu.memory_space<hbm>> -> memref<64xi32, #tpu.memory_space<hbm>>
      %dma_start3A_19 = tpu.memref_slice %arg4[%mul3A_2] : memref<2048xi32, #tpu.memory_space<hbm>> -> memref<64xi32, #tpu.memory_space<hbm>>
      tpu.enqueue_dma source(%dma_start3A_19 : memref<64xi32, #tpu.memory_space<hbm>>) target(%arg9 : memref<64xi32, #tpu.memory_space<vmem>>) target_semaphore(%run_scoped3A : memref<!tpu.dma_semaphore, #tpu.memory_space<semaphore_mem>>)
      %dma_wait3A_20 = tpu.memref_slice %arg4[%mul3A_2] : memref<2048xi32, #tpu.memory_space<hbm>> -> memref<64xi32, #tpu.memory_space<hbm>>
      %dma_wait3A_21 = tpu.memref_slice %arg4[%mul3A_2] : memref<2048xi32, #tpu.memory_space<hbm>> -> memref<64xi32, #tpu.memory_space<hbm>>
      tpu.wait_dma2 semaphore(%run_scoped3A : memref<!tpu.dma_semaphore, #tpu.memory_space<semaphore_mem>>) src(%dma_wait3A_21 : memref<64xi32, #tpu.memory_space<hbm>>) dst(%arg9 : memref<64xi32, #tpu.memory_space<vmem>>)
      tpu.yield
    }) : () -> ()
    %dma_start3A = arith.constant 0 : i32
    %dma_start3A_3 = arith.constant 0 : i32
    %dma_start3A_4 = tpu.memref_slice %arg2[%dma_start3A, %dma_start3A_3] : memref<6144x768xf32, #tpu.memory_space<hbm>> -> memref<6144x768xf32, #tpu.memory_space<hbm>>
    tpu.enqueue_indirect_dma source(%dma_start3A_4 : memref<6144x768xf32, #tpu.memory_space<hbm>>) target(%arg12 : memref<64x768xf32, #tpu.memory_space<vmem>>) offsets(%arg8 : memref<64xi32, #tpu.memory_space<vmem>>) semaphore(%arg14 : memref<!tpu.dma_semaphore, #tpu.memory_space<semaphore_mem>>)
    %dma_start3A_5 = arith.constant 0 : i32
    %dma_start3A_6 = arith.constant 0 : i32
    %dma_start3A_7 = tpu.memref_slice %arg2[%dma_start3A_5, %dma_start3A_6] : memref<6144x768xf32, #tpu.memory_space<hbm>> -> memref<6144x768xf32, #tpu.memory_space<hbm>>
    tpu.enqueue_indirect_dma source(%dma_start3A_7 : memref<6144x768xf32, #tpu.memory_space<hbm>>) target(%arg13 : memref<64x768xf32, #tpu.memory_space<vmem>>) offsets(%arg9 : memref<64xi32, #tpu.memory_space<vmem>>) semaphore(%arg15 : memref<!tpu.dma_semaphore, #tpu.memory_space<semaphore_mem>>)
    "tpu.region"() ({
      %run_scoped3A = tpu.sem_alloc : memref<!tpu.dma_semaphore, #tpu.memory_space<semaphore_mem>>
      %dma_start3A_18 = arith.constant 0 : i32
      %dma_start3A_19 = tpu.memref_slice %arg5[%mul3A_2, %dma_start3A_18] : memref<2048x16xf32, #tpu.memory_space<hbm>> -> memref<64x16xf32, #tpu.memory_space<hbm>>
      %dma_start3A_20 = arith.constant 0 : i32
      %dma_start3A_21 = tpu.memref_slice %arg5[%mul3A_2, %dma_start3A_20] : memref<2048x16xf32, #tpu.memory_space<hbm>> -> memref<64x16xf32, #tpu.memory_space<hbm>>
      tpu.enqueue_dma source(%dma_start3A_21 : memref<64x16xf32, #tpu.memory_space<hbm>>) target(%arg10 : memref<64x16xf32, #tpu.memory_space<vmem>>) target_semaphore(%run_scoped3A : memref<!tpu.dma_semaphore, #tpu.memory_space<semaphore_mem>>)
      %dma_wait3A_22 = arith.constant 0 : i32
      %dma_wait3A_23 = tpu.memref_slice %arg5[%mul3A_2, %dma_wait3A_22] : memref<2048x16xf32, #tpu.memory_space<hbm>> -> memref<64x16xf32, #tpu.memory_space<hbm>>
      %dma_wait3A_24 = arith.constant 0 : i32
      %dma_wait3A_25 = tpu.memref_slice %arg5[%mul3A_2, %dma_wait3A_24] : memref<2048x16xf32, #tpu.memory_space<hbm>> -> memref<64x16xf32, #tpu.memory_space<hbm>>
      tpu.wait_dma2 semaphore(%run_scoped3A : memref<!tpu.dma_semaphore, #tpu.memory_space<semaphore_mem>>) src(%dma_wait3A_25 : memref<64x16xf32, #tpu.memory_space<hbm>>) dst(%arg10 : memref<64x16xf32, #tpu.memory_space<vmem>>)
      tpu.yield
    }) : () -> ()
    "tpu.region"() ({
      %run_scoped3A = tpu.sem_alloc : memref<!tpu.dma_semaphore, #tpu.memory_space<semaphore_mem>>
      %dma_start3A_18 = arith.constant 0 : i32
      %dma_start3A_19 = tpu.memref_slice %arg6[%mul3A_2, %dma_start3A_18] : memref<2048x16xf32, #tpu.memory_space<hbm>> -> memref<64x16xf32, #tpu.memory_space<hbm>>
      %dma_start3A_20 = arith.constant 0 : i32
      %dma_start3A_21 = tpu.memref_slice %arg6[%mul3A_2, %dma_start3A_20] : memref<2048x16xf32, #tpu.memory_space<hbm>> -> memref<64x16xf32, #tpu.memory_space<hbm>>
      tpu.enqueue_dma source(%dma_start3A_21 : memref<64x16xf32, #tpu.memory_space<hbm>>) target(%arg11 : memref<64x16xf32, #tpu.memory_space<vmem>>) target_semaphore(%run_scoped3A : memref<!tpu.dma_semaphore, #tpu.memory_space<semaphore_mem>>)
      %dma_wait3A_22 = arith.constant 0 : i32
      %dma_wait3A_23 = tpu.memref_slice %arg6[%mul3A_2, %dma_wait3A_22] : memref<2048x16xf32, #tpu.memory_space<hbm>> -> memref<64x16xf32, #tpu.memory_space<hbm>>
      %dma_wait3A_24 = arith.constant 0 : i32
      %dma_wait3A_25 = tpu.memref_slice %arg6[%mul3A_2, %dma_wait3A_24] : memref<2048x16xf32, #tpu.memory_space<hbm>> -> memref<64x16xf32, #tpu.memory_space<hbm>>
      tpu.wait_dma2 semaphore(%run_scoped3A : memref<!tpu.dma_semaphore, #tpu.memory_space<semaphore_mem>>) src(%dma_wait3A_25 : memref<64x16xf32, #tpu.memory_space<hbm>>) dst(%arg11 : memref<64x16xf32, #tpu.memory_space<vmem>>)
      tpu.yield
    }) : () -> ()
    %dma_wait3A = arith.constant 0 : i32
    %dma_wait3A_8 = arith.constant 0 : i32
    %dma_wait3A_9 = tpu.memref_slice %arg2[%dma_wait3A, %dma_wait3A_8] : memref<6144x768xf32, #tpu.memory_space<hbm>> -> memref<6144x768xf32, #tpu.memory_space<hbm>>
    tpu.wait_indirect_dma semaphore(%arg14 : memref<!tpu.dma_semaphore, #tpu.memory_space<semaphore_mem>>) src(%dma_wait3A_9 : memref<6144x768xf32, #tpu.memory_space<hbm>>) dst(%arg12 : memref<64x768xf32, #tpu.memory_space<vmem>>)
    %dma_wait3A_10 = arith.constant 0 : i32
    %dma_wait3A_11 = arith.constant 0 : i32
    %dma_wait3A_12 = tpu.memref_slice %arg2[%dma_wait3A_10, %dma_wait3A_11] : memref<6144x768xf32, #tpu.memory_space<hbm>> -> memref<6144x768xf32, #tpu.memory_space<hbm>>
    tpu.wait_indirect_dma semaphore(%arg15 : memref<!tpu.dma_semaphore, #tpu.memory_space<semaphore_mem>>) src(%dma_wait3A_12 : memref<6144x768xf32, #tpu.memory_space<hbm>>) dst(%arg13 : memref<64x768xf32, #tpu.memory_space<vmem>>)
    %scan3A = arith.constant 0 : i32
    %scan3A_13 = arith.constant 0 : i32
    %scan3A_14 = arith.constant 64 : i32
    %scan3A_15 = arith.addi %scan3A_13, %scan3A_14 : i32
    %scan3A_16 = arith.constant 1 : i32
    scf.for %scan3A_18 = %scan3A_13 to %scan3A_15 step %scan3A_16  : i32 {
      %get3A = arith.index_cast %scan3A_18 : i32 to index
      %get3A_19 = arith.constant 0 : index
      %get3A_20 = tpu.vector_load %arg10[%get3A, %get3A_19] {strides = array<i32>} : memref<64x16xf32, #tpu.memory_space<vmem>>, vector<1x16xf32>,
      %get3A_21 = vector.shape_cast %get3A_20 : vector<1x16xf32> to vector<16xf32>
      %get3A_22 = arith.index_cast %scan3A_18 : i32 to index
      %get3A_23 = arith.constant 0 : index
      %get3A_24 = tpu.vector_load %arg11[%get3A_22, %get3A_23] {strides = array<i32>} : memref<64x16xf32, #tpu.memory_space<vmem>>, vector<1x16xf32>,
      %get3A_25 = vector.shape_cast %get3A_24 : vector<1x16xf32> to vector<16xf32>
      %get3A_26 = arith.index_cast %scan3A_18 : i32 to index
      %get3A_27 = arith.constant 0 : index
      %get3A_28 = tpu.vector_load %arg12[%get3A_26, %get3A_27] {strides = array<i32>} : memref<64x768xf32, #tpu.memory_space<vmem>>, vector<1x16xf32>,
      %get3A_29 = vector.shape_cast %get3A_28 : vector<1x16xf32> to vector<16xf32>
      %get3A_30 = arith.index_cast %scan3A_18 : i32 to index
      %get3A_31 = arith.constant 0 : index
      %get3A_32 = tpu.vector_load %arg13[%get3A_30, %get3A_31] {strides = array<i32>} : memref<64x768xf32, #tpu.memory_space<vmem>>, vector<1x16xf32>,
      %get3A_33 = vector.shape_cast %get3A_32 : vector<1x16xf32> to vector<16xf32>
      %mul3A_34 = arith.mulf %get3A_21, %get3A_29 : vector<16xf32>
      %mul3A_35 = arith.mulf %get3A_25, %get3A_33 : vector<16xf32>
      %add3A_36 = arith.addf %mul3A_34, %mul3A_35 : vector<16xf32>
      %swap3A = arith.index_cast %scan3A_18 : i32 to index
      %swap3A_37 = arith.constant 0 : index
      %swap3A_38 = tpu.vector_load %arg12[%swap3A, %swap3A_37] {strides = array<i32>} : memref<64x768xf32, #tpu.memory_space<vmem>>, vector<1x16xf32>,
      %swap3A_39 = vector.shape_cast %swap3A_38 : vector<1x16xf32> to vector<16xf32>
      %swap3A_40 = vector.shape_cast %add3A_36 : vector<16xf32> to vector<1x16xf32>
      tpu.vector_store %arg12[%swap3A, %swap3A_37], %swap3A_40 {strides = array<i32>} : memref<64x768xf32, #tpu.memory_space<vmem>>, vector<1x16xf32>,
      %get3A_41 = arith.index_cast %scan3A_18 : i32 to index
      %get3A_42 = arith.constant 16 : index
      %get3A_43 = tpu.vector_load %arg12[%get3A_41, %get3A_42] {strides = array<i32>} : memref<64x768xf32, #tpu.memory_space<vmem>>, vector<1x16xf32>,
      %get3A_44 = vector.shape_cast %get3A_43 : vector<1x16xf32> to vector<16xf32>
      %get3A_45 = arith.index_cast %scan3A_18 : i32 to index
      %get3A_46 = arith.constant 16 : index
      %get3A_47 = tpu.vector_load %arg13[%get3A_45, %get3A_46] {strides = array<i32>} : memref<64x768xf32, #tpu.memory_space<vmem>>, vector<1x16xf32>,
      %get3A_48 = vector.shape_cast %get3A_47 : vector<1x16xf32> to vector<16xf32>
      %mul3A_49 = arith.mulf %get3A_21, %get3A_44 : vector<16xf32>
      %mul3A_50 = arith.mulf %get3A_25, %get3A_48 : vector<16xf32>
      %add3A_51 = arith.addf %mul3A_49, %mul3A_50 : vector<16xf32>
      %swap3A_52 = arith.index_cast %scan3A_18 : i32 to index
      %swap3A_53 = arith.constant 16 : index
      %swap3A_54 = tpu.vector_load %arg12[%swap3A_52, %swap3A_53] {strides = array<i32>} : memref<64x768xf32, #tpu.memory_space<vmem>>, vector<1x16xf32>,
      %swap3A_55 = vector.shape_cast %swap3A_54 : vector<1x16xf32> to vector<16xf32>
      %swap3A_56 = vector.shape_cast %add3A_51 : vector<16xf32> to vector<1x16xf32>
      tpu.vector_store %arg12[%swap3A_52, %swap3A_53], %swap3A_56 {strides = array<i32>} : memref<64x768xf32, #tpu.memory_space<vmem>>, vector<1x16xf32>,
      %get3A_57 = arith.index_cast %scan3A_18 : i32 to index
      %get3A_58 = arith.constant 32 : index
      %get3A_59 = tpu.vector_load %arg12[%get3A_57, %get3A_58] {strides = array<i32>} : memref<64x768xf32, #tpu.memory_space<vmem>>, vector<1x16xf32>,
      %get3A_60 = vector.shape_cast %get3A_59 : vector<1x16xf32> to vector<16xf32>
      %get3A_61 = arith.index_cast %scan3A_18 : i32 to index
      %get3A_62 = arith.constant 32 : index
      %get3A_63 = tpu.vector_load %arg13[%get3A_61, %get3A_62] {strides = array<i32>} : memref<64x768xf32, #tpu.memory_space<vmem>>, vector<1x16xf32>,
      %get3A_64 = vector.shape_cast %get3A_63 : vector<1x16xf32> to vector<16xf32>
      %mul3A_65 = arith.mulf %get3A_21, %get3A_60 : vector<16xf32>
      %mul3A_66 = arith.mulf %get3A_25, %get3A_64 : vector<16xf32>
      %add3A_67 = arith.addf %mul3A_65, %mul3A_66 : vector<16xf32>
      %swap3A_68 = arith.index_cast %scan3A_18 : i32 to index
      %swap3A_69 = arith.constant 32 : index
      %swap3A_70 = tpu.vector_load %arg12[%swap3A_68, %swap3A_69] {strides = array<i32>} : memref<64x768xf32, #tpu.memory_space<vmem>>, vector<1x16xf32>,
      %swap3A_71 = vector.shape_cast %swap3A_70 : vector<1x16xf32> to vector<16xf32>
      %swap3A_72 = vector.shape_cast %add3A_67 : vector<16xf32> to vector<1x16xf32>
      tpu.vector_store %arg12[%swap3A_68, %swap3A_69], %swap3A_72 {strides = array<i32>} : memref<64x768xf32, #tpu.memory_space<vmem>>, vector<1x16xf32>,
      %get3A_73 = arith.index_cast %scan3A_18 : i32 to index
      %get3A_74 = arith.constant 48 : index
      %get3A_75 = tpu.vector_load %arg12[%get3A_73, %get3A_74] {strides = array<i32>} : memref<64x768xf32, #tpu.memory_space<vmem>>, vector<1x16xf32>,
      %get3A_76 = vector.shape_cast %get3A_75 : vector<1x16xf32> to vector<16xf32>
      %get3A_77 = arith.index_cast %scan3A_18 : i32 to index
      %get3A_78 = arith.constant 48 : index
      %get3A_79 = tpu.vector_load %arg13[%get3A_77, %get3A_78] {strides = array<i32>} : memref<64x768xf32, #tpu.memory_space<vmem>>, vector<1x16xf32>,
      %get3A_80 = vector.shape_cast %get3A_79 : vector<1x16xf32> to vector<16xf32>
      %mul3A_81 = arith.mulf %get3A_21, %get3A_76 : vector<16xf32>
      %mul3A_82 = arith.mulf %get3A_25, %get3A_80 : vector<16xf32>
      %add3A_83 = arith.addf %mul3A_81, %mul3A_82 : vector<16xf32>
      %swap3A_84 = arith.index_cast %scan3A_18 : i32 to index
      %swap3A_85 = arith.constant 48 : index
      %swap3A_86 = tpu.vector_load %arg12[%swap3A_84, %swap3A_85] {strides = array<i32>} : memref<64x768xf32, #tpu.memory_space<vmem>>, vector<1x16xf32>,
      %swap3A_87 = vector.shape_cast %swap3A_86 : vector<1x16xf32> to vector<16xf32>
      %swap3A_88 = vector.shape_cast %add3A_83 : vector<16xf32> to vector<1x16xf32>
      tpu.vector_store %arg12[%swap3A_84, %swap3A_85], %swap3A_88 {strides = array<i32>} : memref<64x768xf32, #tpu.memory_space<vmem>>, vector<1x16xf32>,
      %get3A_89 = arith.index_cast %scan3A_18 : i32 to index
      %get3A_90 = arith.constant 64 : index
      %get3A_91 = tpu.vector_load %arg12[%get3A_89, %get3A_90] {strides = array<i32>} : memref<64x768xf32, #tpu.memory_space<vmem>>, vector<1x16xf32>,
      %get3A_92 = vector.shape_cast %get3A_91 : vector<1x16xf32> to vector<16xf32>
      %get3A_93 = arith.index_cast %scan3A_18 : i32 to index
      %get3A_94 = arith.constant 64 : index
      %get3A_95 = tpu.vector_load %arg13[%get3A_93, %get3A_94] {strides = array<i32>} : memref<64x768xf32, #tpu.memory_space<vmem>>, vector<1x16xf32>,
      %get3A_96 = vector.shape_cast %get3A_95 : vector<1x16xf32> to vector<16xf32>
      %mul3A_97 = arith.mulf %get3A_21, %get3A_92 : vector<16xf32>
      %mul3A_98 = arith.mulf %get3A_25, %get3A_96 : vector<16xf32>
      %add3A_99 = arith.addf %mul3A_97, %mul3A_98 : vector<16xf32>
      %swap3A_100 = arith.index_cast %scan3A_18 : i32 to index
      %swap3A_101 = arith.constant 64 : index
      %swap3A_102 = tpu.vector_load %arg12[%swap3A_100, %swap3A_101] {strides = array<i32>} : memref<64x768xf32, #tpu.memory_space<vmem>>, vector<1x16xf32>,
      %swap3A_103 = vector.shape_cast %swap3A_102 : vector<1x16xf32> to vector<16xf32>
      %swap3A_104 = vector.shape_cast %add3A_99 : vector<16xf32> to vector<1x16xf32>
      tpu.vector_store %arg12[%swap3A_100, %swap3A_101], %swap3A_104 {strides = array<i32>} : memref<64x768xf32, #tpu.memory_space<vmem>>, vector<1x16xf32>,
      %get3A_105 = arith.index_cast %scan3A_18 : i32 to index
      %get3A_106 = arith.constant 80 : index
      %get3A_107 = tpu.vector_load %arg12[%get3A_105, %get3A_106] {strides = array<i32>} : memref<64x768xf32, #tpu.memory_space<vmem>>, vector<1x16xf32>,
      %get3A_108 = vector.shape_cast %get3A_107 : vector<1x16xf32> to vector<16xf32>
      %get3A_109 = arith.index_cast %scan3A_18 : i32 to index
      %get3A_110 = arith.constant 80 : index
      %get3A_111 = tpu.vector_load %arg13[%get3A_109, %get3A_110] {strides = array<i32>} : memref<64x768xf32, #tpu.memory_space<vmem>>, vector<1x16xf32>,
      %get3A_112 = vector.shape_cast %get3A_111 : vector<1x16xf32> to vector<16xf32>
      %mul3A_113 = arith.mulf %get3A_21, %get3A_108 : vector<16xf32>
      %mul3A_114 = arith.mulf %get3A_25, %get3A_112 : vector<16xf32>
      %add3A_115 = arith.addf %mul3A_113, %mul3A_114 : vector<16xf32>
      %swap3A_116 = arith.index_cast %scan3A_18 : i32 to index
      %swap3A_117 = arith.constant 80 : index
      %swap3A_118 = tpu.vector_load %arg12[%swap3A_116, %swap3A_117] {strides = array<i32>} : memref<64x768xf32, #tpu.memory_space<vmem>>, vector<1x16xf32>,
      %swap3A_119 = vector.shape_cast %swap3A_118 : vector<1x16xf32> to vector<16xf32>
      %swap3A_120 = vector.shape_cast %add3A_115 : vector<16xf32> to vector<1x16xf32>
      tpu.vector_store %arg12[%swap3A_116, %swap3A_117], %swap3A_120 {strides = array<i32>} : memref<64x768xf32, #tpu.memory_space<vmem>>, vector<1x16xf32>,
      %get3A_121 = arith.index_cast %scan3A_18 : i32 to index
      %get3A_122 = arith.constant 96 : index
      %get3A_123 = tpu.vector_load %arg12[%get3A_121, %get3A_122] {strides = array<i32>} : memref<64x768xf32, #tpu.memory_space<vmem>>, vector<1x16xf32>,
      %get3A_124 = vector.shape_cast %get3A_123 : vector<1x16xf32> to vector<16xf32>
      %get3A_125 = arith.index_cast %scan3A_18 : i32 to index
      %get3A_126 = arith.constant 96 : index
      %get3A_127 = tpu.vector_load %arg13[%get3A_125, %get3A_126] {strides = array<i32>} : memref<64x768xf32, #tpu.memory_space<vmem>>, vector<1x16xf32>,
      %get3A_128 = vector.shape_cast %get3A_127 : vector<1x16xf32> to vector<16xf32>
      %mul3A_129 = arith.mulf %get3A_21, %get3A_124 : vector<16xf32>
      %mul3A_130 = arith.mulf %get3A_25, %get3A_128 : vector<16xf32>
      %add3A_131 = arith.addf %mul3A_129, %mul3A_130 : vector<16xf32>
      %swap3A_132 = arith.index_cast %scan3A_18 : i32 to index
      %swap3A_133 = arith.constant 96 : index
      %swap3A_134 = tpu.vector_load %arg12[%swap3A_132, %swap3A_133] {strides = array<i32>} : memref<64x768xf32, #tpu.memory_space<vmem>>, vector<1x16xf32>,
      %swap3A_135 = vector.shape_cast %swap3A_134 : vector<1x16xf32> to vector<16xf32>
      %swap3A_136 = vector.shape_cast %add3A_131 : vector<16xf32> to vector<1x16xf32>
      tpu.vector_store %arg12[%swap3A_132, %swap3A_133], %swap3A_136 {strides = array<i32>} : memref<64x768xf32, #tpu.memory_space<vmem>>, vector<1x16xf32>,
      %get3A_137 = arith.index_cast %scan3A_18 : i32 to index
      %get3A_138 = arith.constant 112 : index
      %get3A_139 = tpu.vector_load %arg12[%get3A_137, %get3A_138] {strides = array<i32>} : memref<64x768xf32, #tpu.memory_space<vmem>>, vector<1x16xf32>,
      %get3A_140 = vector.shape_cast %get3A_139 : vector<1x16xf32> to vector<16xf32>
      %get3A_141 = arith.index_cast %scan3A_18 : i32 to index
      %get3A_142 = arith.constant 112 : index
      %get3A_143 = tpu.vector_load %arg13[%get3A_141, %get3A_142] {strides = array<i32>} : memref<64x768xf32, #tpu.memory_space<vmem>>, vector<1x16xf32>,
      %get3A_144 = vector.shape_cast %get3A_143 : vector<1x16xf32> to vector<16xf32>
      %mul3A_145 = arith.mulf %get3A_21, %get3A_140 : vector<16xf32>
      %mul3A_146 = arith.mulf %get3A_25, %get3A_144 : vector<16xf32>
      %add3A_147 = arith.addf %mul3A_145, %mul3A_146 : vector<16xf32>
      %swap3A_148 = arith.index_cast %scan3A_18 : i32 to index
      %swap3A_149 = arith.constant 112 : index
      %swap3A_150 = tpu.vector_load %arg12[%swap3A_148, %swap3A_149] {strides = array<i32>} : memref<64x768xf32, #tpu.memory_space<vmem>>, vector<1x16xf32>,
      %swap3A_151 = vector.shape_cast %swap3A_150 : vector<1x16xf32> to vector<16xf32>
      %swap3A_152 = vector.shape_cast %add3A_147 : vector<16xf32> to vector<1x16xf32>
      tpu.vector_store %arg12[%swap3A_148, %swap3A_149], %swap3A_152 {strides = array<i32>} : memref<64x768xf32, #tpu.memory_space<vmem>>, vector<1x16xf32>,
      %get3A_153 = arith.index_cast %scan3A_18 : i32 to index
      %get3A_154 = arith.constant 128 : index
      %get3A_155 = tpu.vector_load %arg12[%get3A_153, %get3A_154] {strides = array<i32>} : memref<64x768xf32, #tpu.memory_space<vmem>>, vector<1x16xf32>,
      %get3A_156 = vector.shape_cast %get3A_155 : vector<1x16xf32> to vector<16xf32>
      %get3A_157 = arith.index_cast %scan3A_18 : i32 to index
      %get3A_158 = arith.constant 128 : index
      %get3A_159 = tpu.vector_load %arg13[%get3A_157, %get3A_158] {strides = array<i32>} : memref<64x768xf32, #tpu.memory_space<vmem>>, vector<1x16xf32>,
      %get3A_160 = vector.shape_cast %get3A_159 : vector<1x16xf32> to vector<16xf32>
      %mul3A_161 = arith.mulf %get3A_21, %get3A_156 : vector<16xf32>
      %mul3A_162 = arith.mulf %get3A_25, %get3A_160 : vector<16xf32>
      %add3A_163 = arith.addf %mul3A_161, %mul3A_162 : vector<16xf32>
      %swap3A_164 = arith.index_cast %scan3A_18 : i32 to index
      %swap3A_165 = arith.constant 128 : index
      %swap3A_166 = tpu.vector_load %arg12[%swap3A_164, %swap3A_165] {strides = array<i32>} : memref<64x768xf32, #tpu.memory_space<vmem>>, vector<1x16xf32>,
      %swap3A_167 = vector.shape_cast %swap3A_166 : vector<1x16xf32> to vector<16xf32>
      %swap3A_168 = vector.shape_cast %add3A_163 : vector<16xf32> to vector<1x16xf32>
      tpu.vector_store %arg12[%swap3A_164, %swap3A_165], %swap3A_168 {strides = array<i32>} : memref<64x768xf32, #tpu.memory_space<vmem>>, vector<1x16xf32>,
      %get3A_169 = arith.index_cast %scan3A_18 : i32 to index
      %get3A_170 = arith.constant 144 : index
      %get3A_171 = tpu.vector_load %arg12[%get3A_169, %get3A_170] {strides = array<i32>} : memref<64x768xf32, #tpu.memory_space<vmem>>, vector<1x16xf32>,
      %get3A_172 = vector.shape_cast %get3A_171 : vector<1x16xf32> to vector<16xf32>
      %get3A_173 = arith.index_cast %scan3A_18 : i32 to index
      %get3A_174 = arith.constant 144 : index
      %get3A_175 = tpu.vector_load %arg13[%get3A_173, %get3A_174] {strides = array<i32>} : memref<64x768xf32, #tpu.memory_space<vmem>>, vector<1x16xf32>,
      %get3A_176 = vector.shape_cast %get3A_175 : vector<1x16xf32> to vector<16xf32>
      %mul3A_177 = arith.mulf %get3A_21, %get3A_172 : vector<16xf32>
      %mul3A_178 = arith.mulf %get3A_25, %get3A_176 : vector<16xf32>
      %add3A_179 = arith.addf %mul3A_177, %mul3A_178 : vector<16xf32>
      %swap3A_180 = arith.index_cast %scan3A_18 : i32 to index
      %swap3A_181 = arith.constant 144 : index
      %swap3A_182 = tpu.vector_load %arg12[%swap3A_180, %swap3A_181] {strides = array<i32>} : memref<64x768xf32, #tpu.memory_space<vmem>>, vector<1x16xf32>,
      %swap3A_183 = vector.shape_cast %swap3A_182 : vector<1x16xf32> to vector<16xf32>
      %swap3A_184 = vector.shape_cast %add3A_179 : vector<16xf32> to vector<1x16xf32>
      tpu.vector_store %arg12[%swap3A_180, %swap3A_181], %swap3A_184 {strides = array<i32>} : memref<64x768xf32, #tpu.memory_space<vmem>>, vector<1x16xf32>,
      %get3A_185 = arith.index_cast %scan3A_18 : i32 to index
      %get3A_186 = arith.constant 160 : index
      %get3A_187 = tpu.vector_load %arg12[%get3A_185, %get3A_186] {strides = array<i32>} : memref<64x768xf32, #tpu.memory_space<vmem>>, vector<1x16xf32>,
      %get3A_188 = vector.shape_cast %get3A_187 : vector<1x16xf32> to vector<16xf32>
      %get3A_189 = arith.index_cast %scan3A_18 : i32 to index
      %get3A_190 = arith.constant 160 : index
      %get3A_191 = tpu.vector_load %arg13[%get3A_189, %get3A_190] {strides = array<i32>} : memref<64x768xf32, #tpu.memory_space<vmem>>, vector<1x16xf32>,
      %get3A_192 = vector.shape_cast %get3A_191 : vector<1x16xf32> to vector<16xf32>
      %mul3A_193 = arith.mulf %get3A_21, %get3A_188 : vector<16xf32>
      %mul3A_194 = arith.mulf %get3A_25, %get3A_192 : vector<16xf32>
      %add3A_195 = arith.addf %mul3A_193, %mul3A_194 : vector<16xf32>
      %swap3A_196 = arith.index_cast %scan3A_18 : i32 to index
      %swap3A_197 = arith.constant 160 : index
      %swap3A_198 = tpu.vector_load %arg12[%swap3A_196, %swap3A_197] {strides = array<i32>} : memref<64x768xf32, #tpu.memory_space<vmem>>, vector<1x16xf32>,
      %swap3A_199 = vector.shape_cast %swap3A_198 : vector<1x16xf32> to vector<16xf32>
      %swap3A_200 = vector.shape_cast %add3A_195 : vector<16xf32> to vector<1x16xf32>
      tpu.vector_store %arg12[%swap3A_196, %swap3A_197], %swap3A_200 {strides = array<i32>} : memref<64x768xf32, #tpu.memory_space<vmem>>, vector<1x16xf32>,
      %get3A_201 = arith.index_cast %scan3A_18 : i32 to index
      %get3A_202 = arith.constant 176 : index
      %get3A_203 = tpu.vector_load %arg12[%get3A_201, %get3A_202] {strides = array<i32>} : memref<64x768xf32, #tpu.memory_space<vmem>>, vector<1x16xf32>,
      %get3A_204 = vector.shape_cast %get3A_203 : vector<1x16xf32> to vector<16xf32>
      %get3A_205 = arith.index_cast %scan3A_18 : i32 to index
      %get3A_206 = arith.constant 176 : index
      %get3A_207 = tpu.vector_load %arg13[%get3A_205, %get3A_206] {strides = array<i32>} : memref<64x768xf32, #tpu.memory_space<vmem>>, vector<1x16xf32>,
      %get3A_208 = vector.shape_cast %get3A_207 : vector<1x16xf32> to vector<16xf32>
      %mul3A_209 = arith.mulf %get3A_21, %get3A_204 : vector<16xf32>
      %mul3A_210 = arith.mulf %get3A_25, %get3A_208 : vector<16xf32>
      %add3A_211 = arith.addf %mul3A_209, %mul3A_210 : vector<16xf32>
      %swap3A_212 = arith.index_cast %scan3A_18 : i32 to index
      %swap3A_213 = arith.constant 176 : index
      %swap3A_214 = tpu.vector_load %arg12[%swap3A_212, %swap3A_213] {strides = array<i32>} : memref<64x768xf32, #tpu.memory_space<vmem>>, vector<1x16xf32>,
      %swap3A_215 = vector.shape_cast %swap3A_214 : vector<1x16xf32> to vector<16xf32>
      %swap3A_216 = vector.shape_cast %add3A_211 : vector<16xf32> to vector<1x16xf32>
      tpu.vector_store %arg12[%swap3A_212, %swap3A_213], %swap3A_216 {strides = array<i32>} : memref<64x768xf32, #tpu.memory_space<vmem>>, vector<1x16xf32>,
      %get3A_217 = arith.index_cast %scan3A_18 : i32 to index
      %get3A_218 = arith.constant 192 : index
      %get3A_219 = tpu.vector_load %arg12[%get3A_217, %get3A_218] {strides = array<i32>} : memref<64x768xf32, #tpu.memory_space<vmem>>, vector<1x16xf32>,
      %get3A_220 = vector.shape_cast %get3A_219 : vector<1x16xf32> to vector<16xf32>
      %get3A_221 = arith.index_cast %scan3A_18 : i32 to index
      %get3A_222 = arith.constant 192 : index
      %get3A_223 = tpu.vector_load %arg13[%get3A_221, %get3A_222] {strides = array<i32>} : memref<64x768xf32, #tpu.memory_space<vmem>>, vector<1x16xf32>,
      %get3A_224 = vector.shape_cast %get3A_223 : vector<1x16xf32> to vector<16xf32>
      %mul3A_225 = arith.mulf %get3A_21, %get3A_220 : vector<16xf32>
      %mul3A_226 = arith.mulf %get3A_25, %get3A_224 : vector<16xf32>
      %add3A_227 = arith.addf %mul3A_225, %mul3A_226 : vector<16xf32>
      %swap3A_228 = arith.index_cast %scan3A_18 : i32 to index
      %swap3A_229 = arith.constant 192 : index
      %swap3A_230 = tpu.vector_load %arg12[%swap3A_228, %swap3A_229] {strides = array<i32>} : memref<64x768xf32, #tpu.memory_space<vmem>>, vector<1x16xf32>,
      %swap3A_231 = vector.shape_cast %swap3A_230 : vector<1x16xf32> to vector<16xf32>
      %swap3A_232 = vector.shape_cast %add3A_227 : vector<16xf32> to vector<1x16xf32>
      tpu.vector_store %arg12[%swap3A_228, %swap3A_229], %swap3A_232 {strides = array<i32>} : memref<64x768xf32, #tpu.memory_space<vmem>>, vector<1x16xf32>,
      %get3A_233 = arith.index_cast %scan3A_18 : i32 to index
      %get3A_234 = arith.constant 208 : index
      %get3A_235 = tpu.vector_load %arg12[%get3A_233, %get3A_234] {strides = array<i32>} : memref<64x768xf32, #tpu.memory_space<vmem>>, vector<1x16xf32>,
      %get3A_236 = vector.shape_cast %get3A_235 : vector<1x16xf32> to vector<16xf32>
      %get3A_237 = arith.index_cast %scan3A_18 : i32 to index
      %get3A_238 = arith.constant 208 : index
      %get3A_239 = tpu.vector_load %arg13[%get3A_237, %get3A_238] {strides = array<i32>} : memref<64x768xf32, #tpu.memory_space<vmem>>, vector<1x16xf32>,
      %get3A_240 = vector.shape_cast %get3A_239 : vector<1x16xf32> to vector<16xf32>
      %mul3A_241 = arith.mulf %get3A_21, %get3A_236 : vector<16xf32>
      %mul3A_242 = arith.mulf %get3A_25, %get3A_240 : vector<16xf32>
      %add3A_243 = arith.addf %mul3A_241, %mul3A_242 : vector<16xf32>
      %swap3A_244 = arith.index_cast %scan3A_18 : i32 to index
      %swap3A_245 = arith.constant 208 : index
      %swap3A_246 = tpu.vector_load %arg12[%swap3A_244, %swap3A_245] {strides = array<i32>} : memref<64x768xf32, #tpu.memory_space<vmem>>, vector<1x16xf32>,
      %swap3A_247 = vector.shape_cast %swap3A_246 : vector<1x16xf32> to vector<16xf32>
      %swap3A_248 = vector.shape_cast %add3A_243 : vector<16xf32> to vector<1x16xf32>
      tpu.vector_store %arg12[%swap3A_244, %swap3A_245], %swap3A_248 {strides = array<i32>} : memref<64x768xf32, #tpu.memory_space<vmem>>, vector<1x16xf32>,
      %get3A_249 = arith.index_cast %scan3A_18 : i32 to index
      %get3A_250 = arith.constant 224 : index
      %get3A_251 = tpu.vector_load %arg12[%get3A_249, %get3A_250] {strides = array<i32>} : memref<64x768xf32, #tpu.memory_space<vmem>>, vector<1x16xf32>,
      %get3A_252 = vector.shape_cast %get3A_251 : vector<1x16xf32> to vector<16xf32>
      %get3A_253 = arith.index_cast %scan3A_18 : i32 to index
      %get3A_254 = arith.constant 224 : index
      %get3A_255 = tpu.vector_load %arg13[%get3A_253, %get3A_254] {strides = array<i32>} : memref<64x768xf32, #tpu.memory_space<vmem>>, vector<1x16xf32>,
      %get3A_256 = vector.shape_cast %get3A_255 : vector<1x16xf32> to vector<16xf32>
      %mul3A_257 = arith.mulf %get3A_21, %get3A_252 : vector<16xf32>
      %mul3A_258 = arith.mulf %get3A_25, %get3A_256 : vector<16xf32>
      %add3A_259 = arith.addf %mul3A_257, %mul3A_258 : vector<16xf32>
      %swap3A_260 = arith.index_cast %scan3A_18 : i32 to index
      %swap3A_261 = arith.constant 224 : index
      %swap3A_262 = tpu.vector_load %arg12[%swap3A_260, %swap3A_261] {strides = array<i32>} : memref<64x768xf32, #tpu.memory_space<vmem>>, vector<1x16xf32>,
      %swap3A_263 = vector.shape_cast %swap3A_262 : vector<1x16xf32> to vector<16xf32>
      %swap3A_264 = vector.shape_cast %add3A_259 : vector<16xf32> to vector<1x16xf32>
      tpu.vector_store %arg12[%swap3A_260, %swap3A_261], %swap3A_264 {strides = array<i32>} : memref<64x768xf32, #tpu.memory_space<vmem>>, vector<1x16xf32>,
      %get3A_265 = arith.index_cast %scan3A_18 : i32 to index
      %get3A_266 = arith.constant 240 : index
      %get3A_267 = tpu.vector_load %arg12[%get3A_265, %get3A_266] {strides = array<i32>} : memref<64x768xf32, #tpu.memory_space<vmem>>, vector<1x16xf32>,
      %get3A_268 = vector.shape_cast %get3A_267 : vector<1x16xf32> to vector<16xf32>
      %get3A_269 = arith.index_cast %scan3A_18 : i32 to index
      %get3A_270 = arith.constant 240 : index
      %get3A_271 = tpu.vector_load %arg13[%get3A_269, %get3A_270] {strides = array<i32>} : memref<64x768xf32, #tpu.memory_space<vmem>>, vector<1x16xf32>,
      %get3A_272 = vector.shape_cast %get3A_271 : vector<1x16xf32> to vector<16xf32>
      %mul3A_273 = arith.mulf %get3A_21, %get3A_268 : vector<16xf32>
      %mul3A_274 = arith.mulf %get3A_25, %get3A_272 : vector<16xf32>
      %add3A_275 = arith.addf %mul3A_273, %mul3A_274 : vector<16xf32>
      %swap3A_276 = arith.index_cast %scan3A_18 : i32 to index
      %swap3A_277 = arith.constant 240 : index
      %swap3A_278 = tpu.vector_load %arg12[%swap3A_276, %swap3A_277] {strides = array<i32>} : memref<64x768xf32, #tpu.memory_space<vmem>>, vector<1x16xf32>,
      %swap3A_279 = vector.shape_cast %swap3A_278 : vector<1x16xf32> to vector<16xf32>
      %swap3A_280 = vector.shape_cast %add3A_275 : vector<16xf32> to vector<1x16xf32>
      tpu.vector_store %arg12[%swap3A_276, %swap3A_277], %swap3A_280 {strides = array<i32>} : memref<64x768xf32, #tpu.memory_space<vmem>>, vector<1x16xf32>,
      %get3A_281 = arith.index_cast %scan3A_18 : i32 to index
      %get3A_282 = arith.constant 256 : index
      %get3A_283 = tpu.vector_load %arg12[%get3A_281, %get3A_282] {strides = array<i32>} : memref<64x768xf32, #tpu.memory_space<vmem>>, vector<1x16xf32>,
      %get3A_284 = vector.shape_cast %get3A_283 : vector<1x16xf32> to vector<16xf32>
      %get3A_285 = arith.index_cast %scan3A_18 : i32 to index
      %get3A_286 = arith.constant 256 : index
      %get3A_287 = tpu.vector_load %arg13[%get3A_285, %get3A_286] {strides = array<i32>} : memref<64x768xf32, #tpu.memory_space<vmem>>, vector<1x16xf32>,
      %get3A_288 = vector.shape_cast %get3A_287 : vector<1x16xf32> to vector<16xf32>
      %mul3A_289 = arith.mulf %get3A_21, %get3A_284 : vector<16xf32>
      %mul3A_290 = arith.mulf %get3A_25, %get3A_288 : vector<16xf32>
      %add3A_291 = arith.addf %mul3A_289, %mul3A_290 : vector<16xf32>
      %swap3A_292 = arith.index_cast %scan3A_18 : i32 to index
      %swap3A_293 = arith.constant 256 : index
      %swap3A_294 = tpu.vector_load %arg12[%swap3A_292, %swap3A_293] {strides = array<i32>} : memref<64x768xf32, #tpu.memory_space<vmem>>, vector<1x16xf32>,
      %swap3A_295 = vector.shape_cast %swap3A_294 : vector<1x16xf32> to vector<16xf32>
      %swap3A_296 = vector.shape_cast %add3A_291 : vector<16xf32> to vector<1x16xf32>
      tpu.vector_store %arg12[%swap3A_292, %swap3A_293], %swap3A_296 {strides = array<i32>} : memref<64x768xf32, #tpu.memory_space<vmem>>, vector<1x16xf32>,
      %get3A_297 = arith.index_cast %scan3A_18 : i32 to index
      %get3A_298 = arith.constant 272 : index
      %get3A_299 = tpu.vector_load %arg12[%get3A_297, %get3A_298] {strides = array<i32>} : memref<64x768xf32, #tpu.memory_space<vmem>>, vector<1x16xf32>,
      %get3A_300 = vector.shape_cast %get3A_299 : vector<1x16xf32> to vector<16xf32>
      %get3A_301 = arith.index_cast %scan3A_18 : i32 to index
      %get3A_302 = arith.constant 272 : index
      %get3A_303 = tpu.vector_load %arg13[%get3A_301, %get3A_302] {strides = array<i32>} : memref<64x768xf32, #tpu.memory_space<vmem>>, vector<1x16xf32>,
      %get3A_304 = vector.shape_cast %get3A_303 : vector<1x16xf32> to vector<16xf32>
      %mul3A_305 = arith.mulf %get3A_21, %get3A_300 : vector<16xf32>
      %mul3A_306 = arith.mulf %get3A_25, %get3A_304 : vector<16xf32>
      %add3A_307 = arith.addf %mul3A_305, %mul3A_306 : vector<16xf32>
      %swap3A_308 = arith.index_cast %scan3A_18 : i32 to index
      %swap3A_309 = arith.constant 272 : index
      %swap3A_310 = tpu.vector_load %arg12[%swap3A_308, %swap3A_309] {strides = array<i32>} : memref<64x768xf32, #tpu.memory_space<vmem>>, vector<1x16xf32>,
      %swap3A_311 = vector.shape_cast %swap3A_310 : vector<1x16xf32> to vector<16xf32>
      %swap3A_312 = vector.shape_cast %add3A_307 : vector<16xf32> to vector<1x16xf32>
      tpu.vector_store %arg12[%swap3A_308, %swap3A_309], %swap3A_312 {strides = array<i32>} : memref<64x768xf32, #tpu.memory_space<vmem>>, vector<1x16xf32>,
      %get3A_313 = arith.index_cast %scan3A_18 : i32 to index
      %get3A_314 = arith.constant 288 : index
      %get3A_315 = tpu.vector_load %arg12[%get3A_313, %get3A_314] {strides = array<i32>} : memref<64x768xf32, #tpu.memory_space<vmem>>, vector<1x16xf32>,
      %get3A_316 = vector.shape_cast %get3A_315 : vector<1x16xf32> to vector<16xf32>
      %get3A_317 = arith.index_cast %scan3A_18 : i32 to index
      %get3A_318 = arith.constant 288 : index
      %get3A_319 = tpu.vector_load %arg13[%get3A_317, %get3A_318] {strides = array<i32>} : memref<64x768xf32, #tpu.memory_space<vmem>>, vector<1x16xf32>,
      %get3A_320 = vector.shape_cast %get3A_319 : vector<1x16xf32> to vector<16xf32>
      %mul3A_321 = arith.mulf %get3A_21, %get3A_316 : vector<16xf32>
      %mul3A_322 = arith.mulf %get3A_25, %get3A_320 : vector<16xf32>
      %add3A_323 = arith.addf %mul3A_321, %mul3A_322 : vector<16xf32>
      %swap3A_324 = arith.index_cast %scan3A_18 : i32 to index
      %swap3A_325 = arith.constant 288 : index
      %swap3A_326 = tpu.vector_load %arg12[%swap3A_324, %swap3A_325] {strides = array<i32>} : memref<64x768xf32, #tpu.memory_space<vmem>>, vector<1x16xf32>,
      %swap3A_327 = vector.shape_cast %swap3A_326 : vector<1x16xf32> to vector<16xf32>
      %swap3A_328 = vector.shape_cast %add3A_323 : vector<16xf32> to vector<1x16xf32>
      tpu.vector_store %arg12[%swap3A_324, %swap3A_325], %swap3A_328 {strides = array<i32>} : memref<64x768xf32, #tpu.memory_space<vmem>>, vector<1x16xf32>,
      %get3A_329 = arith.index_cast %scan3A_18 : i32 to index
      %get3A_330 = arith.constant 304 : index
      %get3A_331 = tpu.vector_load %arg12[%get3A_329, %get3A_330] {strides = array<i32>} : memref<64x768xf32, #tpu.memory_space<vmem>>, vector<1x16xf32>,
      %get3A_332 = vector.shape_cast %get3A_331 : vector<1x16xf32> to vector<16xf32>
      %get3A_333 = arith.index_cast %scan3A_18 : i32 to index
      %get3A_334 = arith.constant 304 : index
      %get3A_335 = tpu.vector_load %arg13[%get3A_333, %get3A_334] {strides = array<i32>} : memref<64x768xf32, #tpu.memory_space<vmem>>, vector<1x16xf32>,
      %get3A_336 = vector.shape_cast %get3A_335 : vector<1x16xf32> to vector<16xf32>
      %mul3A_337 = arith.mulf %get3A_21, %get3A_332 : vector<16xf32>
      %mul3A_338 = arith.mulf %get3A_25, %get3A_336 : vector<16xf32>
      %add3A_339 = arith.addf %mul3A_337, %mul3A_338 : vector<16xf32>
      %swap3A_340 = arith.index_cast %scan3A_18 : i32 to index
      %swap3A_341 = arith.constant 304 : index
      %swap3A_342 = tpu.vector_load %arg12[%swap3A_340, %swap3A_341] {strides = array<i32>} : memref<64x768xf32, #tpu.memory_space<vmem>>, vector<1x16xf32>,
      %swap3A_343 = vector.shape_cast %swap3A_342 : vector<1x16xf32> to vector<16xf32>
      %swap3A_344 = vector.shape_cast %add3A_339 : vector<16xf32> to vector<1x16xf32>
      tpu.vector_store %arg12[%swap3A_340, %swap3A_341], %swap3A_344 {strides = array<i32>} : memref<64x768xf32, #tpu.memory_space<vmem>>, vector<1x16xf32>,
      %get3A_345 = arith.index_cast %scan3A_18 : i32 to index
      %get3A_346 = arith.constant 320 : index
      %get3A_347 = tpu.vector_load %arg12[%get3A_345, %get3A_346] {strides = array<i32>} : memref<64x768xf32, #tpu.memory_space<vmem>>, vector<1x16xf32>,
      %get3A_348 = vector.shape_cast %get3A_347 : vector<1x16xf32> to vector<16xf32>
      %get3A_349 = arith.index_cast %scan3A_18 : i32 to index
      %get3A_350 = arith.constant 320 : index
      %get3A_351 = tpu.vector_load %arg13[%get3A_349, %get3A_350] {strides = array<i32>} : memref<64x768xf32, #tpu.memory_space<vmem>>, vector<1x16xf32>,
      %get3A_352 = vector.shape_cast %get3A_351 : vector<1x16xf32> to vector<16xf32>
      %mul3A_353 = arith.mulf %get3A_21, %get3A_348 : vector<16xf32>
      %mul3A_354 = arith.mulf %get3A_25, %get3A_352 : vector<16xf32>
      %add3A_355 = arith.addf %mul3A_353, %mul3A_354 : vector<16xf32>
      %swap3A_356 = arith.index_cast %scan3A_18 : i32 to index
      %swap3A_357 = arith.constant 320 : index
      %swap3A_358 = tpu.vector_load %arg12[%swap3A_356, %swap3A_357] {strides = array<i32>} : memref<64x768xf32, #tpu.memory_space<vmem>>, vector<1x16xf32>,
      %swap3A_359 = vector.shape_cast %swap3A_358 : vector<1x16xf32> to vector<16xf32>
      %swap3A_360 = vector.shape_cast %add3A_355 : vector<16xf32> to vector<1x16xf32>
      tpu.vector_store %arg12[%swap3A_356, %swap3A_357], %swap3A_360 {strides = array<i32>} : memref<64x768xf32, #tpu.memory_space<vmem>>, vector<1x16xf32>,
      %get3A_361 = arith.index_cast %scan3A_18 : i32 to index
      %get3A_362 = arith.constant 336 : index
      %get3A_363 = tpu.vector_load %arg12[%get3A_361, %get3A_362] {strides = array<i32>} : memref<64x768xf32, #tpu.memory_space<vmem>>, vector<1x16xf32>,
      %get3A_364 = vector.shape_cast %get3A_363 : vector<1x16xf32> to vector<16xf32>
      %get3A_365 = arith.index_cast %scan3A_18 : i32 to index
      %get3A_366 = arith.constant 336 : index
      %get3A_367 = tpu.vector_load %arg13[%get3A_365, %get3A_366] {strides = array<i32>} : memref<64x768xf32, #tpu.memory_space<vmem>>, vector<1x16xf32>,
      %get3A_368 = vector.shape_cast %get3A_367 : vector<1x16xf32> to vector<16xf32>
      %mul3A_369 = arith.mulf %get3A_21, %get3A_364 : vector<16xf32>
      %mul3A_370 = arith.mulf %get3A_25, %get3A_368 : vector<16xf32>
      %add3A_371 = arith.addf %mul3A_369, %mul3A_370 : vector<16xf32>
      %swap3A_372 = arith.index_cast %scan3A_18 : i32 to index
      %swap3A_373 = arith.constant 336 : index
      %swap3A_374 = tpu.vector_load %arg12[%swap3A_372, %swap3A_373] {strides = array<i32>} : memref<64x768xf32, #tpu.memory_space<vmem>>, vector<1x16xf32>,
      %swap3A_375 = vector.shape_cast %swap3A_374 : vector<1x16xf32> to vector<16xf32>
      %swap3A_376 = vector.shape_cast %add3A_371 : vector<16xf32> to vector<1x16xf32>
      tpu.vector_store %arg12[%swap3A_372, %swap3A_373], %swap3A_376 {strides = array<i32>} : memref<64x768xf32, #tpu.memory_space<vmem>>, vector<1x16xf32>,
      %get3A_377 = arith.index_cast %scan3A_18 : i32 to index
      %get3A_378 = arith.constant 352 : index
      %get3A_379 = tpu.vector_load %arg12[%get3A_377, %get3A_378] {strides = array<i32>} : memref<64x768xf32, #tpu.memory_space<vmem>>, vector<1x16xf32>,
      %get3A_380 = vector.shape_cast %get3A_379 : vector<1x16xf32> to vector<16xf32>
      %get3A_381 = arith.index_cast %scan3A_18 : i32 to index
      %get3A_382 = arith.constant 352 : index
      %get3A_383 = tpu.vector_load %arg13[%get3A_381, %get3A_382] {strides = array<i32>} : memref<64x768xf32, #tpu.memory_space<vmem>>, vector<1x16xf32>,
      %get3A_384 = vector.shape_cast %get3A_383 : vector<1x16xf32> to vector<16xf32>
      %mul3A_385 = arith.mulf %get3A_21, %get3A_380 : vector<16xf32>
      %mul3A_386 = arith.mulf %get3A_25, %get3A_384 : vector<16xf32>
      %add3A_387 = arith.addf %mul3A_385, %mul3A_386 : vector<16xf32>
      %swap3A_388 = arith.index_cast %scan3A_18 : i32 to index
      %swap3A_389 = arith.constant 352 : index
      %swap3A_390 = tpu.vector_load %arg12[%swap3A_388, %swap3A_389] {strides = array<i32>} : memref<64x768xf32, #tpu.memory_space<vmem>>, vector<1x16xf32>,
      %swap3A_391 = vector.shape_cast %swap3A_390 : vector<1x16xf32> to vector<16xf32>
      %swap3A_392 = vector.shape_cast %add3A_387 : vector<16xf32> to vector<1x16xf32>
      tpu.vector_store %arg12[%swap3A_388, %swap3A_389], %swap3A_392 {strides = array<i32>} : memref<64x768xf32, #tpu.memory_space<vmem>>, vector<1x16xf32>,
      %get3A_393 = arith.index_cast %scan3A_18 : i32 to index
      %get3A_394 = arith.constant 368 : index
      %get3A_395 = tpu.vector_load %arg12[%get3A_393, %get3A_394] {strides = array<i32>} : memref<64x768xf32, #tpu.memory_space<vmem>>, vector<1x16xf32>,
      %get3A_396 = vector.shape_cast %get3A_395 : vector<1x16xf32> to vector<16xf32>
      %get3A_397 = arith.index_cast %scan3A_18 : i32 to index
      %get3A_398 = arith.constant 368 : index
      %get3A_399 = tpu.vector_load %arg13[%get3A_397, %get3A_398] {strides = array<i32>} : memref<64x768xf32, #tpu.memory_space<vmem>>, vector<1x16xf32>,
      %get3A_400 = vector.shape_cast %get3A_399 : vector<1x16xf32> to vector<16xf32>
      %mul3A_401 = arith.mulf %get3A_21, %get3A_396 : vector<16xf32>
      %mul3A_402 = arith.mulf %get3A_25, %get3A_400 : vector<16xf32>
      %add3A_403 = arith.addf %mul3A_401, %mul3A_402 : vector<16xf32>
      %swap3A_404 = arith.index_cast %scan3A_18 : i32 to index
      %swap3A_405 = arith.constant 368 : index
      %swap3A_406 = tpu.vector_load %arg12[%swap3A_404, %swap3A_405] {strides = array<i32>} : memref<64x768xf32, #tpu.memory_space<vmem>>, vector<1x16xf32>,
      %swap3A_407 = vector.shape_cast %swap3A_406 : vector<1x16xf32> to vector<16xf32>
      %swap3A_408 = vector.shape_cast %add3A_403 : vector<16xf32> to vector<1x16xf32>
      tpu.vector_store %arg12[%swap3A_404, %swap3A_405], %swap3A_408 {strides = array<i32>} : memref<64x768xf32, #tpu.memory_space<vmem>>, vector<1x16xf32>,
      %get3A_409 = arith.index_cast %scan3A_18 : i32 to index
      %get3A_410 = arith.constant 384 : index
      %get3A_411 = tpu.vector_load %arg12[%get3A_409, %get3A_410] {strides = array<i32>} : memref<64x768xf32, #tpu.memory_space<vmem>>, vector<1x16xf32>,
      %get3A_412 = vector.shape_cast %get3A_411 : vector<1x16xf32> to vector<16xf32>
      %get3A_413 = arith.index_cast %scan3A_18 : i32 to index
      %get3A_414 = arith.constant 384 : index
      %get3A_415 = tpu.vector_load %arg13[%get3A_413, %get3A_414] {strides = array<i32>} : memref<64x768xf32, #tpu.memory_space<vmem>>, vector<1x16xf32>,
      %get3A_416 = vector.shape_cast %get3A_415 : vector<1x16xf32> to vector<16xf32>
      %mul3A_417 = arith.mulf %get3A_21, %get3A_412 : vector<16xf32>
      %mul3A_418 = arith.mulf %get3A_25, %get3A_416 : vector<16xf32>
      %add3A_419 = arith.addf %mul3A_417, %mul3A_418 : vector<16xf32>
      %swap3A_420 = arith.index_cast %scan3A_18 : i32 to index
      %swap3A_421 = arith.constant 384 : index
      %swap3A_422 = tpu.vector_load %arg12[%swap3A_420, %swap3A_421] {strides = array<i32>} : memref<64x768xf32, #tpu.memory_space<vmem>>, vector<1x16xf32>,
      %swap3A_423 = vector.shape_cast %swap3A_422 : vector<1x16xf32> to vector<16xf32>
      %swap3A_424 = vector.shape_cast %add3A_419 : vector<16xf32> to vector<1x16xf32>
      tpu.vector_store %arg12[%swap3A_420, %swap3A_421], %swap3A_424 {strides = array<i32>} : memref<64x768xf32, #tpu.memory_space<vmem>>, vector<1x16xf32>,
      %get3A_425 = arith.index_cast %scan3A_18 : i32 to index
      %get3A_426 = arith.constant 400 : index
      %get3A_427 = tpu.vector_load %arg12[%get3A_425, %get3A_426] {strides = array<i32>} : memref<64x768xf32, #tpu.memory_space<vmem>>, vector<1x16xf32>,
      %get3A_428 = vector.shape_cast %get3A_427 : vector<1x16xf32> to vector<16xf32>
      %get3A_429 = arith.index_cast %scan3A_18 : i32 to index
      %get3A_430 = arith.constant 400 : index
      %get3A_431 = tpu.vector_load %arg13[%get3A_429, %get3A_430] {strides = array<i32>} : memref<64x768xf32, #tpu.memory_space<vmem>>, vector<1x16xf32>,
      %get3A_432 = vector.shape_cast %get3A_431 : vector<1x16xf32> to vector<16xf32>
      %mul3A_433 = arith.mulf %get3A_21, %get3A_428 : vector<16xf32>
      %mul3A_434 = arith.mulf %get3A_25, %get3A_432 : vector<16xf32>
      %add3A_435 = arith.addf %mul3A_433, %mul3A_434 : vector<16xf32>
      %swap3A_436 = arith.index_cast %scan3A_18 : i32 to index
      %swap3A_437 = arith.constant 400 : index
      %swap3A_438 = tpu.vector_load %arg12[%swap3A_436, %swap3A_437] {strides = array<i32>} : memref<64x768xf32, #tpu.memory_space<vmem>>, vector<1x16xf32>,
      %swap3A_439 = vector.shape_cast %swap3A_438 : vector<1x16xf32> to vector<16xf32>
      %swap3A_440 = vector.shape_cast %add3A_435 : vector<16xf32> to vector<1x16xf32>
      tpu.vector_store %arg12[%swap3A_436, %swap3A_437], %swap3A_440 {strides = array<i32>} : memref<64x768xf32, #tpu.memory_space<vmem>>, vector<1x16xf32>,
      %get3A_441 = arith.index_cast %scan3A_18 : i32 to index
      %get3A_442 = arith.constant 416 : index
      %get3A_443 = tpu.vector_load %arg12[%get3A_441, %get3A_442] {strides = array<i32>} : memref<64x768xf32, #tpu.memory_space<vmem>>, vector<1x16xf32>,
      %get3A_444 = vector.shape_cast %get3A_443 : vector<1x16xf32> to vector<16xf32>
      %get3A_445 = arith.index_cast %scan3A_18 : i32 to index
      %get3A_446 = arith.constant 416 : index
      %get3A_447 = tpu.vector_load %arg13[%get3A_445, %get3A_446] {strides = array<i32>} : memref<64x768xf32, #tpu.memory_space<vmem>>, vector<1x16xf32>,
      %get3A_448 = vector.shape_cast %get3A_447 : vector<1x16xf32> to vector<16xf32>
      %mul3A_449 = arith.mulf %get3A_21, %get3A_444 : vector<16xf32>
      %mul3A_450 = arith.mulf %get3A_25, %get3A_448 : vector<16xf32>
      %add3A_451 = arith.addf %mul3A_449, %mul3A_450 : vector<16xf32>
      %swap3A_452 = arith.index_cast %scan3A_18 : i32 to index
      %swap3A_453 = arith.constant 416 : index
      %swap3A_454 = tpu.vector_load %arg12[%swap3A_452, %swap3A_453] {strides = array<i32>} : memref<64x768xf32, #tpu.memory_space<vmem>>, vector<1x16xf32>,
      %swap3A_455 = vector.shape_cast %swap3A_454 : vector<1x16xf32> to vector<16xf32>
      %swap3A_456 = vector.shape_cast %add3A_451 : vector<16xf32> to vector<1x16xf32>
      tpu.vector_store %arg12[%swap3A_452, %swap3A_453], %swap3A_456 {strides = array<i32>} : memref<64x768xf32, #tpu.memory_space<vmem>>, vector<1x16xf32>,
      %get3A_457 = arith.index_cast %scan3A_18 : i32 to index
      %get3A_458 = arith.constant 432 : index
      %get3A_459 = tpu.vector_load %arg12[%get3A_457, %get3A_458] {strides = array<i32>} : memref<64x768xf32, #tpu.memory_space<vmem>>, vector<1x16xf32>,
      %get3A_460 = vector.shape_cast %get3A_459 : vector<1x16xf32> to vector<16xf32>
      %get3A_461 = arith.index_cast %scan3A_18 : i32 to index
      %get3A_462 = arith.constant 432 : index
      %get3A_463 = tpu.vector_load %arg13[%get3A_461, %get3A_462] {strides = array<i32>} : memref<64x768xf32, #tpu.memory_space<vmem>>, vector<1x16xf32>,
      %get3A_464 = vector.shape_cast %get3A_463 : vector<1x16xf32> to vector<16xf32>
      %mul3A_465 = arith.mulf %get3A_21, %get3A_460 : vector<16xf32>
      %mul3A_466 = arith.mulf %get3A_25, %get3A_464 : vector<16xf32>
      %add3A_467 = arith.addf %mul3A_465, %mul3A_466 : vector<16xf32>
      %swap3A_468 = arith.index_cast %scan3A_18 : i32 to index
      %swap3A_469 = arith.constant 432 : index
      %swap3A_470 = tpu.vector_load %arg12[%swap3A_468, %swap3A_469] {strides = array<i32>} : memref<64x768xf32, #tpu.memory_space<vmem>>, vector<1x16xf32>,
      %swap3A_471 = vector.shape_cast %swap3A_470 : vector<1x16xf32> to vector<16xf32>
      %swap3A_472 = vector.shape_cast %add3A_467 : vector<16xf32> to vector<1x16xf32>
      tpu.vector_store %arg12[%swap3A_468, %swap3A_469], %swap3A_472 {strides = array<i32>} : memref<64x768xf32, #tpu.memory_space<vmem>>, vector<1x16xf32>,
      %get3A_473 = arith.index_cast %scan3A_18 : i32 to index
      %get3A_474 = arith.constant 448 : index
      %get3A_475 = tpu.vector_load %arg12[%get3A_473, %get3A_474] {strides = array<i32>} : memref<64x768xf32, #tpu.memory_space<vmem>>, vector<1x16xf32>,
      %get3A_476 = vector.shape_cast %get3A_475 : vector<1x16xf32> to vector<16xf32>
      %get3A_477 = arith.index_cast %scan3A_18 : i32 to index
      %get3A_478 = arith.constant 448 : index
      %get3A_479 = tpu.vector_load %arg13[%get3A_477, %get3A_478] {strides = array<i32>} : memref<64x768xf32, #tpu.memory_space<vmem>>, vector<1x16xf32>,
      %get3A_480 = vector.shape_cast %get3A_479 : vector<1x16xf32> to vector<16xf32>
      %mul3A_481 = arith.mulf %get3A_21, %get3A_476 : vector<16xf32>
      %mul3A_482 = arith.mulf %get3A_25, %get3A_480 : vector<16xf32>
      %add3A_483 = arith.addf %mul3A_481, %mul3A_482 : vector<16xf32>
      %swap3A_484 = arith.index_cast %scan3A_18 : i32 to index
      %swap3A_485 = arith.constant 448 : index
      %swap3A_486 = tpu.vector_load %arg12[%swap3A_484, %swap3A_485] {strides = array<i32>} : memref<64x768xf32, #tpu.memory_space<vmem>>, vector<1x16xf32>,
      %swap3A_487 = vector.shape_cast %swap3A_486 : vector<1x16xf32> to vector<16xf32>
      %swap3A_488 = vector.shape_cast %add3A_483 : vector<16xf32> to vector<1x16xf32>
      tpu.vector_store %arg12[%swap3A_484, %swap3A_485], %swap3A_488 {strides = array<i32>} : memref<64x768xf32, #tpu.memory_space<vmem>>, vector<1x16xf32>,
      %get3A_489 = arith.index_cast %scan3A_18 : i32 to index
      %get3A_490 = arith.constant 464 : index
      %get3A_491 = tpu.vector_load %arg12[%get3A_489, %get3A_490] {strides = array<i32>} : memref<64x768xf32, #tpu.memory_space<vmem>>, vector<1x16xf32>,
      %get3A_492 = vector.shape_cast %get3A_491 : vector<1x16xf32> to vector<16xf32>
      %get3A_493 = arith.index_cast %scan3A_18 : i32 to index
      %get3A_494 = arith.constant 464 : index
      %get3A_495 = tpu.vector_load %arg13[%get3A_493, %get3A_494] {strides = array<i32>} : memref<64x768xf32, #tpu.memory_space<vmem>>, vector<1x16xf32>,
      %get3A_496 = vector.shape_cast %get3A_495 : vector<1x16xf32> to vector<16xf32>
      %mul3A_497 = arith.mulf %get3A_21, %get3A_492 : vector<16xf32>
      %mul3A_498 = arith.mulf %get3A_25, %get3A_496 : vector<16xf32>
      %add3A_499 = arith.addf %mul3A_497, %mul3A_498 : vector<16xf32>
      %swap3A_500 = arith.index_cast %scan3A_18 : i32 to index
      %swap3A_501 = arith.constant 464 : index
      %swap3A_502 = tpu.vector_load %arg12[%swap3A_500, %swap3A_501] {strides = array<i32>} : memref<64x768xf32, #tpu.memory_space<vmem>>, vector<1x16xf32>,
      %swap3A_503 = vector.shape_cast %swap3A_502 : vector<1x16xf32> to vector<16xf32>
      %swap3A_504 = vector.shape_cast %add3A_499 : vector<16xf32> to vector<1x16xf32>
      tpu.vector_store %arg12[%swap3A_500, %swap3A_501], %swap3A_504 {strides = array<i32>} : memref<64x768xf32, #tpu.memory_space<vmem>>, vector<1x16xf32>,
      %get3A_505 = arith.index_cast %scan3A_18 : i32 to index
      %get3A_506 = arith.constant 480 : index
      %get3A_507 = tpu.vector_load %arg12[%get3A_505, %get3A_506] {strides = array<i32>} : memref<64x768xf32, #tpu.memory_space<vmem>>, vector<1x16xf32>,
      %get3A_508 = vector.shape_cast %get3A_507 : vector<1x16xf32> to vector<16xf32>
      %get3A_509 = arith.index_cast %scan3A_18 : i32 to index
      %get3A_510 = arith.constant 480 : index
      %get3A_511 = tpu.vector_load %arg13[%get3A_509, %get3A_510] {strides = array<i32>} : memref<64x768xf32, #tpu.memory_space<vmem>>, vector<1x16xf32>,
      %get3A_512 = vector.shape_cast %get3A_511 : vector<1x16xf32> to vector<16xf32>
      %mul3A_513 = arith.mulf %get3A_21, %get3A_508 : vector<16xf32>
      %mul3A_514 = arith.mulf %get3A_25, %get3A_512 : vector<16xf32>
      %add3A_515 = arith.addf %mul3A_513, %mul3A_514 : vector<16xf32>
      %swap3A_516 = arith.index_cast %scan3A_18 : i32 to index
      %swap3A_517 = arith.constant 480 : index
      %swap3A_518 = tpu.vector_load %arg12[%swap3A_516, %swap3A_517] {strides = array<i32>} : memref<64x768xf32, #tpu.memory_space<vmem>>, vector<1x16xf32>,
      %swap3A_519 = vector.shape_cast %swap3A_518 : vector<1x16xf32> to vector<16xf32>
      %swap3A_520 = vector.shape_cast %add3A_515 : vector<16xf32> to vector<1x16xf32>
      tpu.vector_store %arg12[%swap3A_516, %swap3A_517], %swap3A_520 {strides = array<i32>} : memref<64x768xf32, #tpu.memory_space<vmem>>, vector<1x16xf32>,
      %get3A_521 = arith.index_cast %scan3A_18 : i32 to index
      %get3A_522 = arith.constant 496 : index
      %get3A_523 = tpu.vector_load %arg12[%get3A_521, %get3A_522] {strides = array<i32>} : memref<64x768xf32, #tpu.memory_space<vmem>>, vector<1x16xf32>,
      %get3A_524 = vector.shape_cast %get3A_523 : vector<1x16xf32> to vector<16xf32>
      %get3A_525 = arith.index_cast %scan3A_18 : i32 to index
      %get3A_526 = arith.constant 496 : index
      %get3A_527 = tpu.vector_load %arg13[%get3A_525, %get3A_526] {strides = array<i32>} : memref<64x768xf32, #tpu.memory_space<vmem>>, vector<1x16xf32>,
      %get3A_528 = vector.shape_cast %get3A_527 : vector<1x16xf32> to vector<16xf32>
      %mul3A_529 = arith.mulf %get3A_21, %get3A_524 : vector<16xf32>
      %mul3A_530 = arith.mulf %get3A_25, %get3A_528 : vector<16xf32>
      %add3A_531 = arith.addf %mul3A_529, %mul3A_530 : vector<16xf32>
      %swap3A_532 = arith.index_cast %scan3A_18 : i32 to index
      %swap3A_533 = arith.constant 496 : index
      %swap3A_534 = tpu.vector_load %arg12[%swap3A_532, %swap3A_533] {strides = array<i32>} : memref<64x768xf32, #tpu.memory_space<vmem>>, vector<1x16xf32>,
      %swap3A_535 = vector.shape_cast %swap3A_534 : vector<1x16xf32> to vector<16xf32>
      %swap3A_536 = vector.shape_cast %add3A_531 : vector<16xf32> to vector<1x16xf32>
      tpu.vector_store %arg12[%swap3A_532, %swap3A_533], %swap3A_536 {strides = array<i32>} : memref<64x768xf32, #tpu.memory_space<vmem>>, vector<1x16xf32>,
      %get3A_537 = arith.index_cast %scan3A_18 : i32 to index
      %get3A_538 = arith.constant 512 : index
      %get3A_539 = tpu.vector_load %arg12[%get3A_537, %get3A_538] {strides = array<i32>} : memref<64x768xf32, #tpu.memory_space<vmem>>, vector<1x16xf32>,
      %get3A_540 = vector.shape_cast %get3A_539 : vector<1x16xf32> to vector<16xf32>
      %get3A_541 = arith.index_cast %scan3A_18 : i32 to index
      %get3A_542 = arith.constant 512 : index
      %get3A_543 = tpu.vector_load %arg13[%get3A_541, %get3A_542] {strides = array<i32>} : memref<64x768xf32, #tpu.memory_space<vmem>>, vector<1x16xf32>,
      %get3A_544 = vector.shape_cast %get3A_543 : vector<1x16xf32> to vector<16xf32>
      %mul3A_545 = arith.mulf %get3A_21, %get3A_540 : vector<16xf32>
      %mul3A_546 = arith.mulf %get3A_25, %get3A_544 : vector<16xf32>
      %add3A_547 = arith.addf %mul3A_545, %mul3A_546 : vector<16xf32>
      %swap3A_548 = arith.index_cast %scan3A_18 : i32 to index
      %swap3A_549 = arith.constant 512 : index
      %swap3A_550 = tpu.vector_load %arg12[%swap3A_548, %swap3A_549] {strides = array<i32>} : memref<64x768xf32, #tpu.memory_space<vmem>>, vector<1x16xf32>,
      %swap3A_551 = vector.shape_cast %swap3A_550 : vector<1x16xf32> to vector<16xf32>
      %swap3A_552 = vector.shape_cast %add3A_547 : vector<16xf32> to vector<1x16xf32>
      tpu.vector_store %arg12[%swap3A_548, %swap3A_549], %swap3A_552 {strides = array<i32>} : memref<64x768xf32, #tpu.memory_space<vmem>>, vector<1x16xf32>,
      %get3A_553 = arith.index_cast %scan3A_18 : i32 to index
      %get3A_554 = arith.constant 528 : index
      %get3A_555 = tpu.vector_load %arg12[%get3A_553, %get3A_554] {strides = array<i32>} : memref<64x768xf32, #tpu.memory_space<vmem>>, vector<1x16xf32>,
      %get3A_556 = vector.shape_cast %get3A_555 : vector<1x16xf32> to vector<16xf32>
      %get3A_557 = arith.index_cast %scan3A_18 : i32 to index
      %get3A_558 = arith.constant 528 : index
      %get3A_559 = tpu.vector_load %arg13[%get3A_557, %get3A_558] {strides = array<i32>} : memref<64x768xf32, #tpu.memory_space<vmem>>, vector<1x16xf32>,
      %get3A_560 = vector.shape_cast %get3A_559 : vector<1x16xf32> to vector<16xf32>
      %mul3A_561 = arith.mulf %get3A_21, %get3A_556 : vector<16xf32>
      %mul3A_562 = arith.mulf %get3A_25, %get3A_560 : vector<16xf32>
      %add3A_563 = arith.addf %mul3A_561, %mul3A_562 : vector<16xf32>
      %swap3A_564 = arith.index_cast %scan3A_18 : i32 to index
      %swap3A_565 = arith.constant 528 : index
      %swap3A_566 = tpu.vector_load %arg12[%swap3A_564, %swap3A_565] {strides = array<i32>} : memref<64x768xf32, #tpu.memory_space<vmem>>, vector<1x16xf32>,
      %swap3A_567 = vector.shape_cast %swap3A_566 : vector<1x16xf32> to vector<16xf32>
      %swap3A_568 = vector.shape_cast %add3A_563 : vector<16xf32> to vector<1x16xf32>
      tpu.vector_store %arg12[%swap3A_564, %swap3A_565], %swap3A_568 {strides = array<i32>} : memref<64x768xf32, #tpu.memory_space<vmem>>, vector<1x16xf32>,
      %get3A_569 = arith.index_cast %scan3A_18 : i32 to index
      %get3A_570 = arith.constant 544 : index
      %get3A_571 = tpu.vector_load %arg12[%get3A_569, %get3A_570] {strides = array<i32>} : memref<64x768xf32, #tpu.memory_space<vmem>>, vector<1x16xf32>,
      %get3A_572 = vector.shape_cast %get3A_571 : vector<1x16xf32> to vector<16xf32>
      %get3A_573 = arith.index_cast %scan3A_18 : i32 to index
      %get3A_574 = arith.constant 544 : index
      %get3A_575 = tpu.vector_load %arg13[%get3A_573, %get3A_574] {strides = array<i32>} : memref<64x768xf32, #tpu.memory_space<vmem>>, vector<1x16xf32>,
      %get3A_576 = vector.shape_cast %get3A_575 : vector<1x16xf32> to vector<16xf32>
      %mul3A_577 = arith.mulf %get3A_21, %get3A_572 : vector<16xf32>
      %mul3A_578 = arith.mulf %get3A_25, %get3A_576 : vector<16xf32>
      %add3A_579 = arith.addf %mul3A_577, %mul3A_578 : vector<16xf32>
      %swap3A_580 = arith.index_cast %scan3A_18 : i32 to index
      %swap3A_581 = arith.constant 544 : index
      %swap3A_582 = tpu.vector_load %arg12[%swap3A_580, %swap3A_581] {strides = array<i32>} : memref<64x768xf32, #tpu.memory_space<vmem>>, vector<1x16xf32>,
      %swap3A_583 = vector.shape_cast %swap3A_582 : vector<1x16xf32> to vector<16xf32>
      %swap3A_584 = vector.shape_cast %add3A_579 : vector<16xf32> to vector<1x16xf32>
      tpu.vector_store %arg12[%swap3A_580, %swap3A_581], %swap3A_584 {strides = array<i32>} : memref<64x768xf32, #tpu.memory_space<vmem>>, vector<1x16xf32>,
      %get3A_585 = arith.index_cast %scan3A_18 : i32 to index
      %get3A_586 = arith.constant 560 : index
      %get3A_587 = tpu.vector_load %arg12[%get3A_585, %get3A_586] {strides = array<i32>} : memref<64x768xf32, #tpu.memory_space<vmem>>, vector<1x16xf32>,
      %get3A_588 = vector.shape_cast %get3A_587 : vector<1x16xf32> to vector<16xf32>
      %get3A_589 = arith.index_cast %scan3A_18 : i32 to index
      %get3A_590 = arith.constant 560 : index
      %get3A_591 = tpu.vector_load %arg13[%get3A_589, %get3A_590] {strides = array<i32>} : memref<64x768xf32, #tpu.memory_space<vmem>>, vector<1x16xf32>,
      %get3A_592 = vector.shape_cast %get3A_591 : vector<1x16xf32> to vector<16xf32>
      %mul3A_593 = arith.mulf %get3A_21, %get3A_588 : vector<16xf32>
      %mul3A_594 = arith.mulf %get3A_25, %get3A_592 : vector<16xf32>
      %add3A_595 = arith.addf %mul3A_593, %mul3A_594 : vector<16xf32>
      %swap3A_596 = arith.index_cast %scan3A_18 : i32 to index
      %swap3A_597 = arith.constant 560 : index
      %swap3A_598 = tpu.vector_load %arg12[%swap3A_596, %swap3A_597] {strides = array<i32>} : memref<64x768xf32, #tpu.memory_space<vmem>>, vector<1x16xf32>,
      %swap3A_599 = vector.shape_cast %swap3A_598 : vector<1x16xf32> to vector<16xf32>
      %swap3A_600 = vector.shape_cast %add3A_595 : vector<16xf32> to vector<1x16xf32>
      tpu.vector_store %arg12[%swap3A_596, %swap3A_597], %swap3A_600 {strides = array<i32>} : memref<64x768xf32, #tpu.memory_space<vmem>>, vector<1x16xf32>,
      %get3A_601 = arith.index_cast %scan3A_18 : i32 to index
      %get3A_602 = arith.constant 576 : index
      %get3A_603 = tpu.vector_load %arg12[%get3A_601, %get3A_602] {strides = array<i32>} : memref<64x768xf32, #tpu.memory_space<vmem>>, vector<1x16xf32>,
      %get3A_604 = vector.shape_cast %get3A_603 : vector<1x16xf32> to vector<16xf32>
      %get3A_605 = arith.index_cast %scan3A_18 : i32 to index
      %get3A_606 = arith.constant 576 : index
      %get3A_607 = tpu.vector_load %arg13[%get3A_605, %get3A_606] {strides = array<i32>} : memref<64x768xf32, #tpu.memory_space<vmem>>, vector<1x16xf32>,
      %get3A_608 = vector.shape_cast %get3A_607 : vector<1x16xf32> to vector<16xf32>
      %mul3A_609 = arith.mulf %get3A_21, %get3A_604 : vector<16xf32>
      %mul3A_610 = arith.mulf %get3A_25, %get3A_608 : vector<16xf32>
      %add3A_611 = arith.addf %mul3A_609, %mul3A_610 : vector<16xf32>
      %swap3A_612 = arith.index_cast %scan3A_18 : i32 to index
      %swap3A_613 = arith.constant 576 : index
      %swap3A_614 = tpu.vector_load %arg12[%swap3A_612, %swap3A_613] {strides = array<i32>} : memref<64x768xf32, #tpu.memory_space<vmem>>, vector<1x16xf32>,
      %swap3A_615 = vector.shape_cast %swap3A_614 : vector<1x16xf32> to vector<16xf32>
      %swap3A_616 = vector.shape_cast %add3A_611 : vector<16xf32> to vector<1x16xf32>
      tpu.vector_store %arg12[%swap3A_612, %swap3A_613], %swap3A_616 {strides = array<i32>} : memref<64x768xf32, #tpu.memory_space<vmem>>, vector<1x16xf32>,
      %get3A_617 = arith.index_cast %scan3A_18 : i32 to index
      %get3A_618 = arith.constant 592 : index
      %get3A_619 = tpu.vector_load %arg12[%get3A_617, %get3A_618] {strides = array<i32>} : memref<64x768xf32, #tpu.memory_space<vmem>>, vector<1x16xf32>,
      %get3A_620 = vector.shape_cast %get3A_619 : vector<1x16xf32> to vector<16xf32>
      %get3A_621 = arith.index_cast %scan3A_18 : i32 to index
      %get3A_622 = arith.constant 592 : index
      %get3A_623 = tpu.vector_load %arg13[%get3A_621, %get3A_622] {strides = array<i32>} : memref<64x768xf32, #tpu.memory_space<vmem>>, vector<1x16xf32>,
      %get3A_624 = vector.shape_cast %get3A_623 : vector<1x16xf32> to vector<16xf32>
      %mul3A_625 = arith.mulf %get3A_21, %get3A_620 : vector<16xf32>
      %mul3A_626 = arith.mulf %get3A_25, %get3A_624 : vector<16xf32>
      %add3A_627 = arith.addf %mul3A_625, %mul3A_626 : vector<16xf32>
      %swap3A_628 = arith.index_cast %scan3A_18 : i32 to index
      %swap3A_629 = arith.constant 592 : index
      %swap3A_630 = tpu.vector_load %arg12[%swap3A_628, %swap3A_629] {strides = array<i32>} : memref<64x768xf32, #tpu.memory_space<vmem>>, vector<1x16xf32>,
      %swap3A_631 = vector.shape_cast %swap3A_630 : vector<1x16xf32> to vector<16xf32>
      %swap3A_632 = vector.shape_cast %add3A_627 : vector<16xf32> to vector<1x16xf32>
      tpu.vector_store %arg12[%swap3A_628, %swap3A_629], %swap3A_632 {strides = array<i32>} : memref<64x768xf32, #tpu.memory_space<vmem>>, vector<1x16xf32>,
      %get3A_633 = arith.index_cast %scan3A_18 : i32 to index
      %get3A_634 = arith.constant 608 : index
      %get3A_635 = tpu.vector_load %arg12[%get3A_633, %get3A_634] {strides = array<i32>} : memref<64x768xf32, #tpu.memory_space<vmem>>, vector<1x16xf32>,
      %get3A_636 = vector.shape_cast %get3A_635 : vector<1x16xf32> to vector<16xf32>
      %get3A_637 = arith.index_cast %scan3A_18 : i32 to index
      %get3A_638 = arith.constant 608 : index
      %get3A_639 = tpu.vector_load %arg13[%get3A_637, %get3A_638] {strides = array<i32>} : memref<64x768xf32, #tpu.memory_space<vmem>>, vector<1x16xf32>,
      %get3A_640 = vector.shape_cast %get3A_639 : vector<1x16xf32> to vector<16xf32>
      %mul3A_641 = arith.mulf %get3A_21, %get3A_636 : vector<16xf32>
      %mul3A_642 = arith.mulf %get3A_25, %get3A_640 : vector<16xf32>
      %add3A_643 = arith.addf %mul3A_641, %mul3A_642 : vector<16xf32>
      %swap3A_644 = arith.index_cast %scan3A_18 : i32 to index
      %swap3A_645 = arith.constant 608 : index
      %swap3A_646 = tpu.vector_load %arg12[%swap3A_644, %swap3A_645] {strides = array<i32>} : memref<64x768xf32, #tpu.memory_space<vmem>>, vector<1x16xf32>,
      %swap3A_647 = vector.shape_cast %swap3A_646 : vector<1x16xf32> to vector<16xf32>
      %swap3A_648 = vector.shape_cast %add3A_643 : vector<16xf32> to vector<1x16xf32>
      tpu.vector_store %arg12[%swap3A_644, %swap3A_645], %swap3A_648 {strides = array<i32>} : memref<64x768xf32, #tpu.memory_space<vmem>>, vector<1x16xf32>,
      %get3A_649 = arith.index_cast %scan3A_18 : i32 to index
      %get3A_650 = arith.constant 624 : index
      %get3A_651 = tpu.vector_load %arg12[%get3A_649, %get3A_650] {strides = array<i32>} : memref<64x768xf32, #tpu.memory_space<vmem>>, vector<1x16xf32>,
      %get3A_652 = vector.shape_cast %get3A_651 : vector<1x16xf32> to vector<16xf32>
      %get3A_653 = arith.index_cast %scan3A_18 : i32 to index
      %get3A_654 = arith.constant 624 : index
      %get3A_655 = tpu.vector_load %arg13[%get3A_653, %get3A_654] {strides = array<i32>} : memref<64x768xf32, #tpu.memory_space<vmem>>, vector<1x16xf32>,
      %get3A_656 = vector.shape_cast %get3A_655 : vector<1x16xf32> to vector<16xf32>
      %mul3A_657 = arith.mulf %get3A_21, %get3A_652 : vector<16xf32>
      %mul3A_658 = arith.mulf %get3A_25, %get3A_656 : vector<16xf32>
      %add3A_659 = arith.addf %mul3A_657, %mul3A_658 : vector<16xf32>
      %swap3A_660 = arith.index_cast %scan3A_18 : i32 to index
      %swap3A_661 = arith.constant 624 : index
      %swap3A_662 = tpu.vector_load %arg12[%swap3A_660, %swap3A_661] {strides = array<i32>} : memref<64x768xf32, #tpu.memory_space<vmem>>, vector<1x16xf32>,
      %swap3A_663 = vector.shape_cast %swap3A_662 : vector<1x16xf32> to vector<16xf32>
      %swap3A_664 = vector.shape_cast %add3A_659 : vector<16xf32> to vector<1x16xf32>
      tpu.vector_store %arg12[%swap3A_660, %swap3A_661], %swap3A_664 {strides = array<i32>} : memref<64x768xf32, #tpu.memory_space<vmem>>, vector<1x16xf32>,
      %get3A_665 = arith.index_cast %scan3A_18 : i32 to index
      %get3A_666 = arith.constant 640 : index
      %get3A_667 = tpu.vector_load %arg12[%get3A_665, %get3A_666] {strides = array<i32>} : memref<64x768xf32, #tpu.memory_space<vmem>>, vector<1x16xf32>,
      %get3A_668 = vector.shape_cast %get3A_667 : vector<1x16xf32> to vector<16xf32>
      %get3A_669 = arith.index_cast %scan3A_18 : i32 to index
      %get3A_670 = arith.constant 640 : index
      %get3A_671 = tpu.vector_load %arg13[%get3A_669, %get3A_670] {strides = array<i32>} : memref<64x768xf32, #tpu.memory_space<vmem>>, vector<1x16xf32>,
      %get3A_672 = vector.shape_cast %get3A_671 : vector<1x16xf32> to vector<16xf32>
      %mul3A_673 = arith.mulf %get3A_21, %get3A_668 : vector<16xf32>
      %mul3A_674 = arith.mulf %get3A_25, %get3A_672 : vector<16xf32>
      %add3A_675 = arith.addf %mul3A_673, %mul3A_674 : vector<16xf32>
      %swap3A_676 = arith.index_cast %scan3A_18 : i32 to index
      %swap3A_677 = arith.constant 640 : index
      %swap3A_678 = tpu.vector_load %arg12[%swap3A_676, %swap3A_677] {strides = array<i32>} : memref<64x768xf32, #tpu.memory_space<vmem>>, vector<1x16xf32>,
      %swap3A_679 = vector.shape_cast %swap3A_678 : vector<1x16xf32> to vector<16xf32>
      %swap3A_680 = vector.shape_cast %add3A_675 : vector<16xf32> to vector<1x16xf32>
      tpu.vector_store %arg12[%swap3A_676, %swap3A_677], %swap3A_680 {strides = array<i32>} : memref<64x768xf32, #tpu.memory_space<vmem>>, vector<1x16xf32>,
      %get3A_681 = arith.index_cast %scan3A_18 : i32 to index
      %get3A_682 = arith.constant 656 : index
      %get3A_683 = tpu.vector_load %arg12[%get3A_681, %get3A_682] {strides = array<i32>} : memref<64x768xf32, #tpu.memory_space<vmem>>, vector<1x16xf32>,
      %get3A_684 = vector.shape_cast %get3A_683 : vector<1x16xf32> to vector<16xf32>
      %get3A_685 = arith.index_cast %scan3A_18 : i32 to index
      %get3A_686 = arith.constant 656 : index
      %get3A_687 = tpu.vector_load %arg13[%get3A_685, %get3A_686] {strides = array<i32>} : memref<64x768xf32, #tpu.memory_space<vmem>>, vector<1x16xf32>,
      %get3A_688 = vector.shape_cast %get3A_687 : vector<1x16xf32> to vector<16xf32>
      %mul3A_689 = arith.mulf %get3A_21, %get3A_684 : vector<16xf32>
      %mul3A_690 = arith.mulf %get3A_25, %get3A_688 : vector<16xf32>
      %add3A_691 = arith.addf %mul3A_689, %mul3A_690 : vector<16xf32>
      %swap3A_692 = arith.index_cast %scan3A_18 : i32 to index
      %swap3A_693 = arith.constant 656 : index
      %swap3A_694 = tpu.vector_load %arg12[%swap3A_692, %swap3A_693] {strides = array<i32>} : memref<64x768xf32, #tpu.memory_space<vmem>>, vector<1x16xf32>,
      %swap3A_695 = vector.shape_cast %swap3A_694 : vector<1x16xf32> to vector<16xf32>
      %swap3A_696 = vector.shape_cast %add3A_691 : vector<16xf32> to vector<1x16xf32>
      tpu.vector_store %arg12[%swap3A_692, %swap3A_693], %swap3A_696 {strides = array<i32>} : memref<64x768xf32, #tpu.memory_space<vmem>>, vector<1x16xf32>,
      %get3A_697 = arith.index_cast %scan3A_18 : i32 to index
      %get3A_698 = arith.constant 672 : index
      %get3A_699 = tpu.vector_load %arg12[%get3A_697, %get3A_698] {strides = array<i32>} : memref<64x768xf32, #tpu.memory_space<vmem>>, vector<1x16xf32>,
      %get3A_700 = vector.shape_cast %get3A_699 : vector<1x16xf32> to vector<16xf32>
      %get3A_701 = arith.index_cast %scan3A_18 : i32 to index
      %get3A_702 = arith.constant 672 : index
      %get3A_703 = tpu.vector_load %arg13[%get3A_701, %get3A_702] {strides = array<i32>} : memref<64x768xf32, #tpu.memory_space<vmem>>, vector<1x16xf32>,
      %get3A_704 = vector.shape_cast %get3A_703 : vector<1x16xf32> to vector<16xf32>
      %mul3A_705 = arith.mulf %get3A_21, %get3A_700 : vector<16xf32>
      %mul3A_706 = arith.mulf %get3A_25, %get3A_704 : vector<16xf32>
      %add3A_707 = arith.addf %mul3A_705, %mul3A_706 : vector<16xf32>
      %swap3A_708 = arith.index_cast %scan3A_18 : i32 to index
      %swap3A_709 = arith.constant 672 : index
      %swap3A_710 = tpu.vector_load %arg12[%swap3A_708, %swap3A_709] {strides = array<i32>} : memref<64x768xf32, #tpu.memory_space<vmem>>, vector<1x16xf32>,
      %swap3A_711 = vector.shape_cast %swap3A_710 : vector<1x16xf32> to vector<16xf32>
      %swap3A_712 = vector.shape_cast %add3A_707 : vector<16xf32> to vector<1x16xf32>
      tpu.vector_store %arg12[%swap3A_708, %swap3A_709], %swap3A_712 {strides = array<i32>} : memref<64x768xf32, #tpu.memory_space<vmem>>, vector<1x16xf32>,
      %get3A_713 = arith.index_cast %scan3A_18 : i32 to index
      %get3A_714 = arith.constant 688 : index
      %get3A_715 = tpu.vector_load %arg12[%get3A_713, %get3A_714] {strides = array<i32>} : memref<64x768xf32, #tpu.memory_space<vmem>>, vector<1x16xf32>,
      %get3A_716 = vector.shape_cast %get3A_715 : vector<1x16xf32> to vector<16xf32>
      %get3A_717 = arith.index_cast %scan3A_18 : i32 to index
      %get3A_718 = arith.constant 688 : index
      %get3A_719 = tpu.vector_load %arg13[%get3A_717, %get3A_718] {strides = array<i32>} : memref<64x768xf32, #tpu.memory_space<vmem>>, vector<1x16xf32>,
      %get3A_720 = vector.shape_cast %get3A_719 : vector<1x16xf32> to vector<16xf32>
      %mul3A_721 = arith.mulf %get3A_21, %get3A_716 : vector<16xf32>
      %mul3A_722 = arith.mulf %get3A_25, %get3A_720 : vector<16xf32>
      %add3A_723 = arith.addf %mul3A_721, %mul3A_722 : vector<16xf32>
      %swap3A_724 = arith.index_cast %scan3A_18 : i32 to index
      %swap3A_725 = arith.constant 688 : index
      %swap3A_726 = tpu.vector_load %arg12[%swap3A_724, %swap3A_725] {strides = array<i32>} : memref<64x768xf32, #tpu.memory_space<vmem>>, vector<1x16xf32>,
      %swap3A_727 = vector.shape_cast %swap3A_726 : vector<1x16xf32> to vector<16xf32>
      %swap3A_728 = vector.shape_cast %add3A_723 : vector<16xf32> to vector<1x16xf32>
      tpu.vector_store %arg12[%swap3A_724, %swap3A_725], %swap3A_728 {strides = array<i32>} : memref<64x768xf32, #tpu.memory_space<vmem>>, vector<1x16xf32>,
      %get3A_729 = arith.index_cast %scan3A_18 : i32 to index
      %get3A_730 = arith.constant 704 : index
      %get3A_731 = tpu.vector_load %arg12[%get3A_729, %get3A_730] {strides = array<i32>} : memref<64x768xf32, #tpu.memory_space<vmem>>, vector<1x16xf32>,
      %get3A_732 = vector.shape_cast %get3A_731 : vector<1x16xf32> to vector<16xf32>
      %get3A_733 = arith.index_cast %scan3A_18 : i32 to index
      %get3A_734 = arith.constant 704 : index
      %get3A_735 = tpu.vector_load %arg13[%get3A_733, %get3A_734] {strides = array<i32>} : memref<64x768xf32, #tpu.memory_space<vmem>>, vector<1x16xf32>,
      %get3A_736 = vector.shape_cast %get3A_735 : vector<1x16xf32> to vector<16xf32>
      %mul3A_737 = arith.mulf %get3A_21, %get3A_732 : vector<16xf32>
      %mul3A_738 = arith.mulf %get3A_25, %get3A_736 : vector<16xf32>
      %add3A_739 = arith.addf %mul3A_737, %mul3A_738 : vector<16xf32>
      %swap3A_740 = arith.index_cast %scan3A_18 : i32 to index
      %swap3A_741 = arith.constant 704 : index
      %swap3A_742 = tpu.vector_load %arg12[%swap3A_740, %swap3A_741] {strides = array<i32>} : memref<64x768xf32, #tpu.memory_space<vmem>>, vector<1x16xf32>,
      %swap3A_743 = vector.shape_cast %swap3A_742 : vector<1x16xf32> to vector<16xf32>
      %swap3A_744 = vector.shape_cast %add3A_739 : vector<16xf32> to vector<1x16xf32>
      tpu.vector_store %arg12[%swap3A_740, %swap3A_741], %swap3A_744 {strides = array<i32>} : memref<64x768xf32, #tpu.memory_space<vmem>>, vector<1x16xf32>,
      %get3A_745 = arith.index_cast %scan3A_18 : i32 to index
      %get3A_746 = arith.constant 720 : index
      %get3A_747 = tpu.vector_load %arg12[%get3A_745, %get3A_746] {strides = array<i32>} : memref<64x768xf32, #tpu.memory_space<vmem>>, vector<1x16xf32>,
      %get3A_748 = vector.shape_cast %get3A_747 : vector<1x16xf32> to vector<16xf32>
      %get3A_749 = arith.index_cast %scan3A_18 : i32 to index
      %get3A_750 = arith.constant 720 : index
      %get3A_751 = tpu.vector_load %arg13[%get3A_749, %get3A_750] {strides = array<i32>} : memref<64x768xf32, #tpu.memory_space<vmem>>, vector<1x16xf32>,
      %get3A_752 = vector.shape_cast %get3A_751 : vector<1x16xf32> to vector<16xf32>
      %mul3A_753 = arith.mulf %get3A_21, %get3A_748 : vector<16xf32>
      %mul3A_754 = arith.mulf %get3A_25, %get3A_752 : vector<16xf32>
      %add3A_755 = arith.addf %mul3A_753, %mul3A_754 : vector<16xf32>
      %swap3A_756 = arith.index_cast %scan3A_18 : i32 to index
      %swap3A_757 = arith.constant 720 : index
      %swap3A_758 = tpu.vector_load %arg12[%swap3A_756, %swap3A_757] {strides = array<i32>} : memref<64x768xf32, #tpu.memory_space<vmem>>, vector<1x16xf32>,
      %swap3A_759 = vector.shape_cast %swap3A_758 : vector<1x16xf32> to vector<16xf32>
      %swap3A_760 = vector.shape_cast %add3A_755 : vector<16xf32> to vector<1x16xf32>
      tpu.vector_store %arg12[%swap3A_756, %swap3A_757], %swap3A_760 {strides = array<i32>} : memref<64x768xf32, #tpu.memory_space<vmem>>, vector<1x16xf32>,
      %get3A_761 = arith.index_cast %scan3A_18 : i32 to index
      %get3A_762 = arith.constant 736 : index
      %get3A_763 = tpu.vector_load %arg12[%get3A_761, %get3A_762] {strides = array<i32>} : memref<64x768xf32, #tpu.memory_space<vmem>>, vector<1x16xf32>,
      %get3A_764 = vector.shape_cast %get3A_763 : vector<1x16xf32> to vector<16xf32>
      %get3A_765 = arith.index_cast %scan3A_18 : i32 to index
      %get3A_766 = arith.constant 736 : index
      %get3A_767 = tpu.vector_load %arg13[%get3A_765, %get3A_766] {strides = array<i32>} : memref<64x768xf32, #tpu.memory_space<vmem>>, vector<1x16xf32>,
      %get3A_768 = vector.shape_cast %get3A_767 : vector<1x16xf32> to vector<16xf32>
      %mul3A_769 = arith.mulf %get3A_21, %get3A_764 : vector<16xf32>
      %mul3A_770 = arith.mulf %get3A_25, %get3A_768 : vector<16xf32>
      %add3A_771 = arith.addf %mul3A_769, %mul3A_770 : vector<16xf32>
      %swap3A_772 = arith.index_cast %scan3A_18 : i32 to index
      %swap3A_773 = arith.constant 736 : index
      %swap3A_774 = tpu.vector_load %arg12[%swap3A_772, %swap3A_773] {strides = array<i32>} : memref<64x768xf32, #tpu.memory_space<vmem>>, vector<1x16xf32>,
      %swap3A_775 = vector.shape_cast %swap3A_774 : vector<1x16xf32> to vector<16xf32>
      %swap3A_776 = vector.shape_cast %add3A_771 : vector<16xf32> to vector<1x16xf32>
      tpu.vector_store %arg12[%swap3A_772, %swap3A_773], %swap3A_776 {strides = array<i32>} : memref<64x768xf32, #tpu.memory_space<vmem>>, vector<1x16xf32>,
      %get3A_777 = arith.index_cast %scan3A_18 : i32 to index
      %get3A_778 = arith.constant 752 : index
      %get3A_779 = tpu.vector_load %arg12[%get3A_777, %get3A_778] {strides = array<i32>} : memref<64x768xf32, #tpu.memory_space<vmem>>, vector<1x16xf32>,
      %get3A_780 = vector.shape_cast %get3A_779 : vector<1x16xf32> to vector<16xf32>
      %get3A_781 = arith.index_cast %scan3A_18 : i32 to index
      %get3A_782 = arith.constant 752 : index
      %get3A_783 = tpu.vector_load %arg13[%get3A_781, %get3A_782] {strides = array<i32>} : memref<64x768xf32, #tpu.memory_space<vmem>>, vector<1x16xf32>,
      %get3A_784 = vector.shape_cast %get3A_783 : vector<1x16xf32> to vector<16xf32>
      %mul3A_785 = arith.mulf %get3A_21, %get3A_780 : vector<16xf32>
      %mul3A_786 = arith.mulf %get3A_25, %get3A_784 : vector<16xf32>
      %add3A_787 = arith.addf %mul3A_785, %mul3A_786 : vector<16xf32>
      %swap3A_788 = arith.index_cast %scan3A_18 : i32 to index
      %swap3A_789 = arith.constant 752 : index
      %swap3A_790 = tpu.vector_load %arg12[%swap3A_788, %swap3A_789] {strides = array<i32>} : memref<64x768xf32, #tpu.memory_space<vmem>>, vector<1x16xf32>,
      %swap3A_791 = vector.shape_cast %swap3A_790 : vector<1x16xf32> to vector<16xf32>
      %swap3A_792 = vector.shape_cast %add3A_787 : vector<16xf32> to vector<1x16xf32>
      tpu.vector_store %arg12[%swap3A_788, %swap3A_789], %swap3A_792 {strides = array<i32>} : memref<64x768xf32, #tpu.memory_space<vmem>>, vector<1x16xf32>,
    }
    %scan3A_17 = arith.constant 64 : i32
    "tpu.region"() ({
      %run_scoped3A = tpu.sem_alloc : memref<!tpu.dma_semaphore, #tpu.memory_space<semaphore_mem>>
      %dma_start3A_18 = arith.constant 0 : i32
      %dma_start3A_19 = tpu.memref_slice %arg7[%mul3A_2, %dma_start3A_18] : memref<2048x768xf32, #tpu.memory_space<hbm>> -> memref<64x768xf32, #tpu.memory_space<hbm>>
      %dma_start3A_20 = arith.constant 0 : i32
      %dma_start3A_21 = tpu.memref_slice %arg7[%mul3A_2, %dma_start3A_20] : memref<2048x768xf32, #tpu.memory_space<hbm>> -> memref<64x768xf32, #tpu.memory_space<hbm>>
      tpu.enqueue_dma source(%arg12 : memref<64x768xf32, #tpu.memory_space<vmem>>) target(%dma_start3A_21 : memref<64x768xf32, #tpu.memory_space<hbm>>) target_semaphore(%run_scoped3A : memref<!tpu.dma_semaphore, #tpu.memory_space<semaphore_mem>>)
      %dma_wait3A_22 = arith.constant 0 : i32
      %dma_wait3A_23 = tpu.memref_slice %arg7[%mul3A_2, %dma_wait3A_22] : memref<2048x768xf32, #tpu.memory_space<hbm>> -> memref<64x768xf32, #tpu.memory_space<hbm>>
      %dma_wait3A_24 = arith.constant 0 : i32
      %dma_wait3A_25 = tpu.memref_slice %arg7[%mul3A_2, %dma_wait3A_24] : memref<2048x768xf32, #tpu.memory_space<hbm>> -> memref<64x768xf32, #tpu.memory_space<hbm>>
      tpu.wait_dma2 semaphore(%run_scoped3A : memref<!tpu.dma_semaphore, #tpu.memory_space<semaphore_mem>>) src(%arg12 : memref<64x768xf32, #tpu.memory_space<vmem>>) dst(%dma_wait3A_25 : memref<64x768xf32, #tpu.memory_space<hbm>>)
      tpu.yield
    }) : () -> ()
    return
  }
}

module attributes {stable_mosaic.version = 14 : i64} {
  func.func @_router_kernel(%arg0: memref<2048x768xf32, #tpu.memory_space<vmem>>, %arg1: memref<768x384xf32, #tpu.memory_space<vmem>>, %arg2: memref<1x384xf32, #tpu.memory_space<vmem>>, %arg3: memref<1x384xf32, #tpu.memory_space<vmem>>, %arg4: memref<1x384xf32, #tpu.memory_space<vmem>>, %arg5: memref<384x8xf32, #tpu.memory_space<vmem>>, %arg6: memref<1x8xf32, #tpu.memory_space<vmem>>, %arg7: memref<2048x1xi32, #tpu.memory_space<vmem>>, %arg8: memref<2048x1xi32, #tpu.memory_space<vmem>>, %arg9: memref<2048x16xf32, #tpu.memory_space<vmem>>, %arg10: memref<2048x16xf32, #tpu.memory_space<vmem>>, %arg11: memref<1x64xi32, #tpu.memory_space<vmem>>) attributes {dimension_semantics = [], scalar_prefetch = 0 : i64, scratch_operands = 0 : i64, tpu.core_type = #tpu.core_type<tc>} {
    %get3A = arith.constant 0 : index
    %get3A_0 = arith.constant 0 : index
    %get3A_1 = vector.load %arg0[%get3A, %get3A_0] : memref<2048x768xf32, #tpu.memory_space<vmem>>, vector<2048x768xf32>
    %get3A_2 = arith.constant 0 : index
    %get3A_3 = arith.constant 0 : index
    %get3A_4 = vector.load %arg1[%get3A_2, %get3A_3] : memref<768x384xf32, #tpu.memory_space<vmem>>, vector<768x384xf32>
    %dot_general3A = arith.constant dense<0.000000e+00> : vector<2048x384xf32>
    %dot_general3A_5 = tpu.matmul %get3A_1, %get3A_4, %dot_general3A {dimension_numbers = #tpu.dot_dimension_numbers<[1], [0], [0], [1], [0, 0, 1, 1], [], []>, transpose_lhs_hint = false} : vector<2048x768xf32>, vector<768x384xf32>, vector<2048x384xf32> -> vector<2048x384xf32>
    %get3A_6 = arith.constant 0 : index
    %get3A_7 = arith.constant 0 : index
    %get3A_8 = vector.load %arg2[%get3A_6, %get3A_7] : memref<1x384xf32, #tpu.memory_space<vmem>>, vector<1x384xf32>
    %add3A = vector.broadcast %get3A_8 : vector<1x384xf32> to vector<2048x384xf32>
    %add3A_9 = arith.addf %dot_general3A_5, %add3A : vector<2048x384xf32>
    %reduce_sum3A = arith.constant dense<0.000000e+00> : vector<2048xf32>
    %reduce_sum3A_10 = vector.multi_reduction <add>, %add3A_9, %reduce_sum3A [1] : vector<2048x384xf32> to vector<2048xf32>
    %broadcast_in_dim3A = vector.shape_cast %reduce_sum3A_10 : vector<2048xf32> to vector<2048x1xf32>
    %div3A = arith.constant 3.840000e+02 : f32
    %div3A_11 = vector.broadcast %div3A : f32 to vector<2048x1xf32>
    %div3A_12 = arith.divf %broadcast_in_dim3A, %div3A_11 : vector<2048x1xf32>
    %sub3A = vector.broadcast %div3A_12 : vector<2048x1xf32> to vector<2048x384xf32>
    %sub3A_13 = arith.subf %add3A_9, %sub3A : vector<2048x384xf32>
    %square3A = arith.mulf %sub3A_13, %sub3A_13 : vector<2048x384xf32>
    %reduce_sum3A_14 = arith.constant dense<0.000000e+00> : vector<2048xf32>
    %reduce_sum3A_15 = vector.multi_reduction <add>, %square3A, %reduce_sum3A_14 [1] : vector<2048x384xf32> to vector<2048xf32>
    %broadcast_in_dim3A_16 = vector.shape_cast %reduce_sum3A_15 : vector<2048xf32> to vector<2048x1xf32>
    %div3A_17 = arith.constant 3.840000e+02 : f32
    %div3A_18 = vector.broadcast %div3A_17 : f32 to vector<2048x1xf32>
    %div3A_19 = arith.divf %broadcast_in_dim3A_16, %div3A_18 : vector<2048x1xf32>
    %sub3A_20 = vector.broadcast %div3A_12 : vector<2048x1xf32> to vector<2048x384xf32>
    %sub3A_21 = arith.subf %add3A_9, %sub3A_20 : vector<2048x384xf32>
    %add3A_22 = arith.constant 9.99999997E-7 : f32
    %add3A_23 = vector.broadcast %add3A_22 : f32 to vector<2048x1xf32>
    %add3A_24 = arith.addf %div3A_19, %add3A_23 : vector<2048x1xf32>
    %rsqrt3A = math.rsqrt %add3A_24 : vector<2048x1xf32>
    %mul3A = vector.broadcast %rsqrt3A : vector<2048x1xf32> to vector<2048x384xf32>
    %mul3A_25 = arith.mulf %sub3A_21, %mul3A : vector<2048x384xf32>
    %get3A_26 = arith.constant 0 : index
    %get3A_27 = arith.constant 0 : index
    %get3A_28 = vector.load %arg3[%get3A_26, %get3A_27] : memref<1x384xf32, #tpu.memory_space<vmem>>, vector<1x384xf32>
    %mul3A_29 = vector.broadcast %get3A_28 : vector<1x384xf32> to vector<2048x384xf32>
    %mul3A_30 = arith.mulf %mul3A_25, %mul3A_29 : vector<2048x384xf32>
    %get3A_31 = arith.constant 0 : index
    %get3A_32 = arith.constant 0 : index
    %get3A_33 = vector.load %arg4[%get3A_31, %get3A_32] : memref<1x384xf32, #tpu.memory_space<vmem>>, vector<1x384xf32>
    %add3A_34 = vector.broadcast %get3A_33 : vector<1x384xf32> to vector<2048x384xf32>
    %add3A_35 = arith.addf %mul3A_30, %add3A_34 : vector<2048x384xf32>
    %integer_pow3A = arith.mulf %add3A_35, %add3A_35 : vector<2048x384xf32>
    %integer_pow3A_36 = arith.mulf %add3A_35, %integer_pow3A : vector<2048x384xf32>
    %mul3A_37 = arith.constant 4.471500e-02 : f32
    %mul3A_38 = vector.broadcast %mul3A_37 : f32 to vector<2048x384xf32>
    %mul3A_39 = arith.mulf %mul3A_38, %integer_pow3A_36 : vector<2048x384xf32>
    %add3A_40 = arith.addf %add3A_35, %mul3A_39 : vector<2048x384xf32>
    %mul3A_41 = arith.constant 0.797884583 : f32
    %mul3A_42 = vector.broadcast %mul3A_41 : f32 to vector<2048x384xf32>
    %mul3A_43 = arith.mulf %mul3A_42, %add3A_40 : vector<2048x384xf32>
    %mul3A_44 = arith.constant 5.000000e-01 : f32
    %mul3A_45 = vector.broadcast %mul3A_44 : f32 to vector<2048x384xf32>
    %mul3A_46 = arith.mulf %mul3A_45, %add3A_35 : vector<2048x384xf32>
    %tanh3A = math.tanh %mul3A_43 : vector<2048x384xf32>
    %add3A_47 = arith.constant 1.000000e+00 : f32
    %add3A_48 = vector.broadcast %add3A_47 : f32 to vector<2048x384xf32>
    %add3A_49 = arith.addf %add3A_48, %tanh3A : vector<2048x384xf32>
    %mul3A_50 = arith.mulf %mul3A_46, %add3A_49 : vector<2048x384xf32>
    %get3A_51 = arith.constant 0 : index
    %get3A_52 = arith.constant 0 : index
    %get3A_53 = vector.load %arg5[%get3A_51, %get3A_52] : memref<384x8xf32, #tpu.memory_space<vmem>>, vector<384x8xf32>
    %dot_general3A_54 = arith.constant dense<0.000000e+00> : vector<2048x8xf32>
    %dot_general3A_55 = tpu.matmul %mul3A_50, %get3A_53, %dot_general3A_54 {dimension_numbers = #tpu.dot_dimension_numbers<[1], [0], [0], [1], [0, 0, 1, 1], [], []>, transpose_lhs_hint = false} : vector<2048x384xf32>, vector<384x8xf32>, vector<2048x8xf32> -> vector<2048x8xf32>
    %get3A_56 = arith.constant 0 : index
    %get3A_57 = arith.constant 0 : index
    %get3A_58 = vector.load %arg6[%get3A_56, %get3A_57] : memref<1x8xf32, #tpu.memory_space<vmem>>, vector<1x8xf32>
    %add3A_59 = vector.broadcast %get3A_58 : vector<1x8xf32> to vector<2048x8xf32>
    %add3A_60 = arith.addf %dot_general3A_55, %add3A_59 : vector<2048x8xf32>
    %reduce_max3A = arith.constant dense<0xFF800000> : vector<2048xf32>
    %reduce_max3A_61 = vector.multi_reduction <maximumf>, %add3A_60, %reduce_max3A [1] : vector<2048x8xf32> to vector<2048xf32>
    %broadcast_in_dim3A_62 = vector.shape_cast %reduce_max3A_61 : vector<2048xf32> to vector<2048x1xf32>
    %sub3A_63 = vector.broadcast %broadcast_in_dim3A_62 : vector<2048x1xf32> to vector<2048x8xf32>
    %sub3A_64 = arith.subf %add3A_60, %sub3A_63 : vector<2048x8xf32>
    %exp3A = math.exp %sub3A_64 : vector<2048x8xf32>
    %reduce_sum3A_65 = arith.constant dense<0.000000e+00> : vector<2048xf32>
    %reduce_sum3A_66 = vector.multi_reduction <add>, %exp3A, %reduce_sum3A_65 [1] : vector<2048x8xf32> to vector<2048xf32>
    %broadcast_in_dim3A_67 = vector.shape_cast %reduce_sum3A_66 : vector<2048xf32> to vector<2048x1xf32>
    %div3A_68 = vector.broadcast %broadcast_in_dim3A_67 : vector<2048x1xf32> to vector<2048x8xf32>
    %div3A_69 = arith.divf %exp3A, %div3A_68 : vector<2048x8xf32>
    %iota3A = tpu.iota {dimensions = array<i32: 1>} : vector<2048x8xi32>
    %reduce_max3A_70 = arith.constant dense<0xFF800000> : vector<2048xf32>
    %reduce_max3A_71 = vector.multi_reduction <maximumf>, %div3A_69, %reduce_max3A_70 [1] : vector<2048x8xf32> to vector<2048xf32>
    %broadcast_in_dim3A_72 = vector.shape_cast %reduce_max3A_71 : vector<2048xf32> to vector<2048x1xf32>
    %eq3A = vector.broadcast %broadcast_in_dim3A_72 : vector<2048x1xf32> to vector<2048x8xf32>
    %eq3A_73 = arith.cmpf oeq, %div3A_69, %eq3A : vector<2048x8xf32>
    %jit3A = arith.constant 8 : i32
    %broadcast_in_dim3A_74 = vector.broadcast %jit3A : i32 to vector<2048x8xi32>
    %select_n3A = arith.select %eq3A_73, %iota3A, %broadcast_in_dim3A_74 : vector<2048x8xi1>, vector<2048x8xi32>
    %reduce_min3A = arith.constant dense<2147483647> : vector<2048xi32>
    %reduce_min3A_75 = vector.multi_reduction <minsi>, %select_n3A, %reduce_min3A [1] : vector<2048x8xi32> to vector<2048xi32>
    %broadcast_in_dim3A_76 = vector.shape_cast %reduce_min3A_75 : vector<2048xi32> to vector<2048x1xi32>
    %eq3A_77 = vector.broadcast %broadcast_in_dim3A_76 : vector<2048x1xi32> to vector<2048x8xi32>
    %eq3A_78 = arith.cmpi eq, %iota3A, %eq3A_77 : vector<2048x8xi32>
    %jit3A_79 = arith.constant 0xFF800000 : f32
    %broadcast_in_dim3A_80 = vector.broadcast %jit3A_79 : f32 to vector<2048x8xf32>
    %select_n3A_81 = arith.select %eq3A_78, %broadcast_in_dim3A_80, %div3A_69 : vector<2048x8xi1>, vector<2048x8xf32>
    %reduce_max3A_82 = arith.constant dense<0xFF800000> : vector<2048xf32>
    %reduce_max3A_83 = vector.multi_reduction <maximumf>, %select_n3A_81, %reduce_max3A_82 [1] : vector<2048x8xf32> to vector<2048xf32>
    %broadcast_in_dim3A_84 = vector.shape_cast %reduce_max3A_83 : vector<2048xf32> to vector<2048x1xf32>
    %eq3A_85 = vector.broadcast %broadcast_in_dim3A_84 : vector<2048x1xf32> to vector<2048x8xf32>
    %eq3A_86 = arith.cmpf oeq, %select_n3A_81, %eq3A_85 : vector<2048x8xf32>
    %jit3A_87 = arith.constant 8 : i32
    %broadcast_in_dim3A_88 = vector.broadcast %jit3A_87 : i32 to vector<2048x8xi32>
    %select_n3A_89 = arith.select %eq3A_86, %iota3A, %broadcast_in_dim3A_88 : vector<2048x8xi1>, vector<2048x8xi32>
    %reduce_min3A_90 = arith.constant dense<2147483647> : vector<2048xi32>
    %reduce_min3A_91 = vector.multi_reduction <minsi>, %select_n3A_89, %reduce_min3A_90 [1] : vector<2048x8xi32> to vector<2048xi32>
    %broadcast_in_dim3A_92 = vector.shape_cast %reduce_min3A_91 : vector<2048xi32> to vector<2048x1xi32>
    %eq3A_93 = vector.broadcast %broadcast_in_dim3A_92 : vector<2048x1xi32> to vector<2048x8xi32>
    %eq3A_94 = arith.cmpi eq, %iota3A, %eq3A_93 : vector<2048x8xi32>
    %add3A_95 = arith.addf %broadcast_in_dim3A_72, %broadcast_in_dim3A_84 : vector<2048x1xf32>
    %div3A_96 = arith.divf %broadcast_in_dim3A_72, %add3A_95 : vector<2048x1xf32>
    %broadcast_in_dim3A_97 = vector.shape_cast %div3A_96 : vector<2048x1xf32> to vector<2048x1xf32>
    %broadcast_in_dim3A_98 = vector.broadcast %broadcast_in_dim3A_97 : vector<2048x1xf32> to vector<2048x16xf32>
    %swap3A = arith.constant 0 : index
    %swap3A_99 = arith.constant 0 : index
    %swap3A_100 = vector.load %arg9[%swap3A, %swap3A_99] : memref<2048x16xf32, #tpu.memory_space<vmem>>, vector<2048x16xf32>
    tpu.vector_store %arg9[%swap3A, %swap3A_99], %broadcast_in_dim3A_98 {strides = array<i32>} : memref<2048x16xf32, #tpu.memory_space<vmem>>, vector<2048x16xf32>,
    %div3A_101 = arith.divf %broadcast_in_dim3A_84, %add3A_95 : vector<2048x1xf32>
    %broadcast_in_dim3A_102 = vector.shape_cast %div3A_101 : vector<2048x1xf32> to vector<2048x1xf32>
    %broadcast_in_dim3A_103 = vector.broadcast %broadcast_in_dim3A_102 : vector<2048x1xf32> to vector<2048x16xf32>
    %swap3A_104 = arith.constant 0 : index
    %swap3A_105 = arith.constant 0 : index
    %swap3A_106 = vector.load %arg10[%swap3A_104, %swap3A_105] : memref<2048x16xf32, #tpu.memory_space<vmem>>, vector<2048x16xf32>
    tpu.vector_store %arg10[%swap3A_104, %swap3A_105], %broadcast_in_dim3A_103 {strides = array<i32>} : memref<2048x16xf32, #tpu.memory_space<vmem>>, vector<2048x16xf32>,
    %or3A = arith.ori %eq3A_78, %eq3A_94 : vector<2048x8xi1>
    %jit3A_107 = arith.constant 1.000000e+00 : f32
    %jit3A_108 = arith.constant 0.000000e+00 : f32
    %broadcast_in_dim3A_109 = vector.broadcast %jit3A_107 : f32 to vector<2048x8xf32>
    %broadcast_in_dim3A_110 = vector.broadcast %jit3A_108 : f32 to vector<2048x8xf32>
    %select_n3A_111 = arith.select %or3A, %broadcast_in_dim3A_109, %broadcast_in_dim3A_110 : vector<2048x8xi1>, vector<2048x8xf32>
    %iota3A_112 = tpu.iota {dimensions = array<i32: 0>} : vector<128x128xi32>
    %iota3A_113 = tpu.iota {dimensions = array<i32: 1>} : vector<128x128xi32>
    %le3A = arith.cmpi sle, %iota3A_113, %iota3A_112 : vector<128x128xi32>
    %jit3A_114 = arith.constant 1.000000e+00 : f32
    %jit3A_115 = arith.constant 0.000000e+00 : f32
    %broadcast_in_dim3A_116 = vector.broadcast %jit3A_114 : f32 to vector<128x128xf32>
    %broadcast_in_dim3A_117 = vector.broadcast %jit3A_115 : f32 to vector<128x128xf32>
    %select_n3A_118 = arith.select %le3A, %broadcast_in_dim3A_116, %broadcast_in_dim3A_117 : vector<128x128xi1>, vector<128x128xf32>
    %slice3A = vector.extract_strided_slice %select_n3A_111 {offsets = [0, 0], sizes = [128, 8], strides = [1, 1]} : vector<2048x8xf32> to vector<128x8xf32>
    %dot_general3A_119 = arith.constant dense<0.000000e+00> : vector<128x8xf32>
    %dot_general3A_120 = tpu.matmul %select_n3A_118, %slice3A, %dot_general3A_119 {dimension_numbers = #tpu.dot_dimension_numbers<[1], [0], [0], [1], [0, 0, 1, 1], [], []>, transpose_lhs_hint = false} : vector<128x128xf32>, vector<128x8xf32>, vector<128x8xf32> -> vector<128x8xf32>
    %slice3A_121 = vector.extract_strided_slice %dot_general3A_120 {offsets = [127, 0], sizes = [1, 8], strides = [1, 1]} : vector<128x8xf32> to vector<1x8xf32>
    %slice3A_122 = vector.extract_strided_slice %select_n3A_111 {offsets = [128, 0], sizes = [128, 8], strides = [1, 1]} : vector<2048x8xf32> to vector<128x8xf32>
    %dot_general3A_123 = arith.constant dense<0.000000e+00> : vector<128x8xf32>
    %dot_general3A_124 = tpu.matmul %select_n3A_118, %slice3A_122, %dot_general3A_123 {dimension_numbers = #tpu.dot_dimension_numbers<[1], [0], [0], [1], [0, 0, 1, 1], [], []>, transpose_lhs_hint = false} : vector<128x128xf32>, vector<128x8xf32>, vector<128x8xf32> -> vector<128x8xf32>
    %slice3A_125 = vector.extract_strided_slice %dot_general3A_124 {offsets = [127, 0], sizes = [1, 8], strides = [1, 1]} : vector<128x8xf32> to vector<1x8xf32>
    %slice3A_126 = vector.extract_strided_slice %select_n3A_111 {offsets = [256, 0], sizes = [128, 8], strides = [1, 1]} : vector<2048x8xf32> to vector<128x8xf32>
    %dot_general3A_127 = arith.constant dense<0.000000e+00> : vector<128x8xf32>
    %dot_general3A_128 = tpu.matmul %select_n3A_118, %slice3A_126, %dot_general3A_127 {dimension_numbers = #tpu.dot_dimension_numbers<[1], [0], [0], [1], [0, 0, 1, 1], [], []>, transpose_lhs_hint = false} : vector<128x128xf32>, vector<128x8xf32>, vector<128x8xf32> -> vector<128x8xf32>
    %slice3A_129 = vector.extract_strided_slice %dot_general3A_128 {offsets = [127, 0], sizes = [1, 8], strides = [1, 1]} : vector<128x8xf32> to vector<1x8xf32>
    %slice3A_130 = vector.extract_strided_slice %select_n3A_111 {offsets = [384, 0], sizes = [128, 8], strides = [1, 1]} : vector<2048x8xf32> to vector<128x8xf32>
    %dot_general3A_131 = arith.constant dense<0.000000e+00> : vector<128x8xf32>
    %dot_general3A_132 = tpu.matmul %select_n3A_118, %slice3A_130, %dot_general3A_131 {dimension_numbers = #tpu.dot_dimension_numbers<[1], [0], [0], [1], [0, 0, 1, 1], [], []>, transpose_lhs_hint = false} : vector<128x128xf32>, vector<128x8xf32>, vector<128x8xf32> -> vector<128x8xf32>
    %slice3A_133 = vector.extract_strided_slice %dot_general3A_132 {offsets = [127, 0], sizes = [1, 8], strides = [1, 1]} : vector<128x8xf32> to vector<1x8xf32>
    %slice3A_134 = vector.extract_strided_slice %select_n3A_111 {offsets = [512, 0], sizes = [128, 8], strides = [1, 1]} : vector<2048x8xf32> to vector<128x8xf32>
    %dot_general3A_135 = arith.constant dense<0.000000e+00> : vector<128x8xf32>
    %dot_general3A_136 = tpu.matmul %select_n3A_118, %slice3A_134, %dot_general3A_135 {dimension_numbers = #tpu.dot_dimension_numbers<[1], [0], [0], [1], [0, 0, 1, 1], [], []>, transpose_lhs_hint = false} : vector<128x128xf32>, vector<128x8xf32>, vector<128x8xf32> -> vector<128x8xf32>
    %slice3A_137 = vector.extract_strided_slice %dot_general3A_136 {offsets = [127, 0], sizes = [1, 8], strides = [1, 1]} : vector<128x8xf32> to vector<1x8xf32>
    %slice3A_138 = vector.extract_strided_slice %select_n3A_111 {offsets = [640, 0], sizes = [128, 8], strides = [1, 1]} : vector<2048x8xf32> to vector<128x8xf32>
    %dot_general3A_139 = arith.constant dense<0.000000e+00> : vector<128x8xf32>
    %dot_general3A_140 = tpu.matmul %select_n3A_118, %slice3A_138, %dot_general3A_139 {dimension_numbers = #tpu.dot_dimension_numbers<[1], [0], [0], [1], [0, 0, 1, 1], [], []>, transpose_lhs_hint = false} : vector<128x128xf32>, vector<128x8xf32>, vector<128x8xf32> -> vector<128x8xf32>
    %slice3A_141 = vector.extract_strided_slice %dot_general3A_140 {offsets = [127, 0], sizes = [1, 8], strides = [1, 1]} : vector<128x8xf32> to vector<1x8xf32>
    %slice3A_142 = vector.extract_strided_slice %select_n3A_111 {offsets = [768, 0], sizes = [128, 8], strides = [1, 1]} : vector<2048x8xf32> to vector<128x8xf32>
    %dot_general3A_143 = arith.constant dense<0.000000e+00> : vector<128x8xf32>
    %dot_general3A_144 = tpu.matmul %select_n3A_118, %slice3A_142, %dot_general3A_143 {dimension_numbers = #tpu.dot_dimension_numbers<[1], [0], [0], [1], [0, 0, 1, 1], [], []>, transpose_lhs_hint = false} : vector<128x128xf32>, vector<128x8xf32>, vector<128x8xf32> -> vector<128x8xf32>
    %slice3A_145 = vector.extract_strided_slice %dot_general3A_144 {offsets = [127, 0], sizes = [1, 8], strides = [1, 1]} : vector<128x8xf32> to vector<1x8xf32>
    %slice3A_146 = vector.extract_strided_slice %select_n3A_111 {offsets = [896, 0], sizes = [128, 8], strides = [1, 1]} : vector<2048x8xf32> to vector<128x8xf32>
    %dot_general3A_147 = arith.constant dense<0.000000e+00> : vector<128x8xf32>
    %dot_general3A_148 = tpu.matmul %select_n3A_118, %slice3A_146, %dot_general3A_147 {dimension_numbers = #tpu.dot_dimension_numbers<[1], [0], [0], [1], [0, 0, 1, 1], [], []>, transpose_lhs_hint = false} : vector<128x128xf32>, vector<128x8xf32>, vector<128x8xf32> -> vector<128x8xf32>
    %slice3A_149 = vector.extract_strided_slice %dot_general3A_148 {offsets = [127, 0], sizes = [1, 8], strides = [1, 1]} : vector<128x8xf32> to vector<1x8xf32>
    %slice3A_150 = vector.extract_strided_slice %select_n3A_111 {offsets = [1024, 0], sizes = [128, 8], strides = [1, 1]} : vector<2048x8xf32> to vector<128x8xf32>
    %dot_general3A_151 = arith.constant dense<0.000000e+00> : vector<128x8xf32>
    %dot_general3A_152 = tpu.matmul %select_n3A_118, %slice3A_150, %dot_general3A_151 {dimension_numbers = #tpu.dot_dimension_numbers<[1], [0], [0], [1], [0, 0, 1, 1], [], []>, transpose_lhs_hint = false} : vector<128x128xf32>, vector<128x8xf32>, vector<128x8xf32> -> vector<128x8xf32>
    %slice3A_153 = vector.extract_strided_slice %dot_general3A_152 {offsets = [127, 0], sizes = [1, 8], strides = [1, 1]} : vector<128x8xf32> to vector<1x8xf32>
    %slice3A_154 = vector.extract_strided_slice %select_n3A_111 {offsets = [1152, 0], sizes = [128, 8], strides = [1, 1]} : vector<2048x8xf32> to vector<128x8xf32>
    %dot_general3A_155 = arith.constant dense<0.000000e+00> : vector<128x8xf32>
    %dot_general3A_156 = tpu.matmul %select_n3A_118, %slice3A_154, %dot_general3A_155 {dimension_numbers = #tpu.dot_dimension_numbers<[1], [0], [0], [1], [0, 0, 1, 1], [], []>, transpose_lhs_hint = false} : vector<128x128xf32>, vector<128x8xf32>, vector<128x8xf32> -> vector<128x8xf32>
    %slice3A_157 = vector.extract_strided_slice %dot_general3A_156 {offsets = [127, 0], sizes = [1, 8], strides = [1, 1]} : vector<128x8xf32> to vector<1x8xf32>
    %slice3A_158 = vector.extract_strided_slice %select_n3A_111 {offsets = [1280, 0], sizes = [128, 8], strides = [1, 1]} : vector<2048x8xf32> to vector<128x8xf32>
    %dot_general3A_159 = arith.constant dense<0.000000e+00> : vector<128x8xf32>
    %dot_general3A_160 = tpu.matmul %select_n3A_118, %slice3A_158, %dot_general3A_159 {dimension_numbers = #tpu.dot_dimension_numbers<[1], [0], [0], [1], [0, 0, 1, 1], [], []>, transpose_lhs_hint = false} : vector<128x128xf32>, vector<128x8xf32>, vector<128x8xf32> -> vector<128x8xf32>
    %slice3A_161 = vector.extract_strided_slice %dot_general3A_160 {offsets = [127, 0], sizes = [1, 8], strides = [1, 1]} : vector<128x8xf32> to vector<1x8xf32>
    %slice3A_162 = vector.extract_strided_slice %select_n3A_111 {offsets = [1408, 0], sizes = [128, 8], strides = [1, 1]} : vector<2048x8xf32> to vector<128x8xf32>
    %dot_general3A_163 = arith.constant dense<0.000000e+00> : vector<128x8xf32>
    %dot_general3A_164 = tpu.matmul %select_n3A_118, %slice3A_162, %dot_general3A_163 {dimension_numbers = #tpu.dot_dimension_numbers<[1], [0], [0], [1], [0, 0, 1, 1], [], []>, transpose_lhs_hint = false} : vector<128x128xf32>, vector<128x8xf32>, vector<128x8xf32> -> vector<128x8xf32>
    %slice3A_165 = vector.extract_strided_slice %dot_general3A_164 {offsets = [127, 0], sizes = [1, 8], strides = [1, 1]} : vector<128x8xf32> to vector<1x8xf32>
    %slice3A_166 = vector.extract_strided_slice %select_n3A_111 {offsets = [1536, 0], sizes = [128, 8], strides = [1, 1]} : vector<2048x8xf32> to vector<128x8xf32>
    %dot_general3A_167 = arith.constant dense<0.000000e+00> : vector<128x8xf32>
    %dot_general3A_168 = tpu.matmul %select_n3A_118, %slice3A_166, %dot_general3A_167 {dimension_numbers = #tpu.dot_dimension_numbers<[1], [0], [0], [1], [0, 0, 1, 1], [], []>, transpose_lhs_hint = false} : vector<128x128xf32>, vector<128x8xf32>, vector<128x8xf32> -> vector<128x8xf32>
    %slice3A_169 = vector.extract_strided_slice %dot_general3A_168 {offsets = [127, 0], sizes = [1, 8], strides = [1, 1]} : vector<128x8xf32> to vector<1x8xf32>
    %slice3A_170 = vector.extract_strided_slice %select_n3A_111 {offsets = [1664, 0], sizes = [128, 8], strides = [1, 1]} : vector<2048x8xf32> to vector<128x8xf32>
    %dot_general3A_171 = arith.constant dense<0.000000e+00> : vector<128x8xf32>
    %dot_general3A_172 = tpu.matmul %select_n3A_118, %slice3A_170, %dot_general3A_171 {dimension_numbers = #tpu.dot_dimension_numbers<[1], [0], [0], [1], [0, 0, 1, 1], [], []>, transpose_lhs_hint = false} : vector<128x128xf32>, vector<128x8xf32>, vector<128x8xf32> -> vector<128x8xf32>
    %slice3A_173 = vector.extract_strided_slice %dot_general3A_172 {offsets = [127, 0], sizes = [1, 8], strides = [1, 1]} : vector<128x8xf32> to vector<1x8xf32>
    %slice3A_174 = vector.extract_strided_slice %select_n3A_111 {offsets = [1792, 0], sizes = [128, 8], strides = [1, 1]} : vector<2048x8xf32> to vector<128x8xf32>
    %dot_general3A_175 = arith.constant dense<0.000000e+00> : vector<128x8xf32>
    %dot_general3A_176 = tpu.matmul %select_n3A_118, %slice3A_174, %dot_general3A_175 {dimension_numbers = #tpu.dot_dimension_numbers<[1], [0], [0], [1], [0, 0, 1, 1], [], []>, transpose_lhs_hint = false} : vector<128x128xf32>, vector<128x8xf32>, vector<128x8xf32> -> vector<128x8xf32>
    %slice3A_177 = vector.extract_strided_slice %dot_general3A_176 {offsets = [127, 0], sizes = [1, 8], strides = [1, 1]} : vector<128x8xf32> to vector<1x8xf32>
    %slice3A_178 = vector.extract_strided_slice %select_n3A_111 {offsets = [1920, 0], sizes = [128, 8], strides = [1, 1]} : vector<2048x8xf32> to vector<128x8xf32>
    %dot_general3A_179 = arith.constant dense<0.000000e+00> : vector<128x8xf32>
    %dot_general3A_180 = tpu.matmul %select_n3A_118, %slice3A_178, %dot_general3A_179 {dimension_numbers = #tpu.dot_dimension_numbers<[1], [0], [0], [1], [0, 0, 1, 1], [], []>, transpose_lhs_hint = false} : vector<128x128xf32>, vector<128x8xf32>, vector<128x8xf32> -> vector<128x8xf32>
    %slice3A_181 = vector.extract_strided_slice %dot_general3A_180 {offsets = [127, 0], sizes = [1, 8], strides = [1, 1]} : vector<128x8xf32> to vector<1x8xf32>
    %concatenate3A = tpu.concatenate %slice3A_121, %slice3A_125, %slice3A_129, %slice3A_133, %slice3A_137, %slice3A_141, %slice3A_145, %slice3A_149, %slice3A_153, %slice3A_157, %slice3A_161, %slice3A_165, %slice3A_169, %slice3A_173, %slice3A_177, %slice3A_181 in 0 : vector<1x8xf32>, vector<1x8xf32>, vector<1x8xf32>, vector<1x8xf32>, vector<1x8xf32>, vector<1x8xf32>, vector<1x8xf32>, vector<1x8xf32>, vector<1x8xf32>, vector<1x8xf32>, vector<1x8xf32>, vector<1x8xf32>, vector<1x8xf32>, vector<1x8xf32>, vector<1x8xf32>, vector<1x8xf32> -> vector<16x8xf32>
    %iota3A_182 = tpu.iota {dimensions = array<i32: 0>} : vector<16x16xi32>
    %iota3A_183 = tpu.iota {dimensions = array<i32: 1>} : vector<16x16xi32>
    %lt3A = arith.cmpi slt, %iota3A_183, %iota3A_182 : vector<16x16xi32>
    %jit3A_184 = arith.constant 1.000000e+00 : f32
    %jit3A_185 = arith.constant 0.000000e+00 : f32
    %broadcast_in_dim3A_186 = vector.broadcast %jit3A_184 : f32 to vector<16x16xf32>
    %broadcast_in_dim3A_187 = vector.broadcast %jit3A_185 : f32 to vector<16x16xf32>
    %select_n3A_188 = arith.select %lt3A, %broadcast_in_dim3A_186, %broadcast_in_dim3A_187 : vector<16x16xi1>, vector<16x16xf32>
    %dot_general3A_189 = arith.constant dense<0.000000e+00> : vector<16x8xf32>
    %dot_general3A_190 = tpu.matmul %select_n3A_188, %concatenate3A, %dot_general3A_189 {dimension_numbers = #tpu.dot_dimension_numbers<[1], [0], [0], [1], [0, 0, 1, 1], [], []>, transpose_lhs_hint = false} : vector<16x16xf32>, vector<16x8xf32>, vector<16x8xf32> -> vector<16x8xf32>
    %slice3A_191 = vector.extract_strided_slice %dot_general3A_190 {offsets = [0, 0], sizes = [1, 8], strides = [1, 1]} : vector<16x8xf32> to vector<1x8xf32>
    %add3A_192 = vector.broadcast %slice3A_191 : vector<1x8xf32> to vector<128x8xf32>
    %add3A_193 = arith.addf %dot_general3A_120, %add3A_192 : vector<128x8xf32>
    %slice3A_194 = vector.extract_strided_slice %dot_general3A_190 {offsets = [1, 0], sizes = [1, 8], strides = [1, 1]} : vector<16x8xf32> to vector<1x8xf32>
    %add3A_195 = vector.broadcast %slice3A_194 : vector<1x8xf32> to vector<128x8xf32>
    %add3A_196 = arith.addf %dot_general3A_124, %add3A_195 : vector<128x8xf32>
    %slice3A_197 = vector.extract_strided_slice %dot_general3A_190 {offsets = [2, 0], sizes = [1, 8], strides = [1, 1]} : vector<16x8xf32> to vector<1x8xf32>
    %add3A_198 = vector.broadcast %slice3A_197 : vector<1x8xf32> to vector<128x8xf32>
    %add3A_199 = arith.addf %dot_general3A_128, %add3A_198 : vector<128x8xf32>
    %slice3A_200 = vector.extract_strided_slice %dot_general3A_190 {offsets = [3, 0], sizes = [1, 8], strides = [1, 1]} : vector<16x8xf32> to vector<1x8xf32>
    %add3A_201 = vector.broadcast %slice3A_200 : vector<1x8xf32> to vector<128x8xf32>
    %add3A_202 = arith.addf %dot_general3A_132, %add3A_201 : vector<128x8xf32>
    %slice3A_203 = vector.extract_strided_slice %dot_general3A_190 {offsets = [4, 0], sizes = [1, 8], strides = [1, 1]} : vector<16x8xf32> to vector<1x8xf32>
    %add3A_204 = vector.broadcast %slice3A_203 : vector<1x8xf32> to vector<128x8xf32>
    %add3A_205 = arith.addf %dot_general3A_136, %add3A_204 : vector<128x8xf32>
    %slice3A_206 = vector.extract_strided_slice %dot_general3A_190 {offsets = [5, 0], sizes = [1, 8], strides = [1, 1]} : vector<16x8xf32> to vector<1x8xf32>
    %add3A_207 = vector.broadcast %slice3A_206 : vector<1x8xf32> to vector<128x8xf32>
    %add3A_208 = arith.addf %dot_general3A_140, %add3A_207 : vector<128x8xf32>
    %slice3A_209 = vector.extract_strided_slice %dot_general3A_190 {offsets = [6, 0], sizes = [1, 8], strides = [1, 1]} : vector<16x8xf32> to vector<1x8xf32>
    %add3A_210 = vector.broadcast %slice3A_209 : vector<1x8xf32> to vector<128x8xf32>
    %add3A_211 = arith.addf %dot_general3A_144, %add3A_210 : vector<128x8xf32>
    %slice3A_212 = vector.extract_strided_slice %dot_general3A_190 {offsets = [7, 0], sizes = [1, 8], strides = [1, 1]} : vector<16x8xf32> to vector<1x8xf32>
    %add3A_213 = vector.broadcast %slice3A_212 : vector<1x8xf32> to vector<128x8xf32>
    %add3A_214 = arith.addf %dot_general3A_148, %add3A_213 : vector<128x8xf32>
    %slice3A_215 = vector.extract_strided_slice %dot_general3A_190 {offsets = [8, 0], sizes = [1, 8], strides = [1, 1]} : vector<16x8xf32> to vector<1x8xf32>
    %add3A_216 = vector.broadcast %slice3A_215 : vector<1x8xf32> to vector<128x8xf32>
    %add3A_217 = arith.addf %dot_general3A_152, %add3A_216 : vector<128x8xf32>
    %slice3A_218 = vector.extract_strided_slice %dot_general3A_190 {offsets = [9, 0], sizes = [1, 8], strides = [1, 1]} : vector<16x8xf32> to vector<1x8xf32>
    %add3A_219 = vector.broadcast %slice3A_218 : vector<1x8xf32> to vector<128x8xf32>
    %add3A_220 = arith.addf %dot_general3A_156, %add3A_219 : vector<128x8xf32>
    %slice3A_221 = vector.extract_strided_slice %dot_general3A_190 {offsets = [10, 0], sizes = [1, 8], strides = [1, 1]} : vector<16x8xf32> to vector<1x8xf32>
    %add3A_222 = vector.broadcast %slice3A_221 : vector<1x8xf32> to vector<128x8xf32>
    %add3A_223 = arith.addf %dot_general3A_160, %add3A_222 : vector<128x8xf32>
    %slice3A_224 = vector.extract_strided_slice %dot_general3A_190 {offsets = [11, 0], sizes = [1, 8], strides = [1, 1]} : vector<16x8xf32> to vector<1x8xf32>
    %add3A_225 = vector.broadcast %slice3A_224 : vector<1x8xf32> to vector<128x8xf32>
    %add3A_226 = arith.addf %dot_general3A_164, %add3A_225 : vector<128x8xf32>
    %slice3A_227 = vector.extract_strided_slice %dot_general3A_190 {offsets = [12, 0], sizes = [1, 8], strides = [1, 1]} : vector<16x8xf32> to vector<1x8xf32>
    %add3A_228 = vector.broadcast %slice3A_227 : vector<1x8xf32> to vector<128x8xf32>
    %add3A_229 = arith.addf %dot_general3A_168, %add3A_228 : vector<128x8xf32>
    %slice3A_230 = vector.extract_strided_slice %dot_general3A_190 {offsets = [13, 0], sizes = [1, 8], strides = [1, 1]} : vector<16x8xf32> to vector<1x8xf32>
    %add3A_231 = vector.broadcast %slice3A_230 : vector<1x8xf32> to vector<128x8xf32>
    %add3A_232 = arith.addf %dot_general3A_172, %add3A_231 : vector<128x8xf32>
    %slice3A_233 = vector.extract_strided_slice %dot_general3A_190 {offsets = [14, 0], sizes = [1, 8], strides = [1, 1]} : vector<16x8xf32> to vector<1x8xf32>
    %add3A_234 = vector.broadcast %slice3A_233 : vector<1x8xf32> to vector<128x8xf32>
    %add3A_235 = arith.addf %dot_general3A_176, %add3A_234 : vector<128x8xf32>
    %slice3A_236 = vector.extract_strided_slice %dot_general3A_190 {offsets = [15, 0], sizes = [1, 8], strides = [1, 1]} : vector<16x8xf32> to vector<1x8xf32>
    %add3A_237 = vector.broadcast %slice3A_236 : vector<1x8xf32> to vector<128x8xf32>
    %add3A_238 = arith.addf %dot_general3A_180, %add3A_237 : vector<128x8xf32>
    %concatenate3A_239 = tpu.concatenate %add3A_193, %add3A_196, %add3A_199, %add3A_202, %add3A_205, %add3A_208, %add3A_211, %add3A_214, %add3A_217, %add3A_220, %add3A_223, %add3A_226, %add3A_229, %add3A_232, %add3A_235, %add3A_238 in 0 : vector<128x8xf32>, vector<128x8xf32>, vector<128x8xf32>, vector<128x8xf32>, vector<128x8xf32>, vector<128x8xf32>, vector<128x8xf32>, vector<128x8xf32>, vector<128x8xf32>, vector<128x8xf32>, vector<128x8xf32>, vector<128x8xf32>, vector<128x8xf32>, vector<128x8xf32>, vector<128x8xf32>, vector<128x8xf32> -> vector<2048x8xf32>
    %slice3A_240 = vector.extract_strided_slice %concatenate3A_239 {offsets = [2047, 0], sizes = [1, 8], strides = [1, 1]} : vector<2048x8xf32> to vector<1x8xf32>
    %div3A_241 = arith.constant 2.560000e+02 : f32
    %div3A_242 = vector.broadcast %div3A_241 : f32 to vector<1x8xf32>
    %div3A_243 = arith.divf %slice3A_240, %div3A_242 : vector<1x8xf32>
    %ceil3A = math.ceil %div3A_243 : vector<1x8xf32>
    %mul3A_244 = arith.constant 2.560000e+02 : f32
    %mul3A_245 = vector.broadcast %mul3A_244 : f32 to vector<1x8xf32>
    %mul3A_246 = arith.mulf %ceil3A, %mul3A_245 : vector<1x8xf32>
    %iota3A_247 = tpu.iota {dimensions = array<i32: 0>} : vector<8x8xi32>
    %iota3A_248 = tpu.iota {dimensions = array<i32: 1>} : vector<8x8xi32>
    %lt3A_249 = arith.cmpi slt, %iota3A_247, %iota3A_248 : vector<8x8xi32>
    %jit3A_250 = arith.constant 1.000000e+00 : f32
    %jit3A_251 = arith.constant 0.000000e+00 : f32
    %broadcast_in_dim3A_252 = vector.broadcast %jit3A_250 : f32 to vector<8x8xf32>
    %broadcast_in_dim3A_253 = vector.broadcast %jit3A_251 : f32 to vector<8x8xf32>
    %select_n3A_254 = arith.select %lt3A_249, %broadcast_in_dim3A_252, %broadcast_in_dim3A_253 : vector<8x8xi1>, vector<8x8xf32>
    %dot_general3A_255 = arith.constant dense<0.000000e+00> : vector<1x8xf32>
    %dot_general3A_256 = tpu.matmul %mul3A_246, %select_n3A_254, %dot_general3A_255 {dimension_numbers = #tpu.dot_dimension_numbers<[1], [0], [0], [1], [0, 0, 1, 1], [], []>, transpose_lhs_hint = false} : vector<1x8xf32>, vector<8x8xf32>, vector<1x8xf32> -> vector<1x8xf32>
    %add3A_257 = vector.broadcast %dot_general3A_256 : vector<1x8xf32> to vector<2048x8xf32>
    %add3A_258 = arith.addf %add3A_257, %concatenate3A_239 : vector<2048x8xf32>
    %jit3A_259 = arith.constant 0.000000e+00 : f32
    %broadcast_in_dim3A_260 = vector.broadcast %jit3A_259 : f32 to vector<2048x8xf32>
    %select_n3A_261 = arith.select %eq3A_78, %add3A_258, %broadcast_in_dim3A_260 : vector<2048x8xi1>, vector<2048x8xf32>
    %reduce_sum3A_262 = arith.constant dense<0.000000e+00> : vector<2048xf32>
    %reduce_sum3A_263 = vector.multi_reduction <add>, %select_n3A_261, %reduce_sum3A_262 [1] : vector<2048x8xf32> to vector<2048xf32>
    %broadcast_in_dim3A_264 = vector.shape_cast %reduce_sum3A_263 : vector<2048xf32> to vector<2048x1xf32>
    %sub3A_265 = arith.constant 1.000000e+00 : f32
    %sub3A_266 = vector.broadcast %sub3A_265 : f32 to vector<2048x1xf32>
    %sub3A_267 = arith.subf %broadcast_in_dim3A_264, %sub3A_266 : vector<2048x1xf32>
    %add3A_268 = vector.broadcast %dot_general3A_256 : vector<1x8xf32> to vector<2048x8xf32>
    %add3A_269 = arith.addf %add3A_268, %concatenate3A_239 : vector<2048x8xf32>
    %jit3A_270 = arith.constant 0.000000e+00 : f32
    %broadcast_in_dim3A_271 = vector.broadcast %jit3A_270 : f32 to vector<2048x8xf32>
    %select_n3A_272 = arith.select %eq3A_94, %add3A_269, %broadcast_in_dim3A_271 : vector<2048x8xi1>, vector<2048x8xf32>
    %reduce_sum3A_273 = arith.constant dense<0.000000e+00> : vector<2048xf32>
    %reduce_sum3A_274 = vector.multi_reduction <add>, %select_n3A_272, %reduce_sum3A_273 [1] : vector<2048x8xf32> to vector<2048xf32>
    %broadcast_in_dim3A_275 = vector.shape_cast %reduce_sum3A_274 : vector<2048xf32> to vector<2048x1xf32>
    %sub3A_276 = arith.constant 1.000000e+00 : f32
    %sub3A_277 = vector.broadcast %sub3A_276 : f32 to vector<2048x1xf32>
    %sub3A_278 = arith.subf %broadcast_in_dim3A_275, %sub3A_277 : vector<2048x1xf32>
    %convert_element_type3A = arith.fptosi %sub3A_267 : vector<2048x1xf32> to vector<2048x1xi32>
    %swap3A_279 = arith.constant 0 : index
    %swap3A_280 = arith.constant 0 : index
    %swap3A_281 = vector.load %arg7[%swap3A_279, %swap3A_280] : memref<2048x1xi32, #tpu.memory_space<vmem>>, vector<2048x1xi32>
    tpu.vector_store %arg7[%swap3A_279, %swap3A_280], %convert_element_type3A {strides = array<i32>} : memref<2048x1xi32, #tpu.memory_space<vmem>>, vector<2048x1xi32>,
    %convert_element_type3A_282 = arith.fptosi %sub3A_278 : vector<2048x1xf32> to vector<2048x1xi32>
    %swap3A_283 = arith.constant 0 : index
    %swap3A_284 = arith.constant 0 : index
    %swap3A_285 = vector.load %arg8[%swap3A_283, %swap3A_284] : memref<2048x1xi32, #tpu.memory_space<vmem>>, vector<2048x1xi32>
    tpu.vector_store %arg8[%swap3A_283, %swap3A_284], %convert_element_type3A_282 {strides = array<i32>} : memref<2048x1xi32, #tpu.memory_space<vmem>>, vector<2048x1xi32>,
    %add3A_286 = arith.addf %dot_general3A_256, %mul3A_246 : vector<1x8xf32>
    %div3A_287 = arith.constant 2.560000e+02 : f32
    %div3A_288 = vector.broadcast %div3A_287 : f32 to vector<1x8xf32>
    %div3A_289 = arith.divf %add3A_286, %div3A_288 : vector<1x8xf32>
    %eq3A_290 = arith.cmpi eq, %iota3A_247, %iota3A_248 : vector<8x8xi32>
    %broadcast_in_dim3A_291 = vector.shape_cast %div3A_289 : vector<1x8xf32> to vector<1x8xf32>
    %broadcast_in_dim3A_292 = vector.broadcast %broadcast_in_dim3A_291 : vector<1x8xf32> to vector<8x8xf32>
    %jit3A_293 = arith.constant 0.000000e+00 : f32
    %broadcast_in_dim3A_294 = vector.broadcast %jit3A_293 : f32 to vector<8x8xf32>
    %select_n3A_295 = arith.select %eq3A_290, %broadcast_in_dim3A_292, %broadcast_in_dim3A_294 : vector<8x8xi1>, vector<8x8xf32>
    %reduce_sum3A_296 = arith.constant dense<0.000000e+00> : vector<8xf32>
    %reduce_sum3A_297 = vector.multi_reduction <add>, %select_n3A_295, %reduce_sum3A_296 [1] : vector<8x8xf32> to vector<8xf32>
    %broadcast_in_dim3A_298 = vector.shape_cast %reduce_sum3A_297 : vector<8xf32> to vector<8x1xf32>
    %iota3A_299 = tpu.iota {dimensions = array<i32: 1>} : vector<8x64xi32>
    %convert_element_type3A_300 = arith.sitofp %iota3A_299 : vector<8x64xi32> to vector<8x64xf32>
    %sub3A_301 = arith.constant 1.000000e+00 : f32
    %sub3A_302 = vector.broadcast %sub3A_301 : f32 to vector<8x64xf32>
    %sub3A_303 = arith.subf %convert_element_type3A_300, %sub3A_302 : vector<8x64xf32>
    %ge3A = vector.broadcast %broadcast_in_dim3A_298 : vector<8x1xf32> to vector<8x64xf32>
    %ge3A_304 = arith.cmpf oge, %sub3A_303, %ge3A : vector<8x64xf32>
    %jit3A_305 = arith.constant 1.000000e+00 : f32
    %jit3A_306 = arith.constant 0.000000e+00 : f32
    %broadcast_in_dim3A_307 = vector.broadcast %jit3A_305 : f32 to vector<8x64xf32>
    %broadcast_in_dim3A_308 = vector.broadcast %jit3A_306 : f32 to vector<8x64xf32>
    %select_n3A_309 = arith.select %ge3A_304, %broadcast_in_dim3A_307, %broadcast_in_dim3A_308 : vector<8x64xi1>, vector<8x64xf32>
    %reduce_sum3A_310 = arith.constant dense<0.000000e+00> : vector<64xf32>
    %reduce_sum3A_311 = vector.multi_reduction <add>, %select_n3A_309, %reduce_sum3A_310 [0] : vector<8x64xf32> to vector<64xf32>
    %broadcast_in_dim3A_312 = vector.shape_cast %reduce_sum3A_311 : vector<64xf32> to vector<1x64xf32>
    %min3A = arith.constant 7.000000e+00 : f32
    %min3A_313 = vector.broadcast %min3A : f32 to vector<1x64xf32>
    %min3A_314 = arith.minimumf %broadcast_in_dim3A_312, %min3A_313 : vector<1x64xf32>
    %reduce_sum3A_315 = arith.constant dense<0.000000e+00> : vector<1xf32>
    %reduce_sum3A_316 = vector.multi_reduction <add>, %mul3A_246, %reduce_sum3A_315 [1] : vector<1x8xf32> to vector<1xf32>
    %broadcast_in_dim3A_317 = vector.shape_cast %reduce_sum3A_316 : vector<1xf32> to vector<1x1xf32>
    %div3A_318 = arith.constant 2.560000e+02 : f32
    %div3A_319 = vector.broadcast %div3A_318 : f32 to vector<1x1xf32>
    %div3A_320 = arith.divf %broadcast_in_dim3A_317, %div3A_319 : vector<1x1xf32>
    %iota3A_321 = tpu.iota {dimensions = array<i32: 1>} : vector<1x64xi32>
    %eq3A_322 = arith.constant 0 : i32
    %eq3A_323 = vector.broadcast %eq3A_322 : i32 to vector<1x64xi32>
    %eq3A_324 = arith.cmpi eq, %iota3A_321, %eq3A_323 : vector<1x64xi32>
    %broadcast_in_dim3A_325 = vector.shape_cast %div3A_320 : vector<1x1xf32> to vector<1x1xf32>
    %broadcast_in_dim3A_326 = vector.broadcast %broadcast_in_dim3A_325 : vector<1x1xf32> to vector<1x64xf32>
    %select_n3A_327 = arith.select %eq3A_324, %broadcast_in_dim3A_326, %min3A_314 : vector<1x64xi1>, vector<1x64xf32>
    %convert_element_type3A_328 = arith.fptosi %select_n3A_327 : vector<1x64xf32> to vector<1x64xi32>
    %swap3A_329 = arith.constant 0 : index
    %swap3A_330 = arith.constant 0 : index
    %swap3A_331 = vector.load %arg11[%swap3A_329, %swap3A_330] : memref<1x64xi32, #tpu.memory_space<vmem>>, vector<1x64xi32>
    tpu.vector_store %arg11[%swap3A_329, %swap3A_330], %convert_element_type3A_328 {strides = array<i32>} : memref<1x64xi32, #tpu.memory_space<vmem>>, vector<1x64xi32>,
    return
  }
}

module attributes {stable_mosaic.version = 14 : i64} {
  func.func @_expert_kernel(%arg0: i32, %arg1: memref<64xi32, #tpu.memory_space<smem>>, %arg2: memref<256x768xf32, #tpu.memory_space<vmem>>, %arg3: memref<1x768x6144xf32, #tpu.memory_space<vmem>>, %arg4: memref<1x1x6144xf32, #tpu.memory_space<vmem>>, %arg5: memref<1x3072x768xf32, #tpu.memory_space<vmem>>, %arg6: memref<1x1x768xf32, #tpu.memory_space<vmem>>, %arg7: memref<256x768xf32, #tpu.memory_space<vmem>>) attributes {dimension_semantics = [#tpu.dimension_semantics<arbitrary>], iteration_bounds = array<i64: 24>, scalar_prefetch = 1 : i64, scratch_operands = 0 : i64, tpu.core_type = #tpu.core_type<tc>, window_params = [{transform_indices = @transform_0, window_bounds = array<i64: 256, 768>}, {transform_indices = @transform_1, window_bounds = array<i64: 1, 768, 6144>}, {transform_indices = @transform_2, window_bounds = array<i64: 1, 1, 6144>}, {transform_indices = @transform_3, window_bounds = array<i64: 1, 3072, 768>}, {transform_indices = @transform_4, window_bounds = array<i64: 1, 1, 768>}, {transform_indices = @transform_5, window_bounds = array<i64: 256, 768>}]} {
    %get3A = arith.constant 0 : index
    %get3A_0 = memref.load %arg1[%get3A] : memref<64xi32, #tpu.memory_space<smem>>
    %lt3A = arith.cmpi slt, %arg0, %get3A_0 : i32
    %convert_element_type3A = arith.extui %lt3A : i1 to i32
    %cond3A = arith.constant 0 : i32
    %cond3A_1 = arith.cmpi ne, %convert_element_type3A, %cond3A : i32
    scf.if %cond3A_1 {
      %get3A_2 = arith.constant 0 : index
      %get3A_3 = arith.constant 0 : index
      %get3A_4 = vector.load %arg2[%get3A_2, %get3A_3] : memref<256x768xf32, #tpu.memory_space<vmem>>, vector<256x768xf32>
      %get3A_5 = arith.constant 0 : index
      %get3A_6 = arith.constant 0 : index
      %get3A_7 = arith.constant 0 : index
      %get3A_8 = vector.load %arg3[%get3A_5, %get3A_6, %get3A_7] : memref<1x768x6144xf32, #tpu.memory_space<vmem>>, vector<1x768x6144xf32>
      %get3A_9 = vector.shape_cast %get3A_8 : vector<1x768x6144xf32> to vector<768x6144xf32>
      %dot_general3A = arith.constant dense<0.000000e+00> : vector<256x6144xf32>
      %dot_general3A_10 = tpu.matmul %get3A_4, %get3A_9, %dot_general3A {dimension_numbers = #tpu.dot_dimension_numbers<[1], [0], [0], [1], [0, 0, 1, 1], [], []>, transpose_lhs_hint = false} : vector<256x768xf32>, vector<768x6144xf32>, vector<256x6144xf32> -> vector<256x6144xf32>
      %get3A_11 = arith.constant 0 : index
      %get3A_12 = arith.constant 0 : index
      %get3A_13 = arith.constant 0 : index
      %get3A_14 = vector.load %arg4[%get3A_11, %get3A_12, %get3A_13] : memref<1x1x6144xf32, #tpu.memory_space<vmem>>, vector<1x1x6144xf32>
      %get3A_15 = vector.shape_cast %get3A_14 : vector<1x1x6144xf32> to vector<1x6144xf32>
      %add3A = vector.broadcast %get3A_15 : vector<1x6144xf32> to vector<256x6144xf32>
      %add3A_16 = arith.addf %dot_general3A_10, %add3A : vector<256x6144xf32>
      %slice3A = vector.extract_strided_slice %add3A_16 {offsets = [0, 0], sizes = [256, 3072], strides = [1, 1]} : vector<256x6144xf32> to vector<256x3072xf32>
      %slice3A_17 = vector.extract_strided_slice %add3A_16 {offsets = [0, 3072], sizes = [256, 3072], strides = [1, 1]} : vector<256x6144xf32> to vector<256x3072xf32>
      %integer_pow3A = arith.mulf %slice3A_17, %slice3A_17 : vector<256x3072xf32>
      %integer_pow3A_18 = arith.mulf %slice3A_17, %integer_pow3A : vector<256x3072xf32>
      %mul3A = arith.constant 4.471500e-02 : f32
      %mul3A_19 = vector.broadcast %mul3A : f32 to vector<256x3072xf32>
      %mul3A_20 = arith.mulf %mul3A_19, %integer_pow3A_18 : vector<256x3072xf32>
      %add3A_21 = arith.addf %slice3A_17, %mul3A_20 : vector<256x3072xf32>
      %mul3A_22 = arith.constant 0.797884583 : f32
      %mul3A_23 = vector.broadcast %mul3A_22 : f32 to vector<256x3072xf32>
      %mul3A_24 = arith.mulf %mul3A_23, %add3A_21 : vector<256x3072xf32>
      %mul3A_25 = arith.constant 5.000000e-01 : f32
      %mul3A_26 = vector.broadcast %mul3A_25 : f32 to vector<256x3072xf32>
      %mul3A_27 = arith.mulf %mul3A_26, %slice3A_17 : vector<256x3072xf32>
      %tanh3A = math.tanh %mul3A_24 : vector<256x3072xf32>
      %add3A_28 = arith.constant 1.000000e+00 : f32
      %add3A_29 = vector.broadcast %add3A_28 : f32 to vector<256x3072xf32>
      %add3A_30 = arith.addf %add3A_29, %tanh3A : vector<256x3072xf32>
      %mul3A_31 = arith.mulf %mul3A_27, %add3A_30 : vector<256x3072xf32>
      %mul3A_32 = arith.mulf %slice3A, %mul3A_31 : vector<256x3072xf32>
      %get3A_33 = arith.constant 0 : index
      %get3A_34 = arith.constant 0 : index
      %get3A_35 = arith.constant 0 : index
      %get3A_36 = vector.load %arg5[%get3A_33, %get3A_34, %get3A_35] : memref<1x3072x768xf32, #tpu.memory_space<vmem>>, vector<1x3072x768xf32>
      %get3A_37 = vector.shape_cast %get3A_36 : vector<1x3072x768xf32> to vector<3072x768xf32>
      %dot_general3A_38 = arith.constant dense<0.000000e+00> : vector<256x768xf32>
      %dot_general3A_39 = tpu.matmul %mul3A_32, %get3A_37, %dot_general3A_38 {dimension_numbers = #tpu.dot_dimension_numbers<[1], [0], [0], [1], [0, 0, 1, 1], [], []>, transpose_lhs_hint = false} : vector<256x3072xf32>, vector<3072x768xf32>, vector<256x768xf32> -> vector<256x768xf32>
      %get3A_40 = arith.constant 0 : index
      %get3A_41 = arith.constant 0 : index
      %get3A_42 = arith.constant 0 : index
      %get3A_43 = vector.load %arg6[%get3A_40, %get3A_41, %get3A_42] : memref<1x1x768xf32, #tpu.memory_space<vmem>>, vector<1x1x768xf32>
      %get3A_44 = vector.shape_cast %get3A_43 : vector<1x1x768xf32> to vector<1x768xf32>
      %add3A_45 = vector.broadcast %get3A_44 : vector<1x768xf32> to vector<256x768xf32>
      %add3A_46 = arith.addf %dot_general3A_39, %add3A_45 : vector<256x768xf32>
      %swap3A = arith.constant 0 : index
      %swap3A_47 = arith.constant 0 : index
      %swap3A_48 = vector.load %arg7[%swap3A, %swap3A_47] : memref<256x768xf32, #tpu.memory_space<vmem>>, vector<256x768xf32>
      tpu.vector_store %arg7[%swap3A, %swap3A_47], %add3A_46 {strides = array<i32>} : memref<256x768xf32, #tpu.memory_space<vmem>>, vector<256x768xf32>,
    } else {
    }
    return
  }
  func.func @transform_0(%arg0: i32, %arg1: memref<64xi32, #tpu.memory_space<smem>>) -> (i32, i32) {
    %c0_i32 = arith.constant 0 : i32
    %c0_i32_0 = arith.constant 0 : i32
    return %arg0, %c0_i32 : i32, i32
  }
  func.func @transform_1(%arg0: i32, %arg1: memref<64xi32, #tpu.memory_space<smem>>) -> (i32, i32, i32) {
    %add3A = arith.constant 1 : i32
    %add3A_0 = arith.addi %add3A, %arg0 : i32
    %get3A = arith.index_cast %add3A_0 : i32 to index
    %get3A_1 = memref.load %arg1[%get3A] : memref<64xi32, #tpu.memory_space<smem>>
    %c0_i32 = arith.constant 0 : i32
    %c0_i32_2 = arith.constant 0 : i32
    %c0_i32_3 = arith.constant 0 : i32
    return %get3A_1, %c0_i32, %c0_i32_2 : i32, i32, i32
  }
  func.func @transform_2(%arg0: i32, %arg1: memref<64xi32, #tpu.memory_space<smem>>) -> (i32, i32, i32) {
    %add3A = arith.constant 1 : i32
    %add3A_0 = arith.addi %add3A, %arg0 : i32
    %get3A = arith.index_cast %add3A_0 : i32 to index
    %get3A_1 = memref.load %arg1[%get3A] : memref<64xi32, #tpu.memory_space<smem>>
    %c0_i32 = arith.constant 0 : i32
    %c0_i32_2 = arith.constant 0 : i32
    %c0_i32_3 = arith.constant 0 : i32
    return %get3A_1, %c0_i32, %c0_i32_2 : i32, i32, i32
  }
  func.func @transform_3(%arg0: i32, %arg1: memref<64xi32, #tpu.memory_space<smem>>) -> (i32, i32, i32) {
    %add3A = arith.constant 1 : i32
    %add3A_0 = arith.addi %add3A, %arg0 : i32
    %get3A = arith.index_cast %add3A_0 : i32 to index
    %get3A_1 = memref.load %arg1[%get3A] : memref<64xi32, #tpu.memory_space<smem>>
    %c0_i32 = arith.constant 0 : i32
    %c0_i32_2 = arith.constant 0 : i32
    %c0_i32_3 = arith.constant 0 : i32
    return %get3A_1, %c0_i32, %c0_i32_2 : i32, i32, i32
  }
  func.func @transform_4(%arg0: i32, %arg1: memref<64xi32, #tpu.memory_space<smem>>) -> (i32, i32, i32) {
    %add3A = arith.constant 1 : i32
    %add3A_0 = arith.addi %add3A, %arg0 : i32
    %get3A = arith.index_cast %add3A_0 : i32 to index
    %get3A_1 = memref.load %arg1[%get3A] : memref<64xi32, #tpu.memory_space<smem>>
    %c0_i32 = arith.constant 0 : i32
    %c0_i32_2 = arith.constant 0 : i32
    %c0_i32_3 = arith.constant 0 : i32
    return %get3A_1, %c0_i32, %c0_i32_2 : i32, i32, i32
  }
  func.func @transform_5(%arg0: i32, %arg1: memref<64xi32, #tpu.memory_space<smem>>) -> (i32, i32) {
    %c0_i32 = arith.constant 0 : i32
    %c0_i32_0 = arith.constant 0 : i32
    return %arg0, %c0_i32 : i32, i32
  }
}

</mosaic_0001>

<sc_bundles>
// kernel: kernel.6.cloned.1.call-start
scs
__scs_entry_jumppad:
0x0: {  	(pc) =	sbr.rel $0x88, $3  }
0x1: {  	(tag) =	ssettag $0x0;
	lr =	simm.s32 $0x1  }
0x2: {  	[smem:$0x3F96] =	sst lr;
	_ =	strace $0xD0000000  }
0x3: {  	_ = 	snop  }
0x4: {  	_ = 	snop  }
0x5: {  	_ = 	snop  }
0x6: {  	_ = 	snop  }
0x7: {  	_ = 	snop  }
__scs_overlays_trampoline_lowered:
0x8: {  	[smem:$0x3FA5] =	sst s0  }
0x9: {  	[smem:$0x3FA6] =	sst s1  }
0xa: {  	[smem:$0x3FA7] =	sst s2  }
0xb: {  	[smem:$0x3FA8] =	sst s3  }
0xc: {  	[smem:$0x3FA9] =	sst s4  }
0xd: {  	[smem:$0x3FAA] =	sst s5  }
0xe: {  	[smem:$0x3FAB] =	sst s6  }
0xf: {  	[smem:$0x3FAC] =	sst s7  }
0x10: {  	[smem:$0x3FAD] =	sst s8  }
0x11: {  	[smem:$0x3FAE] =	sst s9;
	s0 =	simm.s32 @!p0 $0x0  }
0x12: {  	s1 =	sld [smem:$0x3F94];
	s0 =	simm.s32 @p0 $0x1  }
0x13: {  	[smem:$0x3FAF] =	sst s0;
	s0 =	simm.s32 @!p1 $0x0  }
0x14: {  	s2 =	sld [smem:$0x3F93];
	s0 =	simm.s32 @p1 $0x1  }
0x15: {  	[smem:$0x3FB0] =	sst s0;
	s0 =	simm.s32 @!p2 $0x0  }
0x16: {  	s3 =	sld [smem:$0x3FDB];
	s0 =	simm.s32 @p2 $0x1  }
0x17: {  	s4 =	simm.s32 $0x1BF5;
	[smem:$0x3FB2] =	sst s0  }
0x18: {  	s0 =	sld [smem:$0x3F95];
	_ =	swait.ge [sflag:s4], $0x0  }
0x19: {  	s7 =	sld [smem:$0x3F96]  }
0x1a: {  	s8 =	sadd.s32 $0xFFFFE003, lr  }
0x1b: {  	s9 =	sadd.s32 $0xFFFFFEF7, lr;
	s5 =	simm.s32 $0xFFFFFFFF;
	p2 =	slt.u32 s8, $0xFFFFF086  }
0x1c: {  	p1 =	slt.u32 s9, $0xF7A;
	s5 =	simm.s32 @!p2 $0x0  }
0x1d: {  	s5 =	simm.s32 @p1 $0x1;
	p0 =	seq.s32 s7, s2  }
0x1e: {  	s7 =	smul.u32 @!p0 $0xF7A, s2;
	p2 =	seq.s32 @!p0 s5, $0x0  }
0x1f: {  	s9 =	smul.u32 $0xF7A, s1;
	s8 =	simm.s32 @!p0 $0x1BF5;
	p2 =	por !p2, p0  }
0x20: {  	[sflag:s8] =	ssyncset.s32 @!p0 $0xFFFFF086;
	s6 =	sadd.s32 @!p0 s3, s7;
	s7 =	simm.s32 @!p0 $0x108  }
0x21: {  	s3 =	sadd.s32 s3, s9;
	s6 =	sadd.s32 @!p0 $0x88, s6;
	s7 =	simm.s32 @p2 $0x1082  }
0x22: {  	[simem:s7], [sflag:s8] =	dma.local @!p0 [hbm:s6], $0xF7A  }
0x23: {  	s9 =	sor.u32 $0xD0000000, s2;
	s6 =	simm.s32 $0x108;
	_ =	swait.ge @!p0 [sflag:s8], $0x0  }
0x24: {  	s3 =	sadd.s32 $0x88, s3;
	s6 =	simm.s32 @!p1 $0x1082;
	[sflag:s4] =	ssyncset.s32 $0xFFFFF086  }
0x25: {  	[simem:s6], [sflag:s4] =	dma.local [hbm:s3], $0xF7A  }
0x26: {  	[smem:$0x3F96] =	sst s1;
	(tag) =	ssettag s2;
	_ =	strace s9  }
0x27: {  	s1 =	sld [smem:$0x3FA6]  }
0x28: {  	s2 =	sld [smem:$0x3FA7]  }
0x29: {  	s4 =	sld [smem:$0x3FA9]  }
0x2a: {  	p0 =	seq.s32 s5, $0x0;
	s5 =	sld [smem:$0x3FAA]  }
0x2b: {  	s6 =	sld [smem:$0x3FAB]  }
0x2c: {  	s7 =	sld [smem:$0x3FAC]  }
0x2d: {  	s3 =	simm.s32 $0x108;
	s8 =	sld [smem:$0x3FAD]  }
0x2e: {  	s3 =	simm.s32 @!p0 $0x1082;
	s9 =	sld [smem:$0x3FAE]  }
0x2f: {  	lr =	sadd.s32 s0, s3;
	s0 =	sld [smem:$0x3FA5]  }
0x30: {  	s3 =	sld [smem:$0x3FA8]  }
0x31: {  	[smem:$0x3FB1] =	sst s10  }
0x32: {  	s10 =	sld [smem:$0x3FAF];
	_ =	sdelay $0x3  }
0x33: {  	p0 =	seq.s32 s10, $0x1;
	s10 =	sld [smem:$0x3FB1];
	_ =	sdelay $0x3  }
0x34: {  	[smem:$0x3FB1] =	sst s10  }
0x35: {  	s10 =	sld [smem:$0x3FB0];
	_ =	sdelay $0x3  }
0x36: {  	p1 =	seq.s32 s10, $0x1;
	s10 =	sld [smem:$0x3FB1];
	_ =	sdelay $0x3  }
0x37: {  	[smem:$0x3FB1] =	sst s10  }
0x38: {  	s10 =	sld [smem:$0x3FB2]  }
0x39: {  	_ = 	snop;
	(pc) =	sbr.ind lr, $3  }
0x3a: {  	_ = 	snop  }
0x3b: {  	_ = 	snop  }
0x3c: {  	p2 =	seq.s32 s10, $0x1;
	s10 =	sld [smem:$0x3FB1]  }
0x3d: {  	_ =	shalt  }
0x3e: {  	_ =	shalt  }
0x3f: {  	_ =	shalt  }
0x40: {  	_ =	shalt  }
0x41: {  	_ =	shalt  }
0x42: {  	_ =	shalt  }
0x43: {  	_ =	shalt  }
0x44: {  	_ =	shalt  }
0x45: {  	_ =	shalt  }
0x46: {  	_ =	shalt  }
0x47: {  	_ =	shalt  }
0x48: {  	_ =	shalt  }
0x49: {  	_ =	shalt  }
0x4a: {  	_ =	shalt  }
0x4b: {  	_ =	shalt  }
0x4c: {  	_ =	shalt  }
0x4d: {  	_ =	shalt  }
0x4e: {  	_ =	shalt  }
0x4f: {  	_ =	shalt  }
0x50: {  	_ =	shalt  }
0x51: {  	_ =	shalt  }
0x52: {  	_ =	shalt  }
0x53: {  	_ =	shalt  }
0x54: {  	_ =	shalt  }
0x55: {  	_ =	shalt  }
0x56: {  	_ =	shalt  }
0x57: {  	_ =	shalt  }
0x58: {  	_ =	shalt  }
0x59: {  	_ =	shalt  }
0x5a: {  	_ =	shalt  }
0x5b: {  	_ =	shalt  }
0x5c: {  	_ =	shalt  }
0x5d: {  	_ =	shalt  }
0x5e: {  	_ =	shalt  }
0x5f: {  	_ =	shalt  }
0x60: {  	_ =	shalt  }
0x61: {  	_ =	shalt  }
0x62: {  	_ =	shalt  }
0x63: {  	_ =	shalt  }
0x64: {  	_ =	shalt  }
0x65: {  	_ =	shalt  }
0x66: {  	_ =	shalt  }
0x67: {  	_ =	shalt  }
0x68: {  	_ =	shalt  }
0x69: {  	_ =	shalt  }
0x6a: {  	_ =	shalt  }
0x6b: {  	_ =	shalt  }
0x6c: {  	_ =	shalt  }
0x6d: {  	_ =	shalt  }
0x6e: {  	_ =	shalt  }
0x6f: {  	_ =	shalt  }
0x70: {  	_ =	shalt  }
0x71: {  	_ =	shalt  }
0x72: {  	_ =	shalt  }
0x73: {  	_ =	shalt  }
0x74: {  	_ =	shalt  }
0x75: {  	_ =	shalt  }
0x76: {  	_ =	shalt  }
0x77: {  	_ =	shalt  }
0x78: {  	_ =	shalt  }
0x79: {  	_ =	shalt  }
0x7a: {  	_ =	shalt  }
0x7b: {  	_ =	shalt  }
0x7c: {  	_ =	shalt  }
0x7d: {  	_ =	shalt  }
0x7e: {  	_ =	shalt  }
0x7f: {  	_ =	shalt  }
0x80: {  	_ =	shalt  }
0x81: {  	_ =	shalt  }
0x82: {  	_ =	shalt  }
0x83: {  	_ =	shalt  }
0x84: {  	_ =	shalt  }
0x85: {  	_ =	shalt  }
0x86: {  	_ =	shalt  }
0x87: {  	_ =	shalt  }
.Lfunc_end0:
.L_simem_size_0:
called_computation_lowered:
.L_overlay_start_0:
0x88: {  	s2 =	sld [smem:$0x3FD9]  }
0x89: {  	s3 =	sld [smem:$0x3FFE];
	_ =	sdelay $0x1  }
0x8a: {  	s1 =	srdreg.scid  }
0x8b: {  	s0 =	sand.u32 $0x1, s1  }
0x8c: {  	s17 =	sshll.u32 s0, $0xA;
	s2 =	sadd.s32 s3, s2  }
0x8d: {  	s2 =	sadd.s32 s2, s17  }
0x8e: {  	[smem:$0x3FBD] =	sst s2  }
0x8f: {  	_ = 	snop  }
0x90: {  	s2 =	sld [smem:$0x3FC9];
	(tm) =	ssettm $0x1  }
0x91: {  	s18 =	sld [smem:$0x3FFB];
	_ =	sdelay $0x3  }
0x92: {  	_ =	strace s18  }
0x93: {  	s3 =	sld [smem:$0x3FFC];
	_ =	sdelay $0x3  }
0x94: {  	_ =	strace s3  }
0x95: {  	s3 =	sld [smem:$0x3FFD];
	_ =	sdelay $0x3  }
0x96: {  	_ =	strace s3  }
0x97: {  	_ =	strace $0x8FFFFFFF  }
0x98: {  	s19 =	sld [smem:$0x3FDB];
	_ =	sdelay $0x1  }
0x99: {  	s4 =	simm.s32 $_scs_section_size  }
0x9a: {  	s5 =	simm.s32 $_size__tile_overlayer_lowered;
	s6 =	simm.s32 $_tile_overlayer_lowered  }
0x9b: {  	s22 =	simm.s32 $0x1BFF;
	s21 =	sshll.u32 s6, $0x1;
	s3 =	sadd.s32 s4, s19  }
0x9c: {  	s7 =	simm.s32 $0x0;
	s20 =	sshll.u32 s5, $0x1;
	s5 =	sadd.s32 s21, s3  }
0x9d: {  	[timem:s7], [sflag:s22] =	dma.local [hbm:s5], s20  }
0x9e: {  	_ =	swait.ge [sflag:s22], s20  }
0x9f: {  	s4 =	ssub.s32 $0x0, s20;
	[sflag:s22] =	ssyncset.done $0x0  }
0xa0: {  	[sflag:s22] =	ssyncadd.s32 s4;
	_ =	sdelay $0x1  }
0xa1: {  	s23 =	simm.s32 $0x1B8B  }
0xa2: {  	_ =	swait.ge [sflag:s23], $0x1  }
0xa3: {  	[sflag:s23] =	ssyncset.done $0x0  }
0xa4: {  	s25 =	simm.s32 $0x1B8E;
	s24 =	sld [smem:$0x3FFE];
	[sflag:s23] =	ssyncadd.s32 $0xFFFFFFFF  }
0xa5: {  	s26 =	simm.s32 $execute0_lowered;
	[smem:$0x3FD2] =	sst s25  }
0xa6: {  	s5 =	sshll.u32 s26, $0x1;
	_ =	strace $0x80000046;
	[dreg:$0x1] =	wrdreg $0xFFFFFFFF  }
0xa7: {  	s28 =	simm.s32 $_size_execute0_lowered;
	s3 =	sadd.s32 s3, s5;
	[dreg:$0x0] =	wrdreg $0x0  }
0xa8: {  	s5 =	sshll.u32 s28, $0x1;
	[dreg:$0x2] =	wrdreg s3  }
0xa9: {  	[dreg:$0x3] =	wrdreg s5  }
0xaa: {  	[dreg:$0x4] =	wrdreg $0xC0  }
0xab: {  	_ =	task [dreg:s7], $0x5FFFF  }
0xac: {  	[dreg:$0x1] =	wrdreg $0xFFFFFFFF  }
0xad: {  	[dreg:$0x0] =	wrdreg $0x60  }
0xae: {  	[dreg:$0x2] =	wrdreg s2  }
0xaf: {  	[dreg:$0x3] =	wrdreg s24  }
0xb0: {  	[dreg:$0x4] =	wrdreg $0x9  }
0xb1: {  	_ =	task.clear_ibuf [dreg:s7], $0x5FFFF;
	_ =	strace $0x90000046  }
0xb2: {  	s29 =	simm.s32 $0x9;
	_ =	strace $0x80000048  }
0xb3: {  	_ =	swait.ge [sflag:s29], $0x1  }
0xb4: {  	[sflag:s29] =	ssyncadd.s32 $0xFFFFFFFF  }
0xb5: {  	_ =	strace $0x90000048  }
0xb6: {  	_ =	sfence  }
0xb7: {  	s30 =	sld [smem:$0x0];
	_ =	sdelay $0x2  }
0xb8: {  	s31 =	sshll.u32 s1, $0xD;
	s1 =	sshrl.u32 s1, $0x2  }
0xb9: {  	s3 =	sand.u32 $0x4000, s31;
	s1 =	sadd.s32 s1, s30  }
0xba: {  	s0 =	sor.u32 s3, s0;
	s1 =	sshll.u32 s1, $0x11  }
0xbb: {  	s0 =	sor.u32 s1, s0  }
0xbc: {  	s0 =	sadd.s32 $0x8F2B, s0  }
0xbd: {  	[sflag:s0] =	ssyncadd.remote.s32 $0x1  }
0xbe: {  	_ =	sfence.sel $0xFFFF  }
0xbf: {  	[dreg:$0x0] =	wrdreg $0xFFFFFFFF;
	(pc) =	sbr.abs _section_cstart, $3  }
0xc0: {  	[dreg:$0x1] =	wrdreg $0xFFFFFFFF  }
0xc1: {  	_ =	task.clear_ibuf [dreg:s7], $0x2FFFF;
	_ =	strace $0x9FFFFFFF  }
0xc2: {  	(tm) =	ssettm $0x7FFFFFFF  }
0xc3: {  	_ =	shalt  }
tec
execute0_lowered:
.L_overlay_start_1:
0x0: {  	(tag) =	ssettag $0x1  }
0x1: {  	s0 =	srdreg.scid  }
0x2: {  	s1 =	rddreg [dreg:$0x0];
	s2 =	stileid.u32  }
0x3: {  	s5 =	rddreg [dreg:$0x1];
	s26 =	simm.s32 $0x80;
	s8 =	simm.s32 $0x3  }
0x4: {  	s9 =	simm.s32 $0x2;
	s12 =	simm.s32 $0x1900;
	s13 =	simm.s32 $0x2100  }
0x5: {  	s14 =	simm.s32 $0x2900;
	s15 =	simm.s32 $0x3100;
	s16 =	simm.s32 $0x3900  }
0x6: {  	s17 =	simm.s32 $0x4100;
	s18 =	simm.s32 $0x4900;
	s19 =	simm.s32 $0x5100  }
0x7: {  	s20 =	simm.s32 $0x5900;
	s21 =	simm.s32 $0x6100;
	s22 =	simm.s32 $0x6900  }
0x8: {  	s28 =	simm.s32 $0x9100;
	s29 =	simm.s32 $0x9900;
	s30 =	simm.s32 $0xA100  }
0x9: {  	s31 =	simm.s32 $0xA900;
	s7 =	simm.s32 $0xB900;
	s0 =	sand.u32 $0x1, s0  }
0xa: {  	s3 =	sshll.u32 s2, $0x4;
	s2 =	simm.s32 $0x0;
	s4 =	sshll.u32 s0, $0x3  }
0xb: {  	[smem:$0x7FF] =	sst s2;
	s0 =	ssub.s32 $0x2, s0;
	s3 =	sor.u32 s4, s3  }
0xc: {  	_ =	strace $0x80000047;
	s23 =	sshrl.u32 s0, $0x1;
	[dreg:$0x6] =	wrdreg s26  }
0xd: {  	s26 =	simm.s32 $0x8900;
	s4 =	smul.u32 $0x300, s3;
	s6 =	sadd.s32 s3, s5  }
0xe: {  	s3 =	sadd.s32 $0x11400, s5;
	s0 =	ssub.s32 s0, s23;
	s24 =	sadd.s32 $0x11000, s6  }
0xf: {  	s23 =	simm.s32 $0x7100;
	s25 =	sadd.s32 $0x11200, s6;
	[dreg:$0x4] =	wrdreg s24  }
0x10: {  	v2 =	vlaneseq.u32;
	s6 =	smax.u32 s0, $0x1;
	s1 =	sadd.s32 s1, s4;
	[dreg:$0x5] =	wrdreg s25  }
0x11: {  	vm0 =	vmmov $0xffff;
	v1 =	vshrl.u32 v2, $0x3;
	s4 =	sadd.s32 $0x11500, s5;
	s5 =	sadd.s32 $0x11600, s5;
	s24 =	simm.s32 $0x7900  }
0x12: {  	v0 =	vand.u32 $0x7, v2;
	v2 =	vor.u32 $0x8, v2;
	v1 =	vmul.u32 $0x8, v1;
	s25 =	simm.s32 $0x8100;
	[dreg:$0x3] =	wrdreg s1;
	s1 =	simm.s32 $0xB100  }
.LBB2_1:
0x13: {  	s10 =	rddreg [dreg:$0x3];
	s0 =	simm.s32 $0x100  }
0x14: {  	[tilespmem:s0], [sflag:$0x3] =	stream.linear.gather [hbm4b:s10+s2], $0xC000, $0x38;
	[tilespmem:$0xC100] =	vst v63  }
0x15: {  	_ =	swait.ge [sflag:s8], $0xC000  }
0x16: {  	[sflag:s8] =	ssyncset.done $0x0  }
0x17: {  	s11 =	rddreg [dreg:$0x4];
	[sflag:s8] =	ssyncadd.s32 $0xFFFF4000  }
0x18: {  	[tilespmem:s2], [sflag:$0x3] =	stream.linear.gather [hbm4b:s11+s2], $0x40, $0x38;
	[tilespmem:$0xC100] =	vst v63  }
0x19: {  	_ =	swait.ge [sflag:s8], $0x40  }
0x1a: {  	s10 =	rddreg [dreg:$0x5];
	[sflag:s8] =	ssyncset.done $0x0  }
0x1b: {  	s11 =	rddreg [dreg:$0x6];
	[sflag:s8] =	ssyncadd.s32 $0xFFFFFFC0  }
0x1c: {  	[tilespmem:s11], [sflag:$0x3] =	stream.linear.gather [hbm4b:s10+s2], $0x40, $0x38;
	[tilespmem:$0xC100] =	vst v63  }
0x1d: {  	_ =	swait.ge [sflag:s8], $0x40  }
0x1e: {  	[sflag:s8] =	ssyncset.done $0x0  }
0x1f: {  	[sflag:s8] =	ssyncadd.s32 $0xFFFFFFC0  }
0x20: {  	v3 =	vld [tilespmem:$0x0];
	_ =	sdelay $0x4  }
0x21: {  	v4 =	vshrl.u32 v3, $0x3  }
0x22: {  	v4 =	vmul.u32 $0x30, v4  }
0x23: {  	v3 =	vand.u32 $0x7, v3  }
0x24: {  	v3 =	vor.u32 v3, v4  }
0x25: {  	v4 =	vperm.xlane v3, v0;
	_ =	sdelay $0x1  }
0x26: {  	v4 =	vadd.s32 v1, v4;
	_ =	sdelay $0x3  }
0x27: {  	v3 =	vperm.xlane v3, v2  }
0x28: {  	[hbm4b:s3+s2] =	stream.indirect_vreg.scatter [tilespmem:s0], [sflag:$0x1], $0x80, v4, vm0, $0xb8;
	[tilespmem:$0xC100] =	vst v63  }
0x29: {  	s10 =	simm.s32 $0x900;
	v3 =	vadd.s32 v1, v3  }
0x2a: {  	[hbm4b:s4+s2] =	stream.indirect_vreg.scatter [tilespmem:s10], [sflag:$0x1], $0x80, v4, vm0, $0xb8;
	[tilespmem:$0xC100] =	vst v63  }
0x2b: {  	s11 =	simm.s32 $0x1100  }
0x2c: {  	[hbm4b:s5+s2] =	stream.indirect_vreg.scatter [tilespmem:s11], [sflag:$0x1], $0x80, v4, vm0, $0xb8;
	[tilespmem:$0xC100] =	vst v63  }
0x2d: {  	_ = 	snop  }
0x2e: {  	[hbm4b:s3+s2] =	stream.indirect_vreg.scatter [tilespmem:s12], [sflag:$0x1], $0x80, v3, vm0, $0xb8;
	[tilespmem:$0xC100] =	vst v63  }
0x2f: {  	_ = 	snop  }
0x30: {  	[hbm4b:s4+s2] =	stream.indirect_vreg.scatter [tilespmem:s13], [sflag:$0x1], $0x80, v3, vm0, $0xb8;
	[tilespmem:$0xC100] =	vst v63  }
0x31: {  	_ = 	snop  }
0x32: {  	[hbm4b:s5+s2] =	stream.indirect_vreg.scatter [tilespmem:s14], [sflag:$0x1], $0x80, v3, vm0, $0xb8;
	[tilespmem:$0xC100] =	vst v63  }
0x33: {  	v3 =	vld [tilespmem:$0x10];
	_ =	sdelay $0x4  }
0x34: {  	v57 =	vshrl.u32 v3, $0x3  }
0x35: {  	v4 =	vmul.u32 $0x30, v57  }
0x36: {  	v3 =	vand.u32 $0x7, v3  }
0x37: {  	v3 =	vor.u32 v3, v4  }
0x38: {  	v4 =	vperm.xlane v3, v0;
	_ =	sdelay $0x1  }
0x39: {  	v4 =	vadd.s32 v1, v4;
	_ =	sdelay $0x3  }
0x3a: {  	v3 =	vperm.xlane v3, v2  }
0x3b: {  	[hbm4b:s3+s2] =	stream.indirect_vreg.scatter [tilespmem:s15], [sflag:$0x1], $0x80, v4, vm0, $0xb8;
	[tilespmem:$0xC100] =	vst v63  }
0x3c: {  	v3 =	vadd.s32 v1, v3  }
0x3d: {  	[hbm4b:s4+s2] =	stream.indirect_vreg.scatter [tilespmem:s16], [sflag:$0x1], $0x80, v4, vm0, $0xb8;
	[tilespmem:$0xC100] =	vst v63  }
0x3e: {  	_ = 	snop  }
0x3f: {  	[hbm4b:s5+s2] =	stream.indirect_vreg.scatter [tilespmem:s17], [sflag:$0x1], $0x80, v4, vm0, $0xb8;
	[tilespmem:$0xC100] =	vst v63  }
0x40: {  	_ = 	snop  }
0x41: {  	[hbm4b:s3+s2] =	stream.indirect_vreg.scatter [tilespmem:s18], [sflag:$0x1], $0x80, v3, vm0, $0xb8;
	[tilespmem:$0xC100] =	vst v63  }
0x42: {  	_ = 	snop  }
0x43: {  	[hbm4b:s4+s2] =	stream.indirect_vreg.scatter [tilespmem:s19], [sflag:$0x1], $0x80, v3, vm0, $0xb8;
	[tilespmem:$0xC100] =	vst v63  }
0x44: {  	_ = 	snop  }
0x45: {  	[hbm4b:s5+s2] =	stream.indirect_vreg.scatter [tilespmem:s20], [sflag:$0x1], $0x80, v3, vm0, $0xb8;
	[tilespmem:$0xC100] =	vst v63  }
0x46: {  	v3 =	vld [tilespmem:$0x20];
	_ =	sdelay $0x4  }
0x47: {  	v58 =	vshrl.u32 v3, $0x3  }
0x48: {  	v4 =	vmul.u32 $0x30, v58  }
0x49: {  	v3 =	vand.u32 $0x7, v3  }
0x4a: {  	v3 =	vor.u32 v3, v4  }
0x4b: {  	v4 =	vperm.xlane v3, v0;
	_ =	sdelay $0x1  }
0x4c: {  	v4 =	vadd.s32 v1, v4;
	_ =	sdelay $0x3  }
0x4d: {  	v3 =	vperm.xlane v3, v2  }
0x4e: {  	[hbm4b:s3+s2] =	stream.indirect_vreg.scatter [tilespmem:s21], [sflag:$0x1], $0x80, v4, vm0, $0xb8;
	[tilespmem:$0xC100] =	vst v63  }
0x4f: {  	v3 =	vadd.s32 v1, v3  }
0x50: {  	[hbm4b:s4+s2] =	stream.indirect_vreg.scatter [tilespmem:s22], [sflag:$0x1], $0x80, v4, vm0, $0xb8;
	[tilespmem:$0xC100] =	vst v63  }
0x51: {  	_ = 	snop  }
0x52: {  	[hbm4b:s5+s2] =	stream.indirect_vreg.scatter [tilespmem:s23], [sflag:$0x1], $0x80, v4, vm0, $0xb8;
	[tilespmem:$0xC100] =	vst v63  }
0x53: {  	_ = 	snop  }
0x54: {  	[hbm4b:s3+s2] =	stream.indirect_vreg.scatter [tilespmem:s24], [sflag:$0x1], $0x80, v3, vm0, $0xb8;
	[tilespmem:$0xC100] =	vst v63  }
0x55: {  	_ = 	snop  }
0x56: {  	[hbm4b:s4+s2] =	stream.indirect_vreg.scatter [tilespmem:s25], [sflag:$0x1], $0x80, v3, vm0, $0xb8;
	[tilespmem:$0xC100] =	vst v63  }
0x57: {  	_ = 	snop  }
0x58: {  	[hbm4b:s5+s2] =	stream.indirect_vreg.scatter [tilespmem:s26], [sflag:$0x1], $0x80, v3, vm0, $0xb8;
	[tilespmem:$0xC100] =	vst v63  }
0x59: {  	v3 =	vld [tilespmem:$0x30];
	_ =	sdelay $0x4  }
0x5a: {  	v59 =	vshrl.u32 v3, $0x3  }
0x5b: {  	v4 =	vmul.u32 $0x30, v59  }
0x5c: {  	v3 =	vand.u32 $0x7, v3  }
0x5d: {  	v3 =	vor.u32 v3, v4  }
0x5e: {  	v4 =	vperm.xlane v3, v0;
	_ =	sdelay $0x1  }
0x5f: {  	v4 =	vadd.s32 v1, v4;
	_ =	sdelay $0x3  }
0x60: {  	v3 =	vperm.xlane v3, v2  }
0x61: {  	[hbm4b:s3+s2] =	stream.indirect_vreg.scatter [tilespmem:s28], [sflag:$0x1], $0x80, v4, vm0, $0xb8;
	[tilespmem:$0xC100] =	vst v63  }
0x62: {  	v3 =	vadd.s32 v1, v3  }
0x63: {  	[hbm4b:s4+s2] =	stream.indirect_vreg.scatter [tilespmem:s29], [sflag:$0x1], $0x80, v4, vm0, $0xb8;
	[tilespmem:$0xC100] =	vst v63  }
0x64: {  	_ = 	snop  }
0x65: {  	[hbm4b:s5+s2] =	stream.indirect_vreg.scatter [tilespmem:s30], [sflag:$0x1], $0x80, v4, vm0, $0xb8;
	[tilespmem:$0xC100] =	vst v63  }
0x66: {  	_ = 	snop  }
0x67: {  	[hbm4b:s3+s2] =	stream.indirect_vreg.scatter [tilespmem:s31], [sflag:$0x1], $0x80, v3, vm0, $0xb8;
	[tilespmem:$0xC100] =	vst v63  }
0x68: {  	_ = 	snop  }
0x69: {  	[hbm4b:s4+s2] =	stream.indirect_vreg.scatter [tilespmem:s1], [sflag:$0x1], $0x80, v3, vm0, $0xb8;
	[tilespmem:$0xC100] =	vst v63  }
0x6a: {  	_ = 	snop  }
0x6b: {  	[hbm4b:s5+s2] =	stream.indirect_vreg.scatter [tilespmem:s7], [sflag:$0x1], $0x80, v3, vm0, $0xb8;
	[tilespmem:$0xC100] =	vst v63  }
0x6c: {  	v3 =	vld [tilespmem:$0x80];
	_ =	sdelay $0x4  }
0x6d: {  	v60 =	vshrl.u32 v3, $0x3  }
0x6e: {  	v4 =	vmul.u32 $0x30, v60  }
0x6f: {  	v3 =	vand.u32 $0x7, v3  }
0x70: {  	v3 =	vor.u32 v3, v4  }
0x71: {  	v4 =	vperm.xlane v3, v0;
	_ =	sdelay $0x1  }
0x72: {  	v4 =	vadd.s32 v1, v4;
	_ =	sdelay $0x3  }
0x73: {  	v3 =	vperm.xlane v3, v2  }
0x74: {  	[hbm4b:s3+s2] =	stream.indirect_vreg.scatter [tilespmem:s0], [sflag:$0x2], $0x80, v4, vm0, $0xb8;
	[tilespmem:$0xC100] =	vst v63  }
0x75: {  	v3 =	vadd.s32 v1, v3  }
0x76: {  	[hbm4b:s4+s2] =	stream.indirect_vreg.scatter [tilespmem:s10], [sflag:$0x2], $0x80, v4, vm0, $0xb8;
	[tilespmem:$0xC100] =	vst v63  }
0x77: {  	_ = 	snop  }
0x78: {  	[hbm4b:s5+s2] =	stream.indirect_vreg.scatter [tilespmem:s11], [sflag:$0x2], $0x80, v4, vm0, $0xb8;
	[tilespmem:$0xC100] =	vst v63  }
0x79: {  	_ = 	snop  }
0x7a: {  	[hbm4b:s3+s2] =	stream.indirect_vreg.scatter [tilespmem:s12], [sflag:$0x2], $0x80, v3, vm0, $0xb8;
	[tilespmem:$0xC100] =	vst v63  }
0x7b: {  	_ = 	snop  }
0x7c: {  	[hbm4b:s4+s2] =	stream.indirect_vreg.scatter [tilespmem:s13], [sflag:$0x2], $0x80, v3, vm0, $0xb8;
	[tilespmem:$0xC100] =	vst v63  }
0x7d: {  	_ = 	snop  }
0x7e: {  	[hbm4b:s5+s2] =	stream.indirect_vreg.scatter [tilespmem:s14], [sflag:$0x2], $0x80, v3, vm0, $0xb8;
	[tilespmem:$0xC100] =	vst v63  }
0x7f: {  	v3 =	vld [tilespmem:$0x90];
	_ =	sdelay $0x4  }
0x80: {  	v61 =	vshrl.u32 v3, $0x3  }
0x81: {  	v4 =	vmul.u32 $0x30, v61  }
0x82: {  	v3 =	vand.u32 $0x7, v3  }
0x83: {  	v3 =	vor.u32 v3, v4  }
0x84: {  	v4 =	vperm.xlane v3, v0;
	_ =	sdelay $0x1  }
0x85: {  	v4 =	vadd.s32 v1, v4;
	_ =	sdelay $0x3  }
0x86: {  	v3 =	vperm.xlane v3, v2  }
0x87: {  	[hbm4b:s3+s2] =	stream.indirect_vreg.scatter [tilespmem:s15], [sflag:$0x2], $0x80, v4, vm0, $0xb8;
	[tilespmem:$0xC100] =	vst v63  }
0x88: {  	v3 =	vadd.s32 v1, v3  }
0x89: {  	[hbm4b:s4+s2] =	stream.indirect_vreg.scatter [tilespmem:s16], [sflag:$0x2], $0x80, v4, vm0, $0xb8;
	[tilespmem:$0xC100] =	vst v63  }
0x8a: {  	_ = 	snop  }
0x8b: {  	[hbm4b:s5+s2] =	stream.indirect_vreg.scatter [tilespmem:s17], [sflag:$0x2], $0x80, v4, vm0, $0xb8;
	[tilespmem:$0xC100] =	vst v63  }
0x8c: {  	_ = 	snop  }
0x8d: {  	[hbm4b:s3+s2] =	stream.indirect_vreg.scatter [tilespmem:s18], [sflag:$0x2], $0x80, v3, vm0, $0xb8;
	[tilespmem:$0xC100] =	vst v63  }
0x8e: {  	_ = 	snop  }
0x8f: {  	[hbm4b:s4+s2] =	stream.indirect_vreg.scatter [tilespmem:s19], [sflag:$0x2], $0x80, v3, vm0, $0xb8;
	[tilespmem:$0xC100] =	vst v63  }
0x90: {  	_ = 	snop  }
0x91: {  	[hbm4b:s5+s2] =	stream.indirect_vreg.scatter [tilespmem:s20], [sflag:$0x2], $0x80, v3, vm0, $0xb8;
	[tilespmem:$0xC100] =	vst v63  }
0x92: {  	v3 =	vld [tilespmem:$0xA0];
	_ =	sdelay $0x4  }
0x93: {  	v62 =	vshrl.u32 v3, $0x3  }
0x94: {  	v4 =	vmul.u32 $0x30, v62  }
0x95: {  	v3 =	vand.u32 $0x7, v3  }
0x96: {  	v3 =	vor.u32 v3, v4  }
0x97: {  	v4 =	vperm.xlane v3, v0;
	_ =	sdelay $0x1  }
0x98: {  	v4 =	vadd.s32 v1, v4;
	_ =	sdelay $0x3  }
0x99: {  	v3 =	vperm.xlane v3, v2  }
0x9a: {  	[hbm4b:s3+s2] =	stream.indirect_vreg.scatter [tilespmem:s21], [sflag:$0x2], $0x80, v4, vm0, $0xb8;
	[tilespmem:$0xC100] =	vst v63  }
0x9b: {  	v3 =	vadd.s32 v1, v3  }
0x9c: {  	[hbm4b:s4+s2] =	stream.indirect_vreg.scatter [tilespmem:s22], [sflag:$0x2], $0x80, v4, vm0, $0xb8;
	[tilespmem:$0xC100] =	vst v63  }
0x9d: {  	_ = 	snop  }
0x9e: {  	[hbm4b:s5+s2] =	stream.indirect_vreg.scatter [tilespmem:s23], [sflag:$0x2], $0x80, v4, vm0, $0xb8;
	[tilespmem:$0xC100] =	vst v63  }
0x9f: {  	_ = 	snop  }
0xa0: {  	[hbm4b:s3+s2] =	stream.indirect_vreg.scatter [tilespmem:s24], [sflag:$0x2], $0x80, v3, vm0, $0xb8;
	[tilespmem:$0xC100] =	vst v63  }
0xa1: {  	_ = 	snop  }
0xa2: {  	[hbm4b:s4+s2] =	stream.indirect_vreg.scatter [tilespmem:s25], [sflag:$0x2], $0x80, v3, vm0, $0xb8;
	[tilespmem:$0xC100] =	vst v63  }
0xa3: {  	_ = 	snop  }
0xa4: {  	[hbm4b:s5+s2] =	stream.indirect_vreg.scatter [tilespmem:s26], [sflag:$0x2], $0x80, v3, vm0, $0xb8;
	[tilespmem:$0xC100] =	vst v63  }
0xa5: {  	v3 =	vld [tilespmem:$0xB0];
	_ =	sdelay $0x4  }
0xa6: {  	v63 =	vshrl.u32 v3, $0x3  }
0xa7: {  	v4 =	vmul.u32 $0x30, v63  }
0xa8: {  	v3 =	vand.u32 $0x7, v3  }
0xa9: {  	v3 =	vor.u32 v3, v4  }
0xaa: {  	v4 =	vperm.xlane v3, v0;
	_ =	sdelay $0x1  }
0xab: {  	v4 =	vadd.s32 v1, v4;
	_ =	sdelay $0x3  }
0xac: {  	v3 =	vperm.xlane v3, v2  }
0xad: {  	[hbm4b:s3+s2] =	stream.indirect_vreg.scatter [tilespmem:s28], [sflag:$0x2], $0x80, v4, vm0, $0xb8;
	[tilespmem:$0xC100] =	vst v63  }
0xae: {  	v3 =	vadd.s32 v1, v3  }
0xaf: {  	[hbm4b:s4+s2] =	stream.indirect_vreg.scatter [tilespmem:s29], [sflag:$0x2], $0x80, v4, vm0, $0xb8;
	[tilespmem:$0xC100] =	vst v63  }
0xb0: {  	_ = 	snop  }
0xb1: {  	[hbm4b:s5+s2] =	stream.indirect_vreg.scatter [tilespmem:s30], [sflag:$0x2], $0x80, v4, vm0, $0xb8;
	[tilespmem:$0xC100] =	vst v63  }
0xb2: {  	_ = 	snop  }
0xb3: {  	[hbm4b:s3+s2] =	stream.indirect_vreg.scatter [tilespmem:s31], [sflag:$0x2], $0x80, v3, vm0, $0xb8;
	[tilespmem:$0xC100] =	vst v63  }
0xb4: {  	_ = 	snop  }
0xb5: {  	[hbm4b:s4+s2] =	stream.indirect_vreg.scatter [tilespmem:s1], [sflag:$0x2], $0x80, v3, vm0, $0xb8;
	[tilespmem:$0xC100] =	vst v63  }
0xb6: {  	s11 =	simm.s32 $0x1  }
0xb7: {  	[hbm4b:s5+s2] =	stream.indirect_vreg.scatter [tilespmem:s7], [sflag:$0x2], $0x80, v3, vm0, $0xb8;
	[tilespmem:$0xC100] =	vst v63  }
0xb8: {  	p0 =	sne.s32 s6, $0x1;
	_ =	swait.ge [sflag:s11], $0xC000  }
.Ltmp0:
0xb9: {  	[sflag:s11] =	ssyncset.done $0x0;
	(pc) =	sbr.rel @p0 .LBB2_1-.Ltmp0, $4  }
0xba: {  	[sflag:s11] =	ssyncadd.s32 $0xFFFF4000  }
0xbb: {  	_ =	swait.ge [sflag:s9], $0xC000  }
0xbc: {  	[sflag:s9] =	ssyncset.done $0x0  }
0xbd: {  	s6 =	sadd.s32 $0xFFFFFFFF, s6;
	[sflag:s9] =	ssyncadd.s32 $0xFFFF4000  }
0xbe: {  	_ =	sfence.sel $0x180000  }
0xbf: {  	[bflag:$0x0] =	sbarrier.arrive $0xFFFF  }
0xc0: {  	_ =	strace $0x90000047  }
0xc1: {  	s0 =	stileid.u32;
	[bflag:$0x2] =	sbarrier.arrive $0xFFFF  }
0xc2: {  	p0 =	sne.s32 s0, $0x0;
	s0 =	rddreg [dreg:$0x2]  }
0xc3: {  	s0 =	sadd.s32 @!p0 $0x100000, s0  }
0xc4: {  	[sflag:s0] =	ssyncadd.tile.s32 @!p0 $0x1;
	_ =	shalt  }
.Lfunc_end2:
_tile_overlayer_lowered:
.L_overlay_start_2:
0xc5: {  	(tag) =	ssettag $0x2  }
0xc6: {  	s0 =	rddreg [dreg:$0x0];
	s2 =	stileid.u32  }
0xc7: {  	s1 =	rddreg [dreg:$0x1];
	p0 =	sne.s32 s2, $0x0  }
0xc8: {  	s3 =	rddreg [dreg:$0x2];
	[bflag:$0x3] =	sbarrier.arrive $0xFFFF;
	s2 =	simm.s32 @!p0 $0x1C03  }
0xc9: {  	[timem:s3], [sflag:s2] =	dma.local @!p0 [hbm:s0], s1  }
0xca: {  	s0 =	simm.s32 @!p0 $0x3  }
0xcb: {  	_ =	swait.ge @!p0 [sflag:s0], s1  }
0xcc: {  	s1 =	ssub.s32 @!p0 $0x0, s1;
	[sflag:s0] =	ssyncset.done @!p0 $0x0  }
0xcd: {  	[sflag:s0] =	ssyncadd.s32 @!p0 s1  }
0xce: {  	[bflag:$0x3] =	sbarrier.arrive $0xFFFF  }
0xcf: {  	_ =	shalt  }

// kernel: kernel.9.cloned.1.call-start
scs
__scs_entry_jumppad:
0x0: {  	(pc) =	sbr.rel $0x88, $3  }
0x1: {  	(tag) =	ssettag $0x0;
	lr =	simm.s32 $0x1  }
0x2: {  	[smem:$0x3F96] =	sst lr;
	_ =	strace $0xD0000000  }
0x3: {  	_ = 	snop  }
0x4: {  	_ = 	snop  }
0x5: {  	_ = 	snop  }
0x6: {  	_ = 	snop  }
0x7: {  	_ = 	snop  }
__scs_overlays_trampoline_lowered:
0x8: {  	[smem:$0x3FA5] =	sst s0  }
0x9: {  	[smem:$0x3FA6] =	sst s1  }
0xa: {  	[smem:$0x3FA7] =	sst s2  }
0xb: {  	[smem:$0x3FA8] =	sst s3  }
0xc: {  	[smem:$0x3FA9] =	sst s4  }
0xd: {  	[smem:$0x3FAA] =	sst s5  }
0xe: {  	[smem:$0x3FAB] =	sst s6  }
0xf: {  	[smem:$0x3FAC] =	sst s7  }
0x10: {  	[smem:$0x3FAD] =	sst s8  }
0x11: {  	[smem:$0x3FAE] =	sst s9;
	s0 =	simm.s32 @!p0 $0x0  }
0x12: {  	s1 =	sld [smem:$0x3F94];
	s0 =	simm.s32 @p0 $0x1  }
0x13: {  	[smem:$0x3FAF] =	sst s0;
	s0 =	simm.s32 @!p1 $0x0  }
0x14: {  	s2 =	sld [smem:$0x3F93];
	s0 =	simm.s32 @p1 $0x1  }
0x15: {  	[smem:$0x3FB0] =	sst s0;
	s0 =	simm.s32 @!p2 $0x0  }
0x16: {  	s3 =	sld [smem:$0x3FDB];
	s0 =	simm.s32 @p2 $0x1  }
0x17: {  	s4 =	simm.s32 $0x1BF5;
	[smem:$0x3FB2] =	sst s0  }
0x18: {  	s0 =	sld [smem:$0x3F95];
	_ =	swait.ge [sflag:s4], $0x0  }
0x19: {  	s7 =	sld [smem:$0x3F96]  }
0x1a: {  	s8 =	sadd.s32 $0xFFFFE003, lr  }
0x1b: {  	s9 =	sadd.s32 $0xFFFFFEF7, lr;
	s5 =	simm.s32 $0xFFFFFFFF;
	p2 =	slt.u32 s8, $0xFFFFF086  }
0x1c: {  	p1 =	slt.u32 s9, $0xF7A;
	s5 =	simm.s32 @!p2 $0x0  }
0x1d: {  	s5 =	simm.s32 @p1 $0x1;
	p0 =	seq.s32 s7, s2  }
0x1e: {  	s7 =	smul.u32 @!p0 $0xF7A, s2;
	p2 =	seq.s32 @!p0 s5, $0x0  }
0x1f: {  	s9 =	smul.u32 $0xF7A, s1;
	s8 =	simm.s32 @!p0 $0x1BF5;
	p2 =	por !p2, p0  }
0x20: {  	[sflag:s8] =	ssyncset.s32 @!p0 $0xFFFFF086;
	s6 =	sadd.s32 @!p0 s3, s7;
	s7 =	simm.s32 @!p0 $0x108  }
0x21: {  	s3 =	sadd.s32 s3, s9;
	s6 =	sadd.s32 @!p0 $0x88, s6;
	s7 =	simm.s32 @p2 $0x1082  }
0x22: {  	[simem:s7], [sflag:s8] =	dma.local @!p0 [hbm:s6], $0xF7A  }
0x23: {  	s9 =	sor.u32 $0xD0000000, s2;
	s6 =	simm.s32 $0x108;
	_ =	swait.ge @!p0 [sflag:s8], $0x0  }
0x24: {  	s3 =	sadd.s32 $0x88, s3;
	s6 =	simm.s32 @!p1 $0x1082;
	[sflag:s4] =	ssyncset.s32 $0xFFFFF086  }
0x25: {  	[simem:s6], [sflag:s4] =	dma.local [hbm:s3], $0xF7A  }
0x26: {  	[smem:$0x3F96] =	sst s1;
	(tag) =	ssettag s2;
	_ =	strace s9  }
0x27: {  	s1 =	sld [smem:$0x3FA6]  }
0x28: {  	s2 =	sld [smem:$0x3FA7]  }
0x29: {  	s4 =	sld [smem:$0x3FA9]  }
0x2a: {  	p0 =	seq.s32 s5, $0x0;
	s5 =	sld [smem:$0x3FAA]  }
0x2b: {  	s6 =	sld [smem:$0x3FAB]  }
0x2c: {  	s7 =	sld [smem:$0x3FAC]  }
0x2d: {  	s3 =	simm.s32 $0x108;
	s8 =	sld [smem:$0x3FAD]  }
0x2e: {  	s3 =	simm.s32 @!p0 $0x1082;
	s9 =	sld [smem:$0x3FAE]  }
0x2f: {  	lr =	sadd.s32 s0, s3;
	s0 =	sld [smem:$0x3FA5]  }
0x30: {  	s3 =	sld [smem:$0x3FA8]  }
0x31: {  	[smem:$0x3FB1] =	sst s10  }
0x32: {  	s10 =	sld [smem:$0x3FAF];
	_ =	sdelay $0x3  }
0x33: {  	p0 =	seq.s32 s10, $0x1;
	s10 =	sld [smem:$0x3FB1];
	_ =	sdelay $0x3  }
0x34: {  	[smem:$0x3FB1] =	sst s10  }
0x35: {  	s10 =	sld [smem:$0x3FB0];
	_ =	sdelay $0x3  }
0x36: {  	p1 =	seq.s32 s10, $0x1;
	s10 =	sld [smem:$0x3FB1];
	_ =	sdelay $0x3  }
0x37: {  	[smem:$0x3FB1] =	sst s10  }
0x38: {  	s10 =	sld [smem:$0x3FB2]  }
0x39: {  	_ = 	snop;
	(pc) =	sbr.ind lr, $3  }
0x3a: {  	_ = 	snop  }
0x3b: {  	_ = 	snop  }
0x3c: {  	p2 =	seq.s32 s10, $0x1;
	s10 =	sld [smem:$0x3FB1]  }
0x3d: {  	_ =	shalt  }
0x3e: {  	_ =	shalt  }
0x3f: {  	_ =	shalt  }
0x40: {  	_ =	shalt  }
0x41: {  	_ =	shalt  }
0x42: {  	_ =	shalt  }
0x43: {  	_ =	shalt  }
0x44: {  	_ =	shalt  }
0x45: {  	_ =	shalt  }
0x46: {  	_ =	shalt  }
0x47: {  	_ =	shalt  }
0x48: {  	_ =	shalt  }
0x49: {  	_ =	shalt  }
0x4a: {  	_ =	shalt  }
0x4b: {  	_ =	shalt  }
0x4c: {  	_ =	shalt  }
0x4d: {  	_ =	shalt  }
0x4e: {  	_ =	shalt  }
0x4f: {  	_ =	shalt  }
0x50: {  	_ =	shalt  }
0x51: {  	_ =	shalt  }
0x52: {  	_ =	shalt  }
0x53: {  	_ =	shalt  }
0x54: {  	_ =	shalt  }
0x55: {  	_ =	shalt  }
0x56: {  	_ =	shalt  }
0x57: {  	_ =	shalt  }
0x58: {  	_ =	shalt  }
0x59: {  	_ =	shalt  }
0x5a: {  	_ =	shalt  }
0x5b: {  	_ =	shalt  }
0x5c: {  	_ =	shalt  }
0x5d: {  	_ =	shalt  }
0x5e: {  	_ =	shalt  }
0x5f: {  	_ =	shalt  }
0x60: {  	_ =	shalt  }
0x61: {  	_ =	shalt  }
0x62: {  	_ =	shalt  }
0x63: {  	_ =	shalt  }
0x64: {  	_ =	shalt  }
0x65: {  	_ =	shalt  }
0x66: {  	_ =	shalt  }
0x67: {  	_ =	shalt  }
0x68: {  	_ =	shalt  }
0x69: {  	_ =	shalt  }
0x6a: {  	_ =	shalt  }
0x6b: {  	_ =	shalt  }
0x6c: {  	_ =	shalt  }
0x6d: {  	_ =	shalt  }
0x6e: {  	_ =	shalt  }
0x6f: {  	_ =	shalt  }
0x70: {  	_ =	shalt  }
0x71: {  	_ =	shalt  }
0x72: {  	_ =	shalt  }
0x73: {  	_ =	shalt  }
0x74: {  	_ =	shalt  }
0x75: {  	_ =	shalt  }
0x76: {  	_ =	shalt  }
0x77: {  	_ =	shalt  }
0x78: {  	_ =	shalt  }
0x79: {  	_ =	shalt  }
0x7a: {  	_ =	shalt  }
0x7b: {  	_ =	shalt  }
0x7c: {  	_ =	shalt  }
0x7d: {  	_ =	shalt  }
0x7e: {  	_ =	shalt  }
0x7f: {  	_ =	shalt  }
0x80: {  	_ =	shalt  }
0x81: {  	_ =	shalt  }
0x82: {  	_ =	shalt  }
0x83: {  	_ =	shalt  }
0x84: {  	_ =	shalt  }
0x85: {  	_ =	shalt  }
0x86: {  	_ =	shalt  }
0x87: {  	_ =	shalt  }
.Lfunc_end0:
.L_simem_size_0:
called_computation.1_lowered:
.L_overlay_start_0:
0x88: {  	s2 =	sld [smem:$0x3FD9]  }
0x89: {  	s3 =	sld [smem:$0x3FFE];
	_ =	sdelay $0x1  }
0x8a: {  	s1 =	srdreg.scid  }
0x8b: {  	s0 =	sand.u32 $0x1, s1  }
0x8c: {  	s14 =	sshll.u32 s0, $0xA;
	s2 =	sadd.s32 s3, s2  }
0x8d: {  	s2 =	sadd.s32 s2, s14  }
0x8e: {  	[smem:$0x3FBD] =	sst s2  }
0x8f: {  	_ = 	snop  }
0x90: {  	s2 =	sld [smem:$0x3FD0];
	_ =	sdelay $0x2  }
0x91: {  	s15 =	simm.s32 $0xA;
	s4 =	simm.s32 $0x10  }
0x92: {  	[smem:s4], [sflag:s15] =	dma.local [hbm:s2], $0x1  }
0x93: {  	_ =	swait.eq [sflag:s15], $0x1  }
0x94: {  	[sflag:s15] =	ssyncset.done $0x0  }
0x95: {  	[sflag:s15] =	ssyncadd.s32 $0xFFFFFFFF  }
0x96: {  	s16 =	sld [smem:$0x10];
	(tm) =	ssettm $0x1  }
0x97: {  	s17 =	sld [smem:$0x3FFB];
	_ =	sdelay $0x3  }
0x98: {  	_ =	strace s17  }
0x99: {  	s3 =	sld [smem:$0x3FFC];
	_ =	sdelay $0x3  }
0x9a: {  	_ =	strace s3  }
0x9b: {  	s3 =	sld [smem:$0x3FFD];
	_ =	sdelay $0x3  }
0x9c: {  	_ =	strace s3  }
0x9d: {  	_ =	strace $0x8FFFFFFF  }
0x9e: {  	s18 =	sld [smem:$0x3FDB];
	_ =	sdelay $0x1  }
0x9f: {  	s19 =	simm.s32 $_scs_section_size  }
0xa0: {  	s5 =	simm.s32 $_size__tile_overlayer_lowered;
	s6 =	simm.s32 $_tile_overlayer_lowered  }
0xa1: {  	s22 =	simm.s32 $0x1BFF;
	s21 =	sshll.u32 s6, $0x1;
	s3 =	sadd.s32 s19, s18  }
0xa2: {  	s7 =	simm.s32 $0x0;
	s20 =	sshll.u32 s5, $0x1;
	s5 =	sadd.s32 s21, s3  }
0xa3: {  	[timem:s7], [sflag:s22] =	dma.local [hbm:s5], s20  }
0xa4: {  	_ =	swait.ge [sflag:s22], s20  }
0xa5: {  	s4 =	ssub.s32 $0x0, s20;
	[sflag:s22] =	ssyncset.done $0x0  }
0xa6: {  	[sflag:s22] =	ssyncadd.s32 s4;
	_ =	sdelay $0x1  }
0xa7: {  	s23 =	simm.s32 $0x1B8B  }
0xa8: {  	_ =	swait.ge [sflag:s23], $0x1  }
0xa9: {  	[sflag:s23] =	ssyncset.done $0x0  }
0xaa: {  	s25 =	simm.s32 $0x1B8E;
	s24 =	sld [smem:$0x3FFE];
	[sflag:s23] =	ssyncadd.s32 $0xFFFFFFFF  }
0xab: {  	s26 =	simm.s32 $execute0_lowered;
	[smem:$0x3FD2] =	sst s25  }
0xac: {  	s5 =	sshll.u32 s26, $0x1;
	_ =	strace $0x80000049;
	[dreg:$0x1] =	wrdreg $0xFFFFFFFF  }
0xad: {  	s28 =	simm.s32 $_size_execute0_lowered;
	s3 =	sadd.s32 s3, s5;
	[dreg:$0x0] =	wrdreg $0x0  }
0xae: {  	s5 =	sshll.u32 s28, $0x1;
	[dreg:$0x2] =	wrdreg s3  }
0xaf: {  	[dreg:$0x3] =	wrdreg s5  }
0xb0: {  	[dreg:$0x4] =	wrdreg $0xC0  }
0xb1: {  	_ =	task [dreg:s7], $0x5FFFF  }
0xb2: {  	[dreg:$0x1] =	wrdreg $0xFFFFFFFF  }
0xb3: {  	[dreg:$0x0] =	wrdreg $0x60  }
0xb4: {  	[dreg:$0x2] =	wrdreg s24  }
0xb5: {  	[dreg:$0x3] =	wrdreg s16  }
0xb6: {  	[dreg:$0x4] =	wrdreg $0x9  }
0xb7: {  	_ =	task.clear_ibuf [dreg:s7], $0x5FFFF;
	_ =	strace $0x90000049  }
0xb8: {  	s29 =	simm.s32 $0x9;
	_ =	strace $0x8000004B  }
0xb9: {  	_ =	swait.ge [sflag:s29], $0x1  }
0xba: {  	[sflag:s29] =	ssyncadd.s32 $0xFFFFFFFF  }
0xbb: {  	_ =	strace $0x9000004B  }
0xbc: {  	_ =	sfence  }
0xbd: {  	s30 =	sld [smem:$0x0];
	_ =	sdelay $0x2  }
0xbe: {  	s31 =	sshll.u32 s1, $0xD;
	s1 =	sshrl.u32 s1, $0x2  }
0xbf: {  	s3 =	sand.u32 $0x4000, s31;
	s1 =	sadd.s32 s1, s30  }
0xc0: {  	s0 =	sor.u32 s3, s0;
	s1 =	sshll.u32 s1, $0x11  }
0xc1: {  	s0 =	sor.u32 s1, s0  }
0xc2: {  	s0 =	sadd.s32 $0x8F2B, s0  }
0xc3: {  	[sflag:s0] =	ssyncadd.remote.s32 $0x1  }
0xc4: {  	_ =	sfence.sel $0xFFFF  }
0xc5: {  	[dreg:$0x0] =	wrdreg $0xFFFFFFFF;
	(pc) =	sbr.abs _section_cstart, $3  }
0xc6: {  	[dreg:$0x1] =	wrdreg $0xFFFFFFFF  }
0xc7: {  	_ =	task.clear_ibuf [dreg:s7], $0x2FFFF;
	_ =	strace $0x9FFFFFFF  }
0xc8: {  	(tm) =	ssettm $0x7FFFFFFF  }
0xc9: {  	_ =	shalt  }
tec
execute0_lowered:
.L_overlay_start_1:
0x0: {  	(tag) =	ssettag $0x1  }
0x1: {  	s0 =	rddreg [dreg:$0x0]  }
0x2: {  	s1 =	rddreg [dreg:$0x1];
	s3 =	srdreg.scid  }
0x3: {  	s2 =	simm.s32 $0x0;
	s5 =	stileid.u32;
	s12 =	simm.s32 $0x3  }
0x4: {  	s14 =	simm.s32 $0x4100;
	s15 =	simm.s32 $0x17900;
	s16 =	simm.s32 $0x18100  }
0x5: {  	s17 =	simm.s32 $0x18900;
	s18 =	simm.s32 $0x19100;
	s19 =	simm.s32 $0x19900  }
0x6: {  	s20 =	simm.s32 $0x1A100;
	s21 =	simm.s32 $0x1A900;
	s22 =	simm.s32 $0x1B100  }
0x7: {  	s23 =	simm.s32 $0x1B900;
	s24 =	simm.s32 $0x1;
	s25 =	simm.s32 $0x2  }
0x8: {  	s26 =	simm.s32 $0x0;
	s4 =	sand.u32 $0x1, s3;
	[smem:$0x7FF] =	sst s2  }
0x9: {  	s5 =	sshll.u32 s5, $0x7;
	s3 =	sadd.s32 $0xA1800, s0;
	s6 =	sshll.u32 s4, $0x6  }
0xa: {  	_ =	strace $0x8000004A;
	s4 =	ssub.s32 $0x2, s4;
	s5 =	sor.u32 s6, s5  }
0xb: {  	s31 =	sshrl.u32 s4, $0x1;
	s6 =	sshrl.u32 s5, $0x3;
	s5 =	sshll.u32 s5, $0x4  }
0xc: {  	s11 =	ssub.s32 s4, s31;
	s7 =	sadd.s32 s6, s0;
	s9 =	sadd.s32 s5, s0  }
0xd: {  	v2 =	vlaneseq.u32;
	s10 =	smul.u32 $0x300, s6;
	s6 =	sadd.s32 $0xA1900, s0;
	s11 =	smax.u32 s11, $0x1  }
0xe: {  	vm0 =	vmmov $0xffff;
	v1 =	vshrl.u32 v2, $0x3;
	s4 =	sadd.s32 $0x11000, s7;
	s5 =	sadd.s32 $0x11200, s7;
	s7 =	sadd.s32 $0xA1A00, s0  }
0xf: {  	v0 =	vand.u32 $0x7, v2;
	v2 =	vor.u32 $0x8, v2;
	v1 =	vmul.u32 $0x8, v1;
	s8 =	sadd.s32 $0x1000, s9;
	s9 =	sadd.s32 $0x9000, s9;
	s10 =	sadd.s32 s1, s10  }
.LBB2_1:
0x10: {  	[tilespmem:s2], [sflag:$0x3] =	stream.linear.gather [hbm4b:s4+s2], $0x40, $0x38;
	[tilespmem:$0x1C100] =	vst v63  }
0x11: {  	_ =	swait.ge [sflag:s12], $0x40  }
0x12: {  	[sflag:s12] =	ssyncset.done $0x0  }
0x13: {  	s0 =	simm.s32 $0x80;
	[sflag:s12] =	ssyncadd.s32 $0xFFFFFFC0  }
0x14: {  	[tilespmem:s0], [sflag:$0x3] =	stream.linear.gather [hbm4b:s5+s2], $0x40, $0x38;
	[tilespmem:$0x1C100] =	vst v63  }
0x15: {  	_ =	swait.ge [sflag:s12], $0x40  }
0x16: {  	[sflag:s12] =	ssyncset.done $0x0  }
0x17: {  	[sflag:s12] =	ssyncadd.s32 $0xFFFFFFC0  }
0x18: {  	v3 =	vld [tilespmem:$0x0];
	_ =	sdelay $0x4  }
0x19: {  	v4 =	vshrl.u32 v3, $0x3  }
0x1a: {  	v4 =	vmul.u32 $0x30, v4  }
0x1b: {  	v3 =	vand.u32 $0x7, v3  }
0x1c: {  	v3 =	vor.u32 v3, v4  }
0x1d: {  	v4 =	vperm.xlane v3, v0;
	_ =	sdelay $0x1  }
0x1e: {  	v4 =	vadd.s32 v1, v4;
	_ =	sdelay $0x3  }
0x1f: {  	v3 =	vperm.xlane v3, v2  }
0x20: {  	[tilespmem:s14], [sflag:$0x1] =	stream.indirect_vreg.gather [hbm4b:s3+s2], $0x80, v4, vm0, $0xb8;
	[tilespmem:$0x1C100] =	vst v63  }
0x21: {  	s13 =	simm.s32 $0x4900;
	v3 =	vadd.s32 v1, v3  }
0x22: {  	[tilespmem:s13], [sflag:$0x1] =	stream.indirect_vreg.gather [hbm4b:s6+s2], $0x80, v4, vm0, $0xb8;
	[tilespmem:$0x1C100] =	vst v63  }
0x23: {  	s1 =	simm.s32 $0x5100  }
0x24: {  	[tilespmem:s1], [sflag:$0x1] =	stream.indirect_vreg.gather [hbm4b:s7+s2], $0x80, v4, vm0, $0xb8;
	[tilespmem:$0x1C100] =	vst v63  }
0x25: {  	s13 =	simm.s32 $0x5900  }
0x26: {  	[tilespmem:s13], [sflag:$0x1] =	stream.indirect_vreg.gather [hbm4b:s3+s2], $0x80, v3, vm0, $0xb8;
	[tilespmem:$0x1C100] =	vst v63  }
0x27: {  	s1 =	simm.s32 $0x6100  }
0x28: {  	[tilespmem:s1], [sflag:$0x1] =	stream.indirect_vreg.gather [hbm4b:s6+s2], $0x80, v3, vm0, $0xb8;
	[tilespmem:$0x1C100] =	vst v63  }
0x29: {  	s13 =	simm.s32 $0x6900  }
0x2a: {  	[tilespmem:s13], [sflag:$0x1] =	stream.indirect_vreg.gather [hbm4b:s7+s2], $0x80, v3, vm0, $0xb8;
	[tilespmem:$0x1C100] =	vst v63  }
0x2b: {  	v3 =	vld [tilespmem:$0x10];
	_ =	sdelay $0x4  }
0x2c: {  	v4 =	vshrl.u32 v3, $0x3  }
0x2d: {  	v4 =	vmul.u32 $0x30, v4  }
0x2e: {  	v3 =	vand.u32 $0x7, v3  }
0x2f: {  	v3 =	vor.u32 v3, v4  }
0x30: {  	v4 =	vperm.xlane v3, v0;
	_ =	sdelay $0x1  }
0x31: {  	v4 =	vadd.s32 v1, v4;
	_ =	sdelay $0x3  }
0x32: {  	s1 =	simm.s32 $0x7100;
	v3 =	vperm.xlane v3, v2  }
0x33: {  	[tilespmem:s1], [sflag:$0x1] =	stream.indirect_vreg.gather [hbm4b:s3+s2], $0x80, v4, vm0, $0xb8;
	[tilespmem:$0x1C100] =	vst v63  }
0x34: {  	s13 =	simm.s32 $0x7900;
	v3 =	vadd.s32 v1, v3  }
0x35: {  	[tilespmem:s13], [sflag:$0x1] =	stream.indirect_vreg.gather [hbm4b:s6+s2], $0x80, v4, vm0, $0xb8;
	[tilespmem:$0x1C100] =	vst v63  }
0x36: {  	s1 =	simm.s32 $0x8100  }
0x37: {  	[tilespmem:s1], [sflag:$0x1] =	stream.indirect_vreg.gather [hbm4b:s7+s2], $0x80, v4, vm0, $0xb8;
	[tilespmem:$0x1C100] =	vst v63  }
0x38: {  	s13 =	simm.s32 $0x8900  }
0x39: {  	[tilespmem:s13], [sflag:$0x1] =	stream.indirect_vreg.gather [hbm4b:s3+s2], $0x80, v3, vm0, $0xb8;
	[tilespmem:$0x1C100] =	vst v63  }
0x3a: {  	s1 =	simm.s32 $0x9100  }
0x3b: {  	[tilespmem:s1], [sflag:$0x1] =	stream.indirect_vreg.gather [hbm4b:s6+s2], $0x80, v3, vm0, $0xb8;
	[tilespmem:$0x1C100] =	vst v63  }
0x3c: {  	s13 =	simm.s32 $0x9900  }
0x3d: {  	[tilespmem:s13], [sflag:$0x1] =	stream.indirect_vreg.gather [hbm4b:s7+s2], $0x80, v3, vm0, $0xb8;
	[tilespmem:$0x1C100] =	vst v63  }
0x3e: {  	v3 =	vld [tilespmem:$0x20];
	_ =	sdelay $0x4  }
0x3f: {  	v4 =	vshrl.u32 v3, $0x3  }
0x40: {  	v4 =	vmul.u32 $0x30, v4  }
0x41: {  	v3 =	vand.u32 $0x7, v3  }
0x42: {  	v3 =	vor.u32 v3, v4  }
0x43: {  	v4 =	vperm.xlane v3, v0;
	_ =	sdelay $0x1  }
0x44: {  	v4 =	vadd.s32 v1, v4;
	_ =	sdelay $0x3  }
0x45: {  	s1 =	simm.s32 $0xA100;
	v3 =	vperm.xlane v3, v2  }
0x46: {  	[tilespmem:s1], [sflag:$0x1] =	stream.indirect_vreg.gather [hbm4b:s3+s2], $0x80, v4, vm0, $0xb8;
	[tilespmem:$0x1C100] =	vst v63  }
0x47: {  	s13 =	simm.s32 $0xA900;
	v3 =	vadd.s32 v1, v3  }
0x48: {  	[tilespmem:s13], [sflag:$0x1] =	stream.indirect_vreg.gather [hbm4b:s6+s2], $0x80, v4, vm0, $0xb8;
	[tilespmem:$0x1C100] =	vst v63  }
0x49: {  	s1 =	simm.s32 $0xB100  }
0x4a: {  	[tilespmem:s1], [sflag:$0x1] =	stream.indirect_vreg.gather [hbm4b:s7+s2], $0x80, v4, vm0, $0xb8;
	[tilespmem:$0x1C100] =	vst v63  }
0x4b: {  	s13 =	simm.s32 $0xB900  }
0x4c: {  	[tilespmem:s13], [sflag:$0x1] =	stream.indirect_vreg.gather [hbm4b:s3+s2], $0x80, v3, vm0, $0xb8;
	[tilespmem:$0x1C100] =	vst v63  }
0x4d: {  	s1 =	simm.s32 $0xC100  }
0x4e: {  	[tilespmem:s1], [sflag:$0x1] =	stream.indirect_vreg.gather [hbm4b:s6+s2], $0x80, v3, vm0, $0xb8;
	[tilespmem:$0x1C100] =	vst v63  }
0x4f: {  	s13 =	simm.s32 $0xC900  }
0x50: {  	[tilespmem:s13], [sflag:$0x1] =	stream.indirect_vreg.gather [hbm4b:s7+s2], $0x80, v3, vm0, $0xb8;
	[tilespmem:$0x1C100] =	vst v63  }
0x51: {  	v3 =	vld [tilespmem:$0x30];
	_ =	sdelay $0x4  }
0x52: {  	v4 =	vshrl.u32 v3, $0x3  }
0x53: {  	v4 =	vmul.u32 $0x30, v4  }
0x54: {  	v3 =	vand.u32 $0x7, v3  }
0x55: {  	v3 =	vor.u32 v3, v4  }
0x56: {  	v4 =	vperm.xlane v3, v0;
	_ =	sdelay $0x1  }
0x57: {  	v4 =	vadd.s32 v1, v4;
	_ =	sdelay $0x3  }
0x58: {  	s1 =	simm.s32 $0xD100;
	v3 =	vperm.xlane v3, v2  }
0x59: {  	[tilespmem:s1], [sflag:$0x1] =	stream.indirect_vreg.gather [hbm4b:s3+s2], $0x80, v4, vm0, $0xb8;
	[tilespmem:$0x1C100] =	vst v63  }
0x5a: {  	s13 =	simm.s32 $0xD900;
	v3 =	vadd.s32 v1, v3  }
0x5b: {  	[tilespmem:s13], [sflag:$0x1] =	stream.indirect_vreg.gather [hbm4b:s6+s2], $0x80, v4, vm0, $0xb8;
	[tilespmem:$0x1C100] =	vst v63  }
0x5c: {  	s1 =	simm.s32 $0xE100  }
0x5d: {  	[tilespmem:s1], [sflag:$0x1] =	stream.indirect_vreg.gather [hbm4b:s7+s2], $0x80, v4, vm0, $0xb8;
	[tilespmem:$0x1C100] =	vst v63  }
0x5e: {  	s13 =	simm.s32 $0xE900  }
0x5f: {  	[tilespmem:s13], [sflag:$0x1] =	stream.indirect_vreg.gather [hbm4b:s3+s2], $0x80, v3, vm0, $0xb8;
	[tilespmem:$0x1C100] =	vst v63  }
0x60: {  	s1 =	simm.s32 $0xF100  }
0x61: {  	[tilespmem:s1], [sflag:$0x1] =	stream.indirect_vreg.gather [hbm4b:s6+s2], $0x80, v3, vm0, $0xb8;
	[tilespmem:$0x1C100] =	vst v63  }
0x62: {  	s13 =	simm.s32 $0xF900  }
0x63: {  	[tilespmem:s13], [sflag:$0x1] =	stream.indirect_vreg.gather [hbm4b:s7+s2], $0x80, v3, vm0, $0xb8;
	[tilespmem:$0x1C100] =	vst v63  }
0x64: {  	v3 =	vld [tilespmem:$0x80];
	_ =	sdelay $0x4  }
0x65: {  	v4 =	vshrl.u32 v3, $0x3  }
0x66: {  	v4 =	vmul.u32 $0x30, v4  }
0x67: {  	v3 =	vand.u32 $0x7, v3  }
0x68: {  	v3 =	vor.u32 v3, v4  }
0x69: {  	v4 =	vperm.xlane v3, v0;
	_ =	sdelay $0x1  }
0x6a: {  	v4 =	vadd.s32 v1, v4;
	_ =	sdelay $0x3  }
0x6b: {  	s1 =	simm.s32 $0x10100;
	v3 =	vperm.xlane v3, v2  }
0x6c: {  	[tilespmem:s1], [sflag:$0x2] =	stream.indirect_vreg.gather [hbm4b:s3+s2], $0x80, v4, vm0, $0xb8;
	[tilespmem:$0x1C100] =	vst v63  }
0x6d: {  	s13 =	simm.s32 $0x10900;
	v3 =	vadd.s32 v1, v3  }
0x6e: {  	[tilespmem:s13], [sflag:$0x2] =	stream.indirect_vreg.gather [hbm4b:s6+s2], $0x80, v4, vm0, $0xb8;
	[tilespmem:$0x1C100] =	vst v63  }
0x6f: {  	s1 =	simm.s32 $0x11100  }
0x70: {  	[tilespmem:s1], [sflag:$0x2] =	stream.indirect_vreg.gather [hbm4b:s7+s2], $0x80, v4, vm0, $0xb8;
	[tilespmem:$0x1C100] =	vst v63  }
0x71: {  	s13 =	simm.s32 $0x11900  }
0x72: {  	[tilespmem:s13], [sflag:$0x2] =	stream.indirect_vreg.gather [hbm4b:s3+s2], $0x80, v3, vm0, $0xb8;
	[tilespmem:$0x1C100] =	vst v63  }
0x73: {  	s1 =	simm.s32 $0x12100  }
0x74: {  	[tilespmem:s1], [sflag:$0x2] =	stream.indirect_vreg.gather [hbm4b:s6+s2], $0x80, v3, vm0, $0xb8;
	[tilespmem:$0x1C100] =	vst v63  }
0x75: {  	s13 =	simm.s32 $0x12900  }
0x76: {  	[tilespmem:s13], [sflag:$0x2] =	stream.indirect_vreg.gather [hbm4b:s7+s2], $0x80, v3, vm0, $0xb8;
	[tilespmem:$0x1C100] =	vst v63  }
0x77: {  	v3 =	vld [tilespmem:$0x90];
	_ =	sdelay $0x4  }
0x78: {  	v4 =	vshrl.u32 v3, $0x3  }
0x79: {  	v4 =	vmul.u32 $0x30, v4  }
0x7a: {  	v3 =	vand.u32 $0x7, v3  }
0x7b: {  	v3 =	vor.u32 v3, v4  }
0x7c: {  	v4 =	vperm.xlane v3, v0;
	_ =	sdelay $0x1  }
0x7d: {  	v4 =	vadd.s32 v1, v4;
	_ =	sdelay $0x3  }
0x7e: {  	s1 =	simm.s32 $0x13100;
	v3 =	vperm.xlane v3, v2  }
0x7f: {  	[tilespmem:s1], [sflag:$0x2] =	stream.indirect_vreg.gather [hbm4b:s3+s2], $0x80, v4, vm0, $0xb8;
	[tilespmem:$0x1C100] =	vst v63  }
0x80: {  	s13 =	simm.s32 $0x13900;
	v3 =	vadd.s32 v1, v3  }
0x81: {  	[tilespmem:s13], [sflag:$0x2] =	stream.indirect_vreg.gather [hbm4b:s6+s2], $0x80, v4, vm0, $0xb8;
	[tilespmem:$0x1C100] =	vst v63  }
0x82: {  	s1 =	simm.s32 $0x14100  }
0x83: {  	[tilespmem:s1], [sflag:$0x2] =	stream.indirect_vreg.gather [hbm4b:s7+s2], $0x80, v4, vm0, $0xb8;
	[tilespmem:$0x1C100] =	vst v63  }
0x84: {  	s13 =	simm.s32 $0x14900  }
0x85: {  	[tilespmem:s13], [sflag:$0x2] =	stream.indirect_vreg.gather [hbm4b:s3+s2], $0x80, v3, vm0, $0xb8;
	[tilespmem:$0x1C100] =	vst v63  }
0x86: {  	s1 =	simm.s32 $0x15100  }
0x87: {  	[tilespmem:s1], [sflag:$0x2] =	stream.indirect_vreg.gather [hbm4b:s6+s2], $0x80, v3, vm0, $0xb8;
	[tilespmem:$0x1C100] =	vst v63  }
0x88: {  	s13 =	simm.s32 $0x15900  }
0x89: {  	[tilespmem:s13], [sflag:$0x2] =	stream.indirect_vreg.gather [hbm4b:s7+s2], $0x80, v3, vm0, $0xb8;
	[tilespmem:$0x1C100] =	vst v63  }
0x8a: {  	v3 =	vld [tilespmem:$0xA0];
	_ =	sdelay $0x4  }
0x8b: {  	v4 =	vshrl.u32 v3, $0x3  }
0x8c: {  	v4 =	vmul.u32 $0x30, v4  }
0x8d: {  	v3 =	vand.u32 $0x7, v3  }
0x8e: {  	v3 =	vor.u32 v3, v4  }
0x8f: {  	v4 =	vperm.xlane v3, v0;
	_ =	sdelay $0x1  }
0x90: {  	v4 =	vadd.s32 v1, v4;
	_ =	sdelay $0x3  }
0x91: {  	s1 =	simm.s32 $0x16100;
	v3 =	vperm.xlane v3, v2  }
0x92: {  	[tilespmem:s1], [sflag:$0x2] =	stream.indirect_vreg.gather [hbm4b:s3+s2], $0x80, v4, vm0, $0xb8;
	[tilespmem:$0x1C100] =	vst v63  }
0x93: {  	s13 =	simm.s32 $0x16900;
	v3 =	vadd.s32 v1, v3  }
0x94: {  	[tilespmem:s13], [sflag:$0x2] =	stream.indirect_vreg.gather [hbm4b:s6+s2], $0x80, v4, vm0, $0xb8;
	[tilespmem:$0x1C100] =	vst v63  }
0x95: {  	s1 =	simm.s32 $0x17100  }
0x96: {  	[tilespmem:s1], [sflag:$0x2] =	stream.indirect_vreg.gather [hbm4b:s7+s2], $0x80, v4, vm0, $0xb8;
	[tilespmem:$0x1C100] =	vst v63  }
0x97: {  	_ = 	snop  }
0x98: {  	[tilespmem:s15], [sflag:$0x2] =	stream.indirect_vreg.gather [hbm4b:s3+s2], $0x80, v3, vm0, $0xb8;
	[tilespmem:$0x1C100] =	vst v63  }
0x99: {  	_ = 	snop  }
0x9a: {  	[tilespmem:s16], [sflag:$0x2] =	stream.indirect_vreg.gather [hbm4b:s6+s2], $0x80, v3, vm0, $0xb8;
	[tilespmem:$0x1C100] =	vst v63  }
0x9b: {  	_ = 	snop  }
0x9c: {  	[tilespmem:s17], [sflag:$0x2] =	stream.indirect_vreg.gather [hbm4b:s7+s2], $0x80, v3, vm0, $0xb8;
	[tilespmem:$0x1C100] =	vst v63  }
0x9d: {  	v3 =	vld [tilespmem:$0xB0];
	_ =	sdelay $0x4  }
0x9e: {  	v4 =	vshrl.u32 v3, $0x3  }
0x9f: {  	v4 =	vmul.u32 $0x30, v4  }
0xa0: {  	v3 =	vand.u32 $0x7, v3  }
0xa1: {  	v3 =	vor.u32 v3, v4  }
0xa2: {  	v4 =	vperm.xlane v3, v0;
	_ =	sdelay $0x1  }
0xa3: {  	v4 =	vadd.s32 v1, v4;
	_ =	sdelay $0x3  }
0xa4: {  	v3 =	vperm.xlane v3, v2  }
0xa5: {  	[tilespmem:s18], [sflag:$0x2] =	stream.indirect_vreg.gather [hbm4b:s3+s2], $0x80, v4, vm0, $0xb8;
	[tilespmem:$0x1C100] =	vst v63  }
0xa6: {  	v3 =	vadd.s32 v1, v3  }
0xa7: {  	[tilespmem:s19], [sflag:$0x2] =	stream.indirect_vreg.gather [hbm4b:s6+s2], $0x80, v4, vm0, $0xb8;
	[tilespmem:$0x1C100] =	vst v63  }
0xa8: {  	_ = 	snop  }
0xa9: {  	[tilespmem:s20], [sflag:$0x2] =	stream.indirect_vreg.gather [hbm4b:s7+s2], $0x80, v4, vm0, $0xb8;
	[tilespmem:$0x1C100] =	vst v63  }
0xaa: {  	_ = 	snop  }
0xab: {  	[tilespmem:s21], [sflag:$0x2] =	stream.indirect_vreg.gather [hbm4b:s3+s2], $0x80, v3, vm0, $0xb8;
	[tilespmem:$0x1C100] =	vst v63  }
0xac: {  	_ = 	snop  }
0xad: {  	[tilespmem:s22], [sflag:$0x2] =	stream.indirect_vreg.gather [hbm4b:s6+s2], $0x80, v3, vm0, $0xb8;
	[tilespmem:$0x1C100] =	vst v63  }
0xae: {  	_ = 	snop  }
0xaf: {  	[tilespmem:s23], [sflag:$0x2] =	stream.indirect_vreg.gather [hbm4b:s7+s2], $0x80, v3, vm0, $0xb8;
	[tilespmem:$0x1C100] =	vst v63  }
0xb0: {  	s28 =	simm.s32 $0x100  }
0xb1: {  	[tilespmem:s28], [sflag:$0x3] =	stream.linear.gather [hbm4b:s8+s2], $0x2000, $0x38;
	[tilespmem:$0x1C100] =	vst v63  }
0xb2: {  	_ =	swait.ge [sflag:s12], $0x2000  }
0xb3: {  	[sflag:s12] =	ssyncset.done $0x0  }
0xb4: {  	s29 =	simm.s32 $0x2100;
	[sflag:s12] =	ssyncadd.s32 $0xFFFFE000  }
0xb5: {  	[tilespmem:s29], [sflag:$0x3] =	stream.linear.gather [hbm4b:s9+s2], $0x2000, $0x38;
	[tilespmem:$0x1C100] =	vst v63  }
0xb6: {  	_ =	swait.ge [sflag:s12], $0x2000  }
0xb7: {  	[sflag:s12] =	ssyncset.done $0x0  }
0xb8: {  	[sflag:s12] =	ssyncadd.s32 $0xFFFFE000  }
0xb9: {  	_ =	swait.ge [sflag:s24], $0xC000  }
0xba: {  	[sflag:s24] =	ssyncset.done $0x0  }
0xbb: {  	s13 =	simm.s32 $0x0;
	[sflag:s24] =	ssyncadd.s32 $0xFFFF4000  }
0xbc: {  	s0 =	smul.u32 $0x1800, s13;
	_ =	swait.ge [sflag:s25], $0xC000  }
0xbd: {  	s30 =	sand.u32 $0x380, s2;
	[sflag:s25] =	ssyncset.done $0x0  }
0xbe: {  	s0 =	sor.u32 s30, s0;
	[sflag:s25] =	ssyncadd.s32 $0xFFFF4000  }
0xbf: {  	v4 =	vld [tilespmem:s0+$0x4110]  }
0xc0: {  	v3 =	vld [tilespmem:s0+$0x10110]  }
0xc1: {  	v6 =	vld [tilespmem:s0+$0x4120]  }
0xc2: {  	v5 =	vld [tilespmem:s0+$0x10120]  }
0xc3: {  	v10 =	vld [tilespmem:s0+$0x4130]  }
0xc4: {  	v9 =	vld [tilespmem:s0+$0x10130]  }
0xc5: {  	v12 =	vld [tilespmem:s0+$0x4140]  }
0xc6: {  	v11 =	vld [tilespmem:s0+$0x10140]  }
0xc7: {  	v13 =	vld [tilespmem:s0+$0x4160]  }
0xc8: {  	v14 =	vld [tilespmem:s0+$0x4170]  }
0xc9: {  	v15 =	vld [tilespmem:s0+$0x4500]  }
0xca: {  	v16 =	vld [tilespmem:s0+$0x4510]  }
0xcb: {  	v17 =	vld [tilespmem:s0+$0x4520]  }
0xcc: {  	v18 =	vld [tilespmem:s0+$0x4530]  }
0xcd: {  	v19 =	vld [tilespmem:s0+$0x4540]  }
0xce: {  	v20 =	vld [tilespmem:s0+$0x4550]  }
0xcf: {  	v21 =	vld [tilespmem:s0+$0x4560]  }
0xd0: {  	v22 =	vld [tilespmem:s0+$0x4570]  }
0xd1: {  	v23 =	vld [tilespmem:s0+$0x4900]  }
0xd2: {  	v24 =	vld [tilespmem:s0+$0x4910]  }
0xd3: {  	v25 =	vld [tilespmem:s0+$0x4920]  }
0xd4: {  	v26 =	vld [tilespmem:s0+$0x4930]  }
0xd5: {  	v27 =	vld [tilespmem:s0+$0x4940]  }
0xd6: {  	v28 =	vld [tilespmem:s0+$0x4950]  }
0xd7: {  	v29 =	vld [tilespmem:s0+$0x4960]  }
0xd8: {  	v30 =	vld [tilespmem:s0+$0x4970]  }
0xd9: {  	v31 =	vld [tilespmem:s0+$0x4D00]  }
0xda: {  	v32 =	vld [tilespmem:s0+$0x4D10]  }
0xdb: {  	v33 =	vld [tilespmem:s0+$0x4D20]  }
0xdc: {  	v34 =	vld [tilespmem:s0+$0x4D30]  }
0xdd: {  	v35 =	vld [tilespmem:s0+$0x4D40]  }
0xde: {  	v36 =	vld [tilespmem:s0+$0x4D50]  }
0xdf: {  	v37 =	vld [tilespmem:s0+$0x4D60]  }
0xe0: {  	v38 =	vld [tilespmem:s0+$0x4D70]  }
0xe1: {  	v39 =	vld [tilespmem:s0+$0x5100]  }
0xe2: {  	v40 =	vld [tilespmem:s0+$0x5110]  }
0xe3: {  	v41 =	vld [tilespmem:s0+$0x5120]  }
0xe4: {  	v42 =	vld [tilespmem:s0+$0x5130]  }
0xe5: {  	v43 =	vld [tilespmem:s0+$0x5140]  }
0xe6: {  	v44 =	vld [tilespmem:s0+$0x5150]  }
0xe7: {  	v45 =	vld [tilespmem:s0+$0x5160]  }
0xe8: {  	v46 =	vld [tilespmem:s0+$0x5500]  }
0xe9: {  	v47 =	vld [tilespmem:s0+$0x5510]  }
0xea: {  	v48 =	vld [tilespmem:s0+$0x11510]  }
0xeb: {  	v49 =	vld [tilespmem:s0+$0x11530]  }
0xec: {  	v50 =	vld [tilespmem:s0+$0x5530]  }
0xed: {  	v51 =	vld [tilespmem:s0+$0x5520]  }
0xee: {  	v7 =	vld [tilespmem:s28+$0x0]  }
0xef: {  	v8 =	vld [tilespmem:s29+$0x0]  }
0xf0: {  	v52 =	vld [tilespmem:s0+$0x11520]  }
0xf1: {  	v53 =	vld [tilespmem:s0+$0x11500]  }
0xf2: {  	v54 =	vld [tilespmem:s0+$0x5170]  }
0xf3: {  	v55 =	vld [tilespmem:s0+$0x11170];
	v50 =	vmul.f32 v50, v7  }
0xf4: {  	v56 =	vld [tilespmem:s0+$0x11160];
	v49 =	vmul.f32 v49, v8;
	v51 =	vmul.f32 v51, v7  }
0xf5: {  	v57 =	vld [tilespmem:s0+$0x11150];
	v52 =	vmul.f32 v52, v8;
	v47 =	vmul.f32 v47, v7  }
0xf6: {  	v61 =	vld [tilespmem:s0+$0x11100];
	v48 =	vmul.f32 v48, v8;
	v46 =	vmul.f32 v46, v7  }
0xf7: {  	v58 =	vld [tilespmem:s0+$0x11140];
	v62 =	vmul.f32 v53, v8;
	v63 =	vmul.f32 v54, v7;
	v49 =	vadd.f32 v49, v50  }
0xf8: {  	v53 =	vld [tilespmem:s0+$0x11130];
	v59 =	vmul.f32 v55, v8;
	v45 =	vmul.f32 v45, v7;
	v51 =	vadd.f32 v52, v51  }
0xf9: {  	v60 =	vmul.f32 v56, v8;
	v44 =	vmul.f32 v44, v7;
	v56 =	vld [tilespmem:s0+$0x10D60];
	v47 =	vadd.f32 v48, v47;
	[tilespmem:s0+$0x5530] =	vst v49  }
0xfa: {  	v43 =	vmul.f32 v43, v7;
	v39 =	vmul.f32 v39, v7;
	v55 =	vld [tilespmem:s0+$0x10970];
	v46 =	vadd.f32 v62, v46;
	[tilespmem:s0+$0x5520] =	vst v51  }
0xfb: {  	v61 =	vmul.f32 v61, v8;
	v12 =	vmul.f32 v12, v7;
	v48 =	vld [tilespmem:s0+$0x11120];
	v52 =	vadd.f32 v59, v63;
	[tilespmem:s0+$0x5510] =	vst v47  }
0xfc: {  	v11 =	vmul.f32 v11, v8;
	v63 =	vmul.f32 v58, v8;
	v45 =	vadd.f32 v60, v45;
	v58 =	vld [tilespmem:s0+$0x10D50];
	[tilespmem:s0+$0x5500] =	vst v46  }
0xfd: {  	v42 =	vmul.f32 v42, v7;
	v62 =	vmul.f32 v57, v8;
	v59 =	vld [tilespmem:s0+$0x10D40];
	v39 =	vadd.f32 v61, v39;
	[tilespmem:s0+$0x5170] =	vst v52  }
0xfe: {  	v41 =	vmul.f32 v41, v7;
	v40 =	vmul.f32 v40, v7;
	v60 =	vld [tilespmem:s0+$0x10D30];
	v11 =	vadd.f32 v11, v12;
	[tilespmem:s0+$0x5160] =	vst v45  }
0xff: {  	v38 =	vmul.f32 v38, v7;
	v61 =	vld [tilespmem:s0+$0x10910];
	v44 =	vadd.f32 v62, v44;
	[tilespmem:s0+$0x5100] =	vst v39;
	v57 =	vmul.f32 v53, v8  }
0x100: {  	v37 =	vmul.f32 v37, v7;
	v49 =	vld [tilespmem:s0+$0x11110];
	v43 =	vadd.f32 v63, v43;
	[tilespmem:s0+$0x4140] =	vst v11;
	v46 =	vmul.f32 v56, v8  }
0x101: {  	v36 =	vmul.f32 v36, v7;
	v47 =	vld [tilespmem:s0+$0x10D70];
	[tilespmem:s0+$0x5150] =	vst v44;
	v48 =	vmul.f32 v48, v8;
	v42 =	vadd.f32 v57, v42  }
0x102: {  	v35 =	vmul.f32 v35, v7;
	v62 =	vld [tilespmem:s0+$0x10D20];
	[tilespmem:s0+$0x5140] =	vst v43;
	v54 =	vmul.f32 v58, v8;
	v37 =	vadd.f32 v46, v37  }
0x103: {  	v34 =	vmul.f32 v34, v7;
	v63 =	vld [tilespmem:s0+$0x10D10];
	v45 =	vmul.f32 v59, v8;
	v41 =	vadd.f32 v48, v41;
	[tilespmem:s0+$0x5130] =	vst v42  }
0x104: {  	v33 =	vmul.f32 v33, v7;
	v56 =	vld [tilespmem:s0+$0x10960];
	v44 =	vmul.f32 v60, v8;
	v36 =	vadd.f32 v54, v36;
	[tilespmem:s0+$0x4D60] =	vst v37  }
0x105: {  	v32 =	vmul.f32 v32, v7;
	v53 =	vld [tilespmem:s0+$0x10D00];
	v49 =	vmul.f32 v49, v8;
	v35 =	vadd.f32 v45, v35;
	[tilespmem:s0+$0x5120] =	vst v41  }
0x106: {  	v6 =	vmul.f32 v6, v7;
	v12 =	vld [tilespmem:s0+$0x5560];
	v47 =	vmul.f32 v47, v8;
	v34 =	vadd.f32 v44, v34;
	[tilespmem:s0+$0x4D50] =	vst v36  }
0x107: {  	v5 =	vmul.f32 v5, v8;
	v58 =	vld [tilespmem:s0+$0x10940];
	v43 =	vmul.f32 v62, v8;
	v40 =	vadd.f32 v49, v40;
	[tilespmem:s0+$0x4D40] =	vst v35  }
0x108: {  	v29 =	vmul.f32 v29, v7;
	v59 =	vld [tilespmem:s0+$0x10930];
	v42 =	vmul.f32 v63, v8;
	v38 =	vadd.f32 v47, v38;
	[tilespmem:s0+$0x4D30] =	vst v34  }
0x109: {  	v5 =	vadd.f32 v5, v6;
	v6 =	vld [tilespmem:s0+$0x4100];
	v39 =	vmul.f32 v56, v8;
	v33 =	vadd.f32 v43, v33;
	[tilespmem:s0+$0x5110] =	vst v40  }
0x10a: {  	v31 =	vmul.f32 v31, v7;
	v60 =	vld [tilespmem:s0+$0x10920];
	v41 =	vmul.f32 v53, v8;
	v32 =	vadd.f32 v42, v32;
	[tilespmem:s0+$0x4D70] =	vst v38  }
0x10b: {  	v24 =	vmul.f32 v24, v7;
	v57 =	vld [tilespmem:s0+$0x10950];
	v34 =	vmul.f32 v61, v8;
	v29 =	vadd.f32 v39, v29;
	[tilespmem:s0+$0x4D20] =	vst v33  }
0x10c: {  	v27 =	vmul.f32 v27, v7;
	v62 =	vld [tilespmem:s0+$0x10900];
	v37 =	vmul.f32 v58, v8;
	v31 =	vadd.f32 v41, v31;
	[tilespmem:s0+$0x4D10] =	vst v32  }
0x10d: {  	v26 =	vmul.f32 v26, v7;
	v63 =	vld [tilespmem:s0+$0x10570];
	v36 =	vmul.f32 v59, v8;
	v24 =	vadd.f32 v34, v24;
	[tilespmem:s0+$0x4960] =	vst v29  }
0x10e: {  	v30 =	vmul.f32 v30, v7;
	v40 =	vmul.f32 v55, v8;
	v27 =	vadd.f32 v37, v27;
	v29 =	vld [tilespmem:s0+$0x10540];
	[tilespmem:s0+$0x4D00] =	vst v31  }
0x10f: {  	v25 =	vmul.f32 v25, v7;
	v35 =	vmul.f32 v60, v8;
	v26 =	vadd.f32 v36, v26;
	v31 =	vld [tilespmem:s0+$0x10560];
	[tilespmem:s0+$0x4910] =	vst v24  }
0x110: {  	v28 =	vmul.f32 v28, v7;
	v38 =	vmul.f32 v57, v8;
	v30 =	vadd.f32 v40, v30;
	v24 =	vld [tilespmem:s0+$0x10170];
	[tilespmem:s0+$0x4940] =	vst v27  }
0x111: {  	v23 =	vmul.f32 v23, v7;
	v33 =	vmul.f32 v62, v8;
	v25 =	vadd.f32 v35, v25;
	v27 =	vld [tilespmem:s0+$0x10520];
	[tilespmem:s0+$0x4930] =	vst v26  }
0x112: {  	v22 =	vmul.f32 v22, v7;
	v32 =	vmul.f32 v63, v8;
	v28 =	vadd.f32 v38, v28;
	[tilespmem:s0+$0x4970] =	vst v30;
	v30 =	vld [tilespmem:s0+$0x10550]  }
0x113: {  	v19 =	vmul.f32 v19, v7;
	v23 =	vadd.f32 v33, v23;
	[tilespmem:s0+$0x4920] =	vst v25;
	v25 =	vld [tilespmem:s0+$0x10500];
	v29 =	vmul.f32 v29, v8  }
0x114: {  	v21 =	vmul.f32 v21, v7;
	v22 =	vadd.f32 v32, v22;
	[tilespmem:s0+$0x4950] =	vst v28;
	v28 =	vld [tilespmem:s0+$0x10530];
	v31 =	vmul.f32 v31, v8  }
0x115: {  	v14 =	vmul.f32 v14, v7;
	[tilespmem:s0+$0x4900] =	vst v23;
	v23 =	vld [tilespmem:s0+$0x10160];
	v24 =	vmul.f32 v24, v8;
	v19 =	vadd.f32 v29, v19  }
0x116: {  	v17 =	vmul.f32 v17, v7;
	v26 =	vld [tilespmem:s0+$0x10510];
	[tilespmem:s0+$0x4570] =	vst v22;
	v27 =	vmul.f32 v27, v8;
	v21 =	vadd.f32 v31, v21  }
0x117: {  	v20 =	vmul.f32 v20, v7;
	v22 =	vld [tilespmem:s0+$0x4150];
	v30 =	vmul.f32 v30, v8;
	v14 =	vadd.f32 v24, v14;
	[tilespmem:s0+$0x4540] =	vst v19  }
0x118: {  	v15 =	vmul.f32 v15, v7;
	v25 =	vmul.f32 v25, v8;
	v17 =	vadd.f32 v27, v17;
	v19 =	vld [tilespmem:s0+$0x11550];
	[tilespmem:s0+$0x4560] =	vst v21  }
0x119: {  	v18 =	vmul.f32 v18, v7;
	v28 =	vmul.f32 v28, v8;
	v20 =	vadd.f32 v30, v20;
	v21 =	vld [tilespmem:s0+$0x10150];
	[tilespmem:s0+$0x4170] =	vst v14  }
0x11a: {  	v13 =	vmul.f32 v13, v7;
	v23 =	vmul.f32 v23, v8;
	v15 =	vadd.f32 v25, v15;
	[tilespmem:s0+$0x4520] =	vst v17;
	v17 =	vld [tilespmem:s0+$0x5540]  }
0x11b: {  	v16 =	vmul.f32 v16, v7;
	v26 =	vmul.f32 v26, v8;
	v18 =	vadd.f32 v28, v18;
	[tilespmem:s0+$0x4550] =	vst v20;
	v20 =	vld [tilespmem:s0+$0x11540]  }
0x11c: {  	v10 =	vmul.f32 v10, v7;
	v9 =	vmul.f32 v9, v8;
	v13 =	vadd.f32 v23, v13;
	[tilespmem:s0+$0x4500] =	vst v15;
	v15 =	vld [tilespmem:s0+$0x5550]  }
0x11d: {  	v4 =	vmul.f32 v4, v7;
	v3 =	vmul.f32 v3, v8;
	v16 =	vadd.f32 v26, v16;
	[tilespmem:s0+$0x4530] =	vst v18;
	v18 =	vld [tilespmem:s0+$0x11560]  }
0x11e: {  	v9 =	vadd.f32 v9, v10;
	v10 =	vmul.f32 v22, v7;
	v14 =	vld [tilespmem:s0+$0x5570];
	[tilespmem:s0+$0x4160] =	vst v13;
	v13 =	vmul.f32 v21, v8  }
0x11f: {  	v3 =	vadd.f32 v3, v4;
	[tilespmem:s0+$0x4510] =	vst v16;
	v16 =	vld [tilespmem:s0+$0x11570]  }
0x120: {  	s30 =	simm.s32 $0x0;
	[tilespmem:s0+$0x4130] =	vst v9;
	v9 =	vld [tilespmem:s0+$0x10100];
	v11 =	vmul.f32 v17, v7;
	v17 =	vmul.f32 v20, v8;
	v4 =	vadd.f32 v13, v10  }
0x121: {  	s31 =	simm.s32 $0x80;
	s30 =	smul.u32 $0x1800, s30;
	[tilespmem:s0+$0x4120] =	vst v5;
	v5 =	vmul.f32 v15, v7;
	v10 =	vmul.f32 v19, v8  }
0x122: {  	s1 =	sand.u32 $0x380, s31;
	v11 =	vadd.f32 v17, v11;
	[tilespmem:s0+$0x4150] =	vst v4;
	v4 =	vmul.f32 v12, v7;
	v12 =	vmul.f32 v18, v8  }
0x123: {  	s30 =	sor.u32 s1, s30;
	[tilespmem:s0+$0x4110] =	vst v3;
	v5 =	vadd.f32 v10, v5  }
0x124: {  	v3 =	vld [tilespmem:s30+$0x4110];
	v10 =	vmul.f32 v14, v7;
	[tilespmem:s0+$0x5540] =	vst v11;
	v11 =	vmul.f32 v16, v8;
	v12 =	vadd.f32 v12, v4  }
0x125: {  	v7 =	vmul.f32 v6, v7;
	v8 =	vmul.f32 v9, v8;
	v4 =	vld [tilespmem:s30+$0x10110];
	[tilespmem:s0+$0x5550] =	vst v5  }
0x126: {  	v9 =	vadd.f32 v11, v10;
	v6 =	vld [tilespmem:s30+$0x4120];
	[tilespmem:s0+$0x5560] =	vst v12  }
0x127: {  	v7 =	vadd.f32 v8, v7;
	v5 =	vld [tilespmem:s30+$0x10120]  }
0x128: {  	v8 =	vld [tilespmem:s30+$0x4130];
	[tilespmem:s0+$0x5570] =	vst v9  }
0x129: {  	v18 =	vld [tilespmem:s30+$0x4530];
	[tilespmem:s0+$0x4100] =	vst v7  }
0x12a: {  	v7 =	vld [tilespmem:s30+$0x10130]  }
0x12b: {  	v10 =	vld [tilespmem:s30+$0x4140]  }
0x12c: {  	v9 =	vld [tilespmem:s30+$0x10140]  }
0x12d: {  	v12 =	vld [tilespmem:s30+$0x4150]  }
0x12e: {  	v11 =	vld [tilespmem:s30+$0x10150]  }
0x12f: {  	v13 =	vld [tilespmem:s30+$0x4160]  }
0x130: {  	v14 =	vld [tilespmem:s30+$0x4170]  }
0x131: {  	v15 =	vld [tilespmem:s30+$0x4500]  }
0x132: {  	v16 =	vld [tilespmem:s30+$0x4510]  }
0x133: {  	v17 =	vld [tilespmem:s30+$0x4520]  }
0x134: {  	v19 =	vld [tilespmem:s30+$0x4540]  }
0x135: {  	v20 =	vld [tilespmem:s30+$0x4550]  }
0x136: {  	v21 =	vld [tilespmem:s30+$0x4560]  }
0x137: {  	v22 =	vld [tilespmem:s30+$0x4570]  }
0x138: {  	v23 =	vld [tilespmem:s30+$0x4900]  }
0x139: {  	v24 =	vld [tilespmem:s30+$0x4910]  }
0x13a: {  	v25 =	vld [tilespmem:s30+$0x4920]  }
0x13b: {  	v26 =	vld [tilespmem:s30+$0x4930]  }
0x13c: {  	v27 =	vld [tilespmem:s30+$0x4940]  }
0x13d: {  	v28 =	vld [tilespmem:s30+$0x4950]  }
0x13e: {  	v29 =	vld [tilespmem:s30+$0x4960]  }
0x13f: {  	v30 =	vld [tilespmem:s30+$0x4970]  }
0x140: {  	v31 =	vld [tilespmem:s30+$0x4D00]  }
0x141: {  	v34 =	vld [tilespmem:s30+$0x4D10]  }
0x142: {  	v35 =	vld [tilespmem:s30+$0x4D20]  }
0x143: {  	v36 =	vld [tilespmem:s30+$0x4D30]  }
0x144: {  	v37 =	vld [tilespmem:s30+$0x4D40]  }
0x145: {  	v38 =	vld [tilespmem:s30+$0x4D50]  }
0x146: {  	v39 =	vld [tilespmem:s30+$0x4D60]  }
0x147: {  	v40 =	vld [tilespmem:s30+$0x4D70]  }
0x148: {  	v41 =	vld [tilespmem:s30+$0x5100]  }
0x149: {  	v42 =	vld [tilespmem:s30+$0x5110]  }
0x14a: {  	v43 =	vld [tilespmem:s30+$0x5120]  }
0x14b: {  	v44 =	vld [tilespmem:s30+$0x5130]  }
0x14c: {  	v45 =	vld [tilespmem:s30+$0x5140]  }
0x14d: {  	v46 =	vld [tilespmem:s30+$0x5150]  }
0x14e: {  	v47 =	vld [tilespmem:s30+$0x5160]  }
0x14f: {  	v48 =	vld [tilespmem:s30+$0x5500]  }
0x150: {  	v50 =	vld [tilespmem:s30+$0x5510]  }
0x151: {  	v49 =	vld [tilespmem:s30+$0x11510]  }
0x152: {  	s0 =	simm.s32 $0x2;
	v51 =	vld [tilespmem:s30+$0x11530]  }
.LBB2_2:
0x153: {  	p0 =	sne.s32 s0, $0x3F;
	v52 =	vld [tilespmem:s30+$0x5530]  }
0x154: {  	s28 =	sadd.s32 $0x80, s28;
	v53 =	vld [tilespmem:s30+$0x5520]  }
0x155: {  	s29 =	sadd.s32 $0x80, s29;
	v33 =	vld [tilespmem:s28+$0x0]  }
0x156: {  	v32 =	vld [tilespmem:s29+$0x0]  }
0x157: {  	v54 =	vld [tilespmem:s30+$0x11520]  }
0x158: {  	v55 =	vld [tilespmem:s30+$0x11500]  }
0x159: {  	v56 =	vld [tilespmem:s30+$0x5170]  }
0x15a: {  	v57 =	vld [tilespmem:s30+$0x11170];
	v50 =	vmul.f32 v50, v33;
	v53 =	vmul.f32 v53, v33  }
0x15b: {  	v52 =	vmul.f32 v52, v33;
	v58 =	vld [tilespmem:s30+$0x11160];
	v51 =	vmul.f32 v51, v32  }
0x15c: {  	v49 =	vmul.f32 v49, v32;
	v59 =	vld [tilespmem:s30+$0x11150];
	v54 =	vmul.f32 v54, v32  }
0x15d: {  	v48 =	vmul.f32 v48, v33;
	v60 =	vld [tilespmem:s30+$0x11140];
	v55 =	vmul.f32 v55, v32;
	v51 =	vadd.f32 v51, v52  }
0x15e: {  	v49 =	vadd.f32 v49, v50;
	v52 =	vld [tilespmem:s30+$0x11130];
	v56 =	vmul.f32 v56, v33;
	v50 =	vadd.f32 v54, v53  }
0x15f: {  	v47 =	vmul.f32 v47, v33;
	v53 =	vld [tilespmem:s30+$0x11120];
	v54 =	vmul.f32 v57, v32;
	v48 =	vadd.f32 v55, v48;
	[tilespmem:s30+$0x5530] =	vst v51  }
0x160: {  	v46 =	vmul.f32 v46, v33;
	v51 =	vld [tilespmem:s30+$0x11110];
	v55 =	vmul.f32 v58, v32;
	[tilespmem:s30+$0x5520] =	vst v50  }
0x161: {  	v45 =	vmul.f32 v45, v33;
	v50 =	vld [tilespmem:s30+$0x11100];
	v57 =	vmul.f32 v59, v32;
	v54 =	vadd.f32 v54, v56;
	[tilespmem:s30+$0x5510] =	vst v49  }
0x162: {  	v44 =	vmul.f32 v44, v33;
	v49 =	vld [tilespmem:s30+$0x10D70];
	v56 =	vmul.f32 v60, v32;
	v47 =	vadd.f32 v55, v47;
	[tilespmem:s30+$0x5500] =	vst v48  }
0x163: {  	v43 =	vmul.f32 v43, v33;
	v48 =	vld [tilespmem:s30+$0x10D60];
	v52 =	vmul.f32 v52, v32;
	v46 =	vadd.f32 v57, v46;
	[tilespmem:s30+$0x5170] =	vst v54  }
0x164: {  	v42 =	vmul.f32 v42, v33;
	v54 =	vld [tilespmem:s30+$0x10D50];
	v53 =	vmul.f32 v53, v32;
	v45 =	vadd.f32 v56, v45;
	[tilespmem:s30+$0x5160] =	vst v47  }
0x165: {  	v41 =	vmul.f32 v41, v33;
	v47 =	vld [tilespmem:s30+$0x10D40];
	v51 =	vmul.f32 v51, v32;
	v44 =	vadd.f32 v52, v44;
	[tilespmem:s30+$0x5150] =	vst v46  }
0x166: {  	v40 =	vmul.f32 v40, v33;
	v46 =	vld [tilespmem:s30+$0x10D30];
	v50 =	vmul.f32 v50, v32;
	v43 =	vadd.f32 v53, v43;
	[tilespmem:s30+$0x5140] =	vst v45  }
0x167: {  	v39 =	vmul.f32 v39, v33;
	v45 =	vld [tilespmem:s30+$0x10D20];
	v49 =	vmul.f32 v49, v32;
	v42 =	vadd.f32 v51, v42;
	[tilespmem:s30+$0x5130] =	vst v44  }
0x168: {  	v38 =	vmul.f32 v38, v33;
	v44 =	vld [tilespmem:s30+$0x10D10];
	v48 =	vmul.f32 v48, v32;
	v41 =	vadd.f32 v50, v41;
	[tilespmem:s30+$0x5120] =	vst v43  }
0x169: {  	v37 =	vmul.f32 v37, v33;
	v43 =	vld [tilespmem:s30+$0x10D00];
	v50 =	vmul.f32 v54, v32;
	v40 =	vadd.f32 v49, v40;
	[tilespmem:s30+$0x5110] =	vst v42  }
0x16a: {  	v36 =	vmul.f32 v36, v33;
	v42 =	vld [tilespmem:s30+$0x10970];
	v47 =	vmul.f32 v47, v32;
	v39 =	vadd.f32 v48, v39;
	[tilespmem:s30+$0x5100] =	vst v41  }
0x16b: {  	v35 =	vmul.f32 v35, v33;
	v41 =	vld [tilespmem:s30+$0x10960];
	v46 =	vmul.f32 v46, v32;
	v38 =	vadd.f32 v50, v38;
	[tilespmem:s30+$0x4D70] =	vst v40  }
0x16c: {  	v34 =	vmul.f32 v34, v33;
	v40 =	vld [tilespmem:s30+$0x10950];
	v45 =	vmul.f32 v45, v32;
	v37 =	vadd.f32 v47, v37;
	[tilespmem:s30+$0x4D60] =	vst v39  }
0x16d: {  	v31 =	vmul.f32 v31, v33;
	v39 =	vld [tilespmem:s30+$0x10940];
	v44 =	vmul.f32 v44, v32;
	v36 =	vadd.f32 v46, v36;
	[tilespmem:s30+$0x4D50] =	vst v38  }
0x16e: {  	v30 =	vmul.f32 v30, v33;
	v38 =	vld [tilespmem:s30+$0x10930];
	v43 =	vmul.f32 v43, v32;
	v35 =	vadd.f32 v45, v35;
	[tilespmem:s30+$0x4D40] =	vst v37  }
0x16f: {  	v29 =	vmul.f32 v29, v33;
	v37 =	vld [tilespmem:s30+$0x10920];
	v42 =	vmul.f32 v42, v32;
	v34 =	vadd.f32 v44, v34;
	[tilespmem:s30+$0x4D30] =	vst v36  }
0x170: {  	v28 =	vmul.f32 v28, v33;
	v36 =	vld [tilespmem:s30+$0x10910];
	v41 =	vmul.f32 v41, v32;
	v31 =	vadd.f32 v43, v31;
	[tilespmem:s30+$0x4D20] =	vst v35  }
0x171: {  	v27 =	vmul.f32 v27, v33;
	v35 =	vld [tilespmem:s30+$0x10900];
	v40 =	vmul.f32 v40, v32;
	v30 =	vadd.f32 v42, v30;
	[tilespmem:s30+$0x4D10] =	vst v34  }
0x172: {  	v26 =	vmul.f32 v26, v33;
	v34 =	vld [tilespmem:s30+$0x10570];
	v39 =	vmul.f32 v39, v32;
	v29 =	vadd.f32 v41, v29;
	[tilespmem:s30+$0x4D00] =	vst v31  }
0x173: {  	v25 =	vmul.f32 v25, v33;
	v31 =	vld [tilespmem:s30+$0x10560];
	v38 =	vmul.f32 v38, v32;
	v28 =	vadd.f32 v40, v28;
	[tilespmem:s30+$0x4970] =	vst v30  }
0x174: {  	v24 =	vmul.f32 v24, v33;
	v30 =	vld [tilespmem:s30+$0x10550];
	v37 =	vmul.f32 v37, v32;
	v27 =	vadd.f32 v39, v27;
	[tilespmem:s30+$0x4960] =	vst v29  }
0x175: {  	v23 =	vmul.f32 v23, v33;
	v29 =	vld [tilespmem:s30+$0x10540];
	v36 =	vmul.f32 v36, v32;
	v26 =	vadd.f32 v38, v26;
	[tilespmem:s30+$0x4950] =	vst v28  }
0x176: {  	v22 =	vmul.f32 v22, v33;
	v28 =	vld [tilespmem:s30+$0x10530];
	v35 =	vmul.f32 v35, v32;
	v25 =	vadd.f32 v37, v25;
	[tilespmem:s30+$0x4940] =	vst v27  }
0x177: {  	v21 =	vmul.f32 v21, v33;
	v27 =	vld [tilespmem:s30+$0x10520];
	v34 =	vmul.f32 v34, v32;
	v24 =	vadd.f32 v36, v24;
	[tilespmem:s30+$0x4930] =	vst v26  }
0x178: {  	v20 =	vmul.f32 v20, v33;
	v26 =	vld [tilespmem:s30+$0x10510];
	v31 =	vmul.f32 v31, v32;
	v23 =	vadd.f32 v35, v23;
	[tilespmem:s30+$0x4920] =	vst v25  }
0x179: {  	v19 =	vmul.f32 v19, v33;
	v25 =	vld [tilespmem:s30+$0x10500];
	v30 =	vmul.f32 v30, v32;
	v22 =	vadd.f32 v34, v22;
	[tilespmem:s30+$0x4910] =	vst v24  }
0x17a: {  	v18 =	vmul.f32 v18, v33;
	v24 =	vld [tilespmem:s30+$0x10170];
	v29 =	vmul.f32 v29, v32;
	v21 =	vadd.f32 v31, v21;
	[tilespmem:s30+$0x4900] =	vst v23  }
0x17b: {  	v17 =	vmul.f32 v17, v33;
	v23 =	vld [tilespmem:s30+$0x10160];
	v28 =	vmul.f32 v28, v32;
	v20 =	vadd.f32 v30, v20;
	[tilespmem:s30+$0x4570] =	vst v22  }
0x17c: {  	v16 =	vmul.f32 v16, v33;
	v22 =	vmul.f32 v27, v32;
	v19 =	vadd.f32 v29, v19;
	[tilespmem:s30+$0x4560] =	vst v21;
	v21 =	vld [tilespmem:s30+$0x11540]  }
0x17d: {  	v15 =	vmul.f32 v15, v33;
	v26 =	vmul.f32 v26, v32;
	v18 =	vadd.f32 v28, v18;
	[tilespmem:s30+$0x4550] =	vst v20;
	v20 =	vld [tilespmem:s30+$0x11550]  }
0x17e: {  	v14 =	vmul.f32 v14, v33;
	v25 =	vmul.f32 v25, v32;
	v17 =	vadd.f32 v22, v17;
	[tilespmem:s30+$0x4540] =	vst v19;
	v19 =	vld [tilespmem:s30+$0x11560]  }
0x17f: {  	v13 =	vmul.f32 v13, v33;
	v22 =	vmul.f32 v24, v32;
	v16 =	vadd.f32 v26, v16;
	[tilespmem:s30+$0x4530] =	vst v18;
	v18 =	vld [tilespmem:s30+$0x11570]  }
0x180: {  	v12 =	vmul.f32 v12, v33;
	v23 =	vmul.f32 v23, v32;
	v15 =	vadd.f32 v25, v15;
	[tilespmem:s30+$0x4520] =	vst v17;
	v17 =	vld [tilespmem:s30+$0x5540]  }
0x181: {  	v10 =	vmul.f32 v10, v33;
	v11 =	vmul.f32 v11, v32;
	v14 =	vadd.f32 v22, v14;
	[tilespmem:s30+$0x4510] =	vst v16;
	v16 =	vld [tilespmem:s30+$0x5550]  }
0x182: {  	v8 =	vmul.f32 v8, v33;
	v9 =	vmul.f32 v9, v32;
	v13 =	vadd.f32 v23, v13;
	[tilespmem:s30+$0x4500] =	vst v15;
	v15 =	vld [tilespmem:s30+$0x5560]  }
0x183: {  	v6 =	vmul.f32 v6, v33;
	v7 =	vmul.f32 v7, v32;
	v11 =	vadd.f32 v11, v12;
	[tilespmem:s30+$0x4170] =	vst v14;
	v12 =	vld [tilespmem:s30+$0x5570]  }
0x184: {  	v3 =	vmul.f32 v3, v33;
	v5 =	vmul.f32 v5, v32;
	v9 =	vadd.f32 v9, v10;
	v14 =	vld [tilespmem:s30+$0x4100];
	[tilespmem:s30+$0x4160] =	vst v13  }
0x185: {  	v4 =	vmul.f32 v4, v32;
	v7 =	vadd.f32 v7, v8;
	v10 =	vld [tilespmem:s30+$0x10100];
	[tilespmem:s30+$0x4150] =	vst v11;
	v8 =	vmul.f32 v17, v33  }
0x186: {  	s1 =	sshrl.u32 s0, $0x3;
	v5 =	vadd.f32 v5, v6;
	v6 =	vmul.f32 v21, v32;
	[tilespmem:s30+$0x4140] =	vst v9;
	v9 =	vmul.f32 v16, v33  }
0x187: {  	s31 =	sadd.s32 $0x80, s31;
	s1 =	smul.u32 $0x1800, s1;
	v3 =	vadd.f32 v4, v3;
	v4 =	vmul.f32 v20, v32;
	[tilespmem:s30+$0x4130] =	vst v7;
	v7 =	vmul.f32 v15, v33  }
0x188: {  	s13 =	sand.u32 $0x380, s31;
	[tilespmem:s30+$0x4120] =	vst v5;
	v5 =	vadd.f32 v6, v8;
	v6 =	vmul.f32 v19, v32;
	v8 =	vmul.f32 v12, v33  }
0x189: {  	s1 =	sor.u32 s13, s1;
	v9 =	vadd.f32 v4, v9;
	v12 =	vmul.f32 v18, v32;
	v11 =	vmul.f32 v14, v33;
	[tilespmem:s30+$0x4110] =	vst v3  }
0x18a: {  	v3 =	vld [tilespmem:s1+$0x4110];
	v10 =	vmul.f32 v10, v32;
	[tilespmem:s30+$0x5540] =	vst v5;
	v5 =	vadd.f32 v6, v7  }
0x18b: {  	v7 =	vadd.f32 v12, v8;
	v4 =	vld [tilespmem:s1+$0x10110];
	[tilespmem:s30+$0x5550] =	vst v9  }
0x18c: {  	v6 =	vld [tilespmem:s1+$0x4120];
	v9 =	vadd.f32 v10, v11;
	[tilespmem:s30+$0x5560] =	vst v5  }
0x18d: {  	v5 =	vld [tilespmem:s1+$0x10120];
	[tilespmem:s30+$0x5570] =	vst v7  }
0x18e: {  	v8 =	vld [tilespmem:s1+$0x4130];
	[tilespmem:s30+$0x4100] =	vst v9;
	s30 =	smov.u32 s1  }
0x18f: {  	v7 =	vld [tilespmem:s30+$0x10130]  }
0x190: {  	v10 =	vld [tilespmem:s30+$0x4140]  }
0x191: {  	v9 =	vld [tilespmem:s30+$0x10140]  }
0x192: {  	v12 =	vld [tilespmem:s30+$0x4150]  }
0x193: {  	v11 =	vld [tilespmem:s30+$0x10150]  }
0x194: {  	v13 =	vld [tilespmem:s30+$0x4160]  }
0x195: {  	v14 =	vld [tilespmem:s30+$0x4170]  }
0x196: {  	v15 =	vld [tilespmem:s30+$0x4500]  }
0x197: {  	v16 =	vld [tilespmem:s30+$0x4510]  }
0x198: {  	v17 =	vld [tilespmem:s30+$0x4520]  }
0x199: {  	v18 =	vld [tilespmem:s30+$0x4530]  }
0x19a: {  	v19 =	vld [tilespmem:s30+$0x4540]  }
0x19b: {  	v20 =	vld [tilespmem:s30+$0x4550]  }
0x19c: {  	v21 =	vld [tilespmem:s30+$0x4560]  }
0x19d: {  	v22 =	vld [tilespmem:s30+$0x4570]  }
0x19e: {  	v23 =	vld [tilespmem:s30+$0x4900]  }
0x19f: {  	v24 =	vld [tilespmem:s30+$0x4910]  }
0x1a0: {  	v25 =	vld [tilespmem:s30+$0x4920]  }
0x1a1: {  	v26 =	vld [tilespmem:s30+$0x4930]  }
0x1a2: {  	v27 =	vld [tilespmem:s30+$0x4940]  }
0x1a3: {  	v28 =	vld [tilespmem:s30+$0x4950]  }
0x1a4: {  	v29 =	vld [tilespmem:s30+$0x4960]  }
0x1a5: {  	v30 =	vld [tilespmem:s30+$0x4970]  }
0x1a6: {  	v31 =	vld [tilespmem:s30+$0x4D00]  }
0x1a7: {  	v34 =	vld [tilespmem:s30+$0x4D10]  }
0x1a8: {  	v35 =	vld [tilespmem:s30+$0x4D20]  }
0x1a9: {  	v36 =	vld [tilespmem:s30+$0x4D30]  }
0x1aa: {  	v37 =	vld [tilespmem:s30+$0x4D40]  }
0x1ab: {  	v38 =	vld [tilespmem:s30+$0x4D50]  }
0x1ac: {  	v39 =	vld [tilespmem:s30+$0x4D60]  }
0x1ad: {  	v40 =	vld [tilespmem:s30+$0x4D70]  }
0x1ae: {  	v41 =	vld [tilespmem:s30+$0x5100]  }
0x1af: {  	v42 =	vld [tilespmem:s30+$0x5110]  }
0x1b0: {  	v43 =	vld [tilespmem:s30+$0x5120]  }
0x1b1: {  	v44 =	vld [tilespmem:s30+$0x5130]  }
0x1b2: {  	v45 =	vld [tilespmem:s30+$0x5140]  }
0x1b3: {  	v46 =	vld [tilespmem:s30+$0x5150]  }
.Ltmp0:
0x1b4: {  	v47 =	vld [tilespmem:s30+$0x5160];
	(pc) =	sbr.rel @p0 .LBB2_2-.Ltmp0, $4  }
0x1b5: {  	v48 =	vld [tilespmem:s30+$0x5500]  }
0x1b6: {  	v50 =	vld [tilespmem:s30+$0x5510]  }
0x1b7: {  	v49 =	vld [tilespmem:s30+$0x11510]  }
0x1b8: {  	s0 =	sadd.s32 $0x1, s0;
	v51 =	vld [tilespmem:s30+$0x11530]  }
0x1b9: {  	v52 =	vld [tilespmem:s30+$0x5530]  }
0x1ba: {  	v53 =	vld [tilespmem:s30+$0x5520];
	s0 =	sadd.s32 $0x80, s28  }
0x1bb: {  	s31 =	sadd.s32 $0x80, s29;
	v32 =	vld [tilespmem:s0+$0x0]  }
0x1bc: {  	v33 =	vld [tilespmem:s31+$0x0]  }
0x1bd: {  	v54 =	vld [tilespmem:s30+$0x11520];
	_ =	sdelay $0x1  }
0x1be: {  	v55 =	vld [tilespmem:s30+$0x11500]  }
0x1bf: {  	v56 =	vld [tilespmem:s30+$0x5170]  }
0x1c0: {  	v58 =	vld [tilespmem:s30+$0x11160];
	v52 =	vmul.f32 v52, v32;
	v51 =	vmul.f32 v51, v33  }
0x1c1: {  	v57 =	vld [tilespmem:s30+$0x11170];
	v53 =	vmul.f32 v53, v32;
	v54 =	vmul.f32 v54, v33  }
0x1c2: {  	v59 =	vld [tilespmem:s30+$0x11150];
	v50 =	vmul.f32 v50, v32;
	v49 =	vmul.f32 v49, v33  }
0x1c3: {  	v60 =	vld [tilespmem:s30+$0x11140];
	v48 =	vmul.f32 v48, v32;
	v62 =	vmul.f32 v55, v33;
	v51 =	vadd.f32 v51, v52  }
0x1c4: {  	v61 =	vld [tilespmem:s30+$0x11120];
	v63 =	vmul.f32 v56, v32;
	v47 =	vmul.f32 v47, v32;
	v53 =	vadd.f32 v54, v53  }
0x1c5: {  	v58 =	vmul.f32 v58, v33;
	v55 =	vld [tilespmem:s30+$0x10560];
	v12 =	vmul.f32 v12, v32;
	v49 =	vadd.f32 v49, v50;
	[tilespmem:s30+$0x5530] =	vst v51  }
0x1c6: {  	v56 =	vld [tilespmem:s30+$0x10550];
	v11 =	vmul.f32 v11, v33;
	v10 =	vmul.f32 v10, v32;
	v48 =	vadd.f32 v62, v48;
	[tilespmem:s30+$0x5520] =	vst v53  }
0x1c7: {  	v9 =	vmul.f32 v9, v33;
	v8 =	vmul.f32 v8, v32;
	v52 =	vld [tilespmem:s30+$0x11130];
	v47 =	vadd.f32 v58, v47;
	[tilespmem:s30+$0x5510] =	vst v49  }
0x1c8: {  	v7 =	vmul.f32 v7, v33;
	v6 =	vmul.f32 v6, v32;
	v50 =	vld [tilespmem:s30+$0x11100];
	v11 =	vadd.f32 v11, v12;
	[tilespmem:s30+$0x5500] =	vst v48  }
0x1c9: {  	v5 =	vmul.f32 v5, v33;
	v3 =	vmul.f32 v3, v32;
	v58 =	vld [tilespmem:s30+$0x10D20];
	v9 =	vadd.f32 v9, v10;
	[tilespmem:s30+$0x5160] =	vst v47  }
0x1ca: {  	v4 =	vmul.f32 v4, v33;
	v62 =	vmul.f32 v59, v33;
	v59 =	vld [tilespmem:s30+$0x10D10];
	v7 =	vadd.f32 v7, v8;
	[tilespmem:s30+$0x4150] =	vst v11  }
0x1cb: {  	v57 =	vmul.f32 v57, v33;
	v54 =	vld [tilespmem:s30+$0x10570];
	v5 =	vadd.f32 v5, v6;
	[tilespmem:s30+$0x4140] =	vst v9  }
0x1cc: {  	v46 =	vmul.f32 v46, v32;
	v3 =	vadd.f32 v4, v3;
	v51 =	vld [tilespmem:s30+$0x11110];
	[tilespmem:s30+$0x4130] =	vst v7  }
0x1cd: {  	v45 =	vmul.f32 v45, v32;
	v49 =	vld [tilespmem:s30+$0x10D70];
	v53 =	vadd.f32 v57, v63;
	v63 =	vmul.f32 v60, v33;
	[tilespmem:s30+$0x4120] =	vst v5  }
0x1ce: {  	v43 =	vmul.f32 v43, v32;
	v48 =	vld [tilespmem:s30+$0x10D60];
	v46 =	vadd.f32 v62, v46;
	v57 =	vmul.f32 v61, v33;
	[tilespmem:s30+$0x4110] =	vst v3  }
0x1cf: {  	v44 =	vmul.f32 v44, v32;
	v47 =	vld [tilespmem:s30+$0x10D40];
	[tilespmem:s30+$0x5170] =	vst v53;
	v45 =	vadd.f32 v63, v45;
	v52 =	vmul.f32 v52, v33  }
0x1d0: {  	v41 =	vmul.f32 v41, v32;
	v60 =	vld [tilespmem:s30+$0x10D00];
	[tilespmem:s30+$0x5150] =	vst v46;
	v43 =	vadd.f32 v57, v43;
	v50 =	vmul.f32 v50, v33  }
0x1d1: {  	v35 =	vmul.f32 v35, v32;
	v61 =	vld [tilespmem:s30+$0x10970];
	[tilespmem:s30+$0x5140] =	vst v45;
	v45 =	vmul.f32 v58, v33;
	v44 =	vadd.f32 v52, v44  }
0x1d2: {  	v42 =	vmul.f32 v42, v32;
	v53 =	vld [tilespmem:s30+$0x10D50];
	[tilespmem:s30+$0x5120] =	vst v43;
	v51 =	vmul.f32 v51, v33;
	v41 =	vadd.f32 v50, v41  }
0x1d3: {  	v40 =	vmul.f32 v40, v32;
	v46 =	vld [tilespmem:s30+$0x10D30];
	v49 =	vmul.f32 v49, v33;
	v35 =	vadd.f32 v45, v35;
	[tilespmem:s30+$0x5130] =	vst v44  }
0x1d4: {  	v39 =	vmul.f32 v39, v32;
	v62 =	vld [tilespmem:s30+$0x10960];
	v48 =	vmul.f32 v48, v33;
	v42 =	vadd.f32 v51, v42;
	[tilespmem:s30+$0x5100] =	vst v41  }
0x1d5: {  	v37 =	vmul.f32 v37, v32;
	v57 =	vld [tilespmem:s30+$0x10540];
	v47 =	vmul.f32 v47, v33;
	v40 =	vadd.f32 v49, v40;
	[tilespmem:s30+$0x4D20] =	vst v35  }
0x1d6: {  	v31 =	vmul.f32 v31, v32;
	v58 =	vld [tilespmem:s30+$0x10530];
	v43 =	vmul.f32 v60, v33;
	v39 =	vadd.f32 v48, v39;
	[tilespmem:s30+$0x5110] =	vst v42  }
0x1d7: {  	v38 =	vmul.f32 v38, v32;
	v50 =	vld [tilespmem:s30+$0x10930];
	v63 =	vmul.f32 v53, v33;
	v37 =	vadd.f32 v47, v37;
	[tilespmem:s30+$0x4D70] =	vst v40  }
0x1d8: {  	v36 =	vmul.f32 v36, v32;
	v60 =	vld [tilespmem:s30+$0x10510];
	v46 =	vmul.f32 v46, v33;
	v31 =	vadd.f32 v43, v31;
	[tilespmem:s30+$0x4D60] =	vst v39  }
0x1d9: {  	v34 =	vmul.f32 v34, v32;
	v52 =	vld [tilespmem:s30+$0x10910];
	v44 =	vmul.f32 v59, v33;
	v38 =	vadd.f32 v63, v38;
	[tilespmem:s30+$0x4D40] =	vst v37  }
0x1da: {  	v29 =	vmul.f32 v29, v32;
	v45 =	vld [tilespmem:s30+$0x5540];
	v41 =	vmul.f32 v62, v33;
	v36 =	vadd.f32 v46, v36;
	[tilespmem:s30+$0x4D00] =	vst v31  }
0x1db: {  	v21 =	vmul.f32 v21, v32;
	v48 =	vld [tilespmem:s30+$0x10950];
	v62 =	vmul.f32 v55, v33;
	v34 =	vadd.f32 v44, v34;
	[tilespmem:s30+$0x4D50] =	vst v38  }
0x1dc: {  	v30 =	vmul.f32 v30, v32;
	v49 =	vld [tilespmem:s30+$0x10940];
	v42 =	vmul.f32 v61, v33;
	v29 =	vadd.f32 v41, v29;
	[tilespmem:s30+$0x4D30] =	vst v36  }
0x1dd: {  	v16 =	vmul.f32 v16, v32;
	v51 =	vld [tilespmem:s30+$0x10920];
	v21 =	vadd.f32 v62, v21;
	v41 =	vmul.f32 v60, v33;
	[tilespmem:s30+$0x4D10] =	vst v34  }
0x1de: {  	v26 =	vmul.f32 v26, v32;
	v53 =	vld [tilespmem:s30+$0x10900];
	v30 =	vadd.f32 v42, v30;
	[tilespmem:s30+$0x4960] =	vst v29;
	v38 =	vmul.f32 v50, v33  }
0x1df: {  	v24 =	vmul.f32 v24, v32;
	v59 =	vld [tilespmem:s30+$0x10520];
	v36 =	vmul.f32 v52, v33;
	[tilespmem:s30+$0x4560] =	vst v21;
	v16 =	vadd.f32 v41, v16  }
0x1e0: {  	v22 =	vmul.f32 v22, v32;
	v43 =	vld [tilespmem:s30+$0x11570];
	v34 =	vmul.f32 v54, v33;
	[tilespmem:s30+$0x4970] =	vst v30;
	v26 =	vadd.f32 v38, v26  }
0x1e1: {  	v28 =	vmul.f32 v28, v32;
	v61 =	vld [tilespmem:s30+$0x10500];
	v40 =	vmul.f32 v48, v33;
	v24 =	vadd.f32 v36, v24;
	[tilespmem:s30+$0x4510] =	vst v16  }
0x1e2: {  	v27 =	vmul.f32 v27, v32;
	v63 =	vld [tilespmem:s30+$0x10170];
	v39 =	vmul.f32 v49, v33;
	v22 =	vadd.f32 v34, v22;
	[tilespmem:s30+$0x4930] =	vst v26  }
0x1e3: {  	v25 =	vmul.f32 v25, v32;
	v46 =	vld [tilespmem:s30+$0x5550];
	v37 =	vmul.f32 v51, v33;
	v28 =	vadd.f32 v40, v28;
	[tilespmem:s30+$0x4910] =	vst v24  }
0x1e4: {  	v23 =	vmul.f32 v23, v32;
	v50 =	vld [tilespmem:s30+$0x10100];
	v35 =	vmul.f32 v53, v33;
	v27 =	vadd.f32 v39, v27;
	[tilespmem:s30+$0x4570] =	vst v22  }
0x1e5: {  	v20 =	vmul.f32 v20, v32;
	v48 =	vld [tilespmem:s30+$0x5560];
	v30 =	vmul.f32 v56, v33;
	v25 =	vadd.f32 v37, v25;
	[tilespmem:s30+$0x4950] =	vst v28  }
0x1e6: {  	v19 =	vmul.f32 v19, v32;
	v51 =	vld [tilespmem:s30+$0x4100];
	v23 =	vadd.f32 v35, v23;
	v35 =	vmul.f32 v57, v33;
	[tilespmem:s30+$0x4940] =	vst v27  }
0x1e7: {  	v18 =	vmul.f32 v18, v32;
	v34 =	vld [tilespmem:s30+$0x10160];
	v37 =	vmul.f32 v58, v33;
	v20 =	vadd.f32 v30, v20;
	[tilespmem:s30+$0x4920] =	vst v25  }
0x1e8: {  	v17 =	vmul.f32 v17, v32;
	v36 =	vld [tilespmem:s30+$0x11540];
	v39 =	vmul.f32 v59, v33;
	[tilespmem:s30+$0x4900] =	vst v23;
	v19 =	vadd.f32 v35, v19  }
0x1e9: {  	v15 =	vmul.f32 v15, v32;
	v38 =	vld [tilespmem:s30+$0x11550];
	v42 =	vmul.f32 v61, v33;
	v18 =	vadd.f32 v37, v18;
	[tilespmem:s30+$0x4550] =	vst v20  }
0x1ea: {  	v14 =	vmul.f32 v14, v32;
	v40 =	vld [tilespmem:s30+$0x11560];
	v44 =	vmul.f32 v63, v33;
	v17 =	vadd.f32 v39, v17;
	[tilespmem:s30+$0x4540] =	vst v19  }
0x1eb: {  	v49 =	vld [tilespmem:s30+$0x5570];
	v15 =	vadd.f32 v42, v15;
	v10 =	vmul.f32 v50, v33;
	v61 =	vmul.f32 v51, v32;
	[tilespmem:s30+$0x4530] =	vst v18  }
0x1ec: {  	v13 =	vmul.f32 v13, v32;
	v14 =	vadd.f32 v44, v14;
	[tilespmem:s30+$0x4520] =	vst v17;
	v47 =	vmul.f32 v34, v33  }
0x1ed: {  	v52 =	vmul.f32 v45, v32;
	[tilespmem:s30+$0x4500] =	vst v15;
	v53 =	vmul.f32 v36, v33;
	v63 =	vadd.f32 v10, v61  }
0x1ee: {  	v54 =	vmul.f32 v46, v32;
	[tilespmem:s30+$0x4170] =	vst v14;
	v55 =	vmul.f32 v38, v33;
	v13 =	vadd.f32 v47, v13  }
0x1ef: {  	v56 =	vmul.f32 v48, v32;
	v58 =	vmul.f32 v40, v33;
	v57 =	vadd.f32 v53, v52;
	[tilespmem:s30+$0x4100] =	vst v63  }
0x1f0: {  	v60 =	vmul.f32 v43, v33;
	v59 =	vmul.f32 v49, v32;
	v3 =	vadd.f32 v55, v54;
	[tilespmem:s30+$0x4160] =	vst v13  }
0x1f1: {  	v62 =	vadd.f32 v58, v56;
	[tilespmem:s30+$0x5540] =	vst v57  }
0x1f2: {  	s26 =	sadd.s32 $0x1, s26;
	[tilespmem:s30+$0x5550] =	vst v3;
	v3 =	vadd.f32 v60, v59  }
0x1f3: {  	p0 =	sne.s32 s26, s11;
	[tilespmem:s30+$0x5560] =	vst v62  }
.Ltmp1:
0x1f4: {  	[tilespmem:s30+$0x5570] =	vst v3;
	(pc) =	sbr.rel @p0 .LBB2_1-.Ltmp1, $4  }
0x1f5: {  	[hbm4b:s10+s2] =	stream.linear.scatter [tilespmem:s14], [sflag:$0x3], $0xC000, $0x38;
	[tilespmem:$0x1C100] =	vst v63  }
0x1f6: {  	_ =	swait.ge [sflag:s12], $0xC000  }
0x1f7: {  	[sflag:s12] =	ssyncset.done $0x0  }
0x1f8: {  	[sflag:s12] =	ssyncadd.s32 $0xFFFF4000  }
0x1f9: {  	_ =	sfence.sel $0x180000  }
0x1fa: {  	[bflag:$0x0] =	sbarrier.arrive $0xFFFF  }
0x1fb: {  	_ =	strace $0x9000004A  }
0x1fc: {  	s0 =	stileid.u32;
	[bflag:$0x2] =	sbarrier.arrive $0xFFFF  }
0x1fd: {  	p0 =	sne.s32 s0, $0x0;
	s0 =	rddreg [dreg:$0x2]  }
0x1fe: {  	s0 =	sadd.s32 @!p0 $0x100000, s0  }
0x1ff: {  	[sflag:s0] =	ssyncadd.tile.s32 @!p0 $0x1;
	_ =	shalt  }
.Lfunc_end2:
_tile_overlayer_lowered:
.L_overlay_start_2:
0x200: {  	(tag) =	ssettag $0x2  }
0x201: {  	s0 =	rddreg [dreg:$0x0];
	s2 =	stileid.u32  }
0x202: {  	s1 =	rddreg [dreg:$0x1];
	p0 =	sne.s32 s2, $0x0  }
0x203: {  	s3 =	rddreg [dreg:$0x2];
	[bflag:$0x3] =	sbarrier.arrive $0xFFFF;
	s2 =	simm.s32 @!p0 $0x1C03  }
0x204: {  	[timem:s3], [sflag:s2] =	dma.local @!p0 [hbm:s0], s1  }
0x205: {  	s0 =	simm.s32 @!p0 $0x3  }
0x206: {  	_ =	swait.ge @!p0 [sflag:s0], s1  }
0x207: {  	s1 =	ssub.s32 @!p0 $0x0, s1;
	[sflag:s0] =	ssyncset.done @!p0 $0x0  }
0x208: {  	[sflag:s0] =	ssyncadd.s32 @!p0 s1  }
0x209: {  	[bflag:$0x3] =	sbarrier.arrive $0xFFFF  }
0x20a: {  	_ =	shalt  }

</sc_bundles>
